<compile_context>
chip_gen: v7x
topology: tpu7x:2x2x1
jax: 0.10.2.dev20260603
libtpu: 0.0.44.dev20260713+nightly
codegen_flags: <defaults>
</compile_context>

<pallas_src>
import functools

import jax
import jax.numpy as jnp
import numpy as np
from jax import lax
from jax.experimental import pallas as pl
from jax.experimental.pallas import tpu as pltpu
from jax.experimental.pallas import tpu_sc as plsc

EMBED = 128
T = 4
LANES = 16
CHUNKS = EMBED // LANES
UNROLL = 4


@functools.lru_cache(maxsize=None)
def _poe_factors(ctx, emb):
    nlo = 64
    nhi = ctx // nlo
    j = np.arange(emb)
    w = 10000.0 ** (-(j - (j % 2)) / emb)
    even = (j % 2 == 0)
    ah = (np.arange(nhi)[:, None] * nlo) * w[None, :]
    al = np.arange(nlo)[:, None] * w[None, :]
    u = np.where(even, np.sin(ah), np.cos(ah))
    v = np.where(even, np.cos(ah), -np.sin(ah))
    cl = np.cos(al)
    sl = np.sin(al)
    f32 = lambda a: jnp.asarray(a.astype(np.float32))
    return f32(u), f32(v), f32(cl), f32(sl)


def _poe(ctx, emb):
    u, v, cl, sl = _poe_factors(ctx, emb)
    poe3 = u[:, None, :] * cl[None, :, :] + v[:, None, :] * sl[None, :, :]
    return poe3.reshape(ctx * emb)


def _rsqrt_newton(v):
    i = lax.bitcast_convert_type(v, jnp.int32)
    i = jnp.int32(0x5F3759DF) - lax.shift_right_logical(i, 1)
    y = lax.bitcast_convert_type(i, jnp.float32)
    y = y * (1.5 - 0.5 * v * y * y)
    return y


def _shuffle(v, k):
    iota = lax.iota(jnp.int32, LANES)
    dnums = lax.GatherDimensionNumbers(
        offset_dims=(), collapsed_slice_dims=(0,), start_index_map=(0,))
    idx = jnp.bitwise_xor(iota, k)
    return lax.gather(v, idx[:, None], dimension_numbers=dnums,
                      slice_sizes=(1,),
                      mode=lax.GatherScatterMode.PROMISE_IN_BOUNDS)


def _hsum(v):
    for k in (8, 4, 2, 1):
        v = v + _shuffle(v, k)
    return v


def _make_sc_kernel(seq, num_cores, rows_per_w):
    mesh = plsc.VectorSubcoreMesh(core_axis_name="c", subcore_axis_name="s")

    @functools.partial(
        pl.kernel,
        mesh=mesh,
        out_type=jax.ShapeDtypeStruct((T, seq, EMBED), jnp.float32),
        scratch_types=[
            pltpu.VMEM((rows_per_w,), jnp.int32),
            pltpu.VMEM((rows_per_w, EMBED), jnp.float32),
            pltpu.VMEM((rows_per_w * EMBED,), jnp.float32),
            pltpu.SemaphoreType.DMA,
            pltpu.SemaphoreType.DMA,
            pltpu.SemaphoreType.DMA,
            pltpu.SemaphoreType.DMA,
        ],
    )
    def sc_kernel(x_hbm, table_hbm, poe_hbm, out_hbm,
                  idx_v, rows_v, poe_v, sem_a, sem_b, sem_p, sem_o):
        wid = lax.axis_index("s") * num_cores + lax.axis_index("c")
        base = wid * rows_per_w
        half = rows_per_w // 2
        chunk = 32
        n_chunks = rows_per_w // chunk

        pltpu.sync_copy(x_hbm.at[pl.ds(base, rows_per_w)], idx_v)
        g_a = pltpu.async_copy(table_hbm.at[idx_v.at[pl.ds(0, half)]],
                               rows_v.at[pl.ds(0, half), :], sem_a)
        g_b = pltpu.async_copy(table_hbm.at[idx_v.at[pl.ds(half, half)]],
                               rows_v.at[pl.ds(half, half), :], sem_b)
        g_p = pltpu.async_copy(
            poe_hbm.at[pl.ds(base * EMBED, rows_per_w * EMBED)], poe_v, sem_p)

        def norm_rows(i, c0):
            outs = []
            for u in range(UNROLL):
                r = c0 + i * UNROLL + u
                xs = []
                for c in range(CHUNKS):
                    xs.append(rows_v[r, pl.ds(c * LANES, LANES)]
                              + poe_v[pl.ds(r * EMBED + c * LANES, LANES)])
                s = xs[0]
                q = xs[0] * xs[0]
                for c in range(1, CHUNKS):
                    s = s + xs[c]
                    q = q + xs[c] * xs[c]
                outs.append((r, xs, s, q))
            for r, xs, s, q in outs:
                mean = _hsum(s) * (1.0 / EMBED)
                var = _hsum(q) * (1.0 / EMBED) - mean * mean
                inv = _rsqrt_newton(var + 1e-5)
                for c in range(CHUNKS):
                    rows_v[r, pl.ds(c * LANES, LANES)] = (xs[c] - mean) * inv
            return c0

        g_p.wait()
        out_copies = []
        for c in range(n_chunks):
            if c == 0:
                g_a.wait()
            if c == n_chunks // 2:
                g_b.wait()
            lax.fori_loop(0, chunk // UNROLL, norm_rows, c * chunk)
            for t in range(T):
                out_copies.append(pltpu.async_copy(
                    rows_v.at[pl.ds(c * chunk, chunk), :],
                    out_hbm.at[t, pl.ds(base + c * chunk, chunk), :], sem_o))
        for d in out_copies:
            d.wait()

    return sc_kernel


def kernel(x, cur_pos, emb_table):
    seq = x.shape[0]
    info = plsc.get_sparse_core_info()
    n_workers = info.num_cores * info.num_subcores
    rows_per_w = seq // n_workers
    poe = _poe(seq, EMBED)
    sc = _make_sc_kernel(seq, info.num_cores, rows_per_w)
    return sc(x, emb_table, poe)

# --- scband reference (transcript-rebuilt; emitter-appended) ---
"""Pipeline reference for scband-encoding-layer-19894288515535 (READ-ONLY COPY).

The authoritative reference and input builder live on the scoring server;
editing this copy changes nothing except your own understanding.
"""

import jax, jax.numpy as jnp
import numpy as np

VOCAB = 100000
EMBED = 128
CTX = 2048
T = 4
SEQ = 2048


def make_poe(ctx, emb):
    i = jnp.arange(ctx, dtype=jnp.float32)[:, None]
    j = jnp.arange(emb)[None, :]
    even = (j % 2 == 0)
    exponent = jnp.where(even, j, j - 1).astype(jnp.float32) / emb
    ang = i / (10000.0 ** exponent)
    return jnp.where(even, jnp.sin(ang), jnp.cos(ang)).astype(jnp.float32)


def setup_inputs(seed: int = 0) -> dict:
    key = jax.random.key(seed)
    k1, k2 = jax.random.split(key)
    x = jax.random.randint(k1, (SEQ,), 0, VOCAB, dtype=jnp.int32)
    emb_table = jax.random.normal(k2, (VOCAB, EMBED), dtype=jnp.float32)
    return {"x": x, "cur_pos": SEQ, "emb_table": emb_table}


def reference(x, cur_pos, emb_table):
    # out = emb(x) : gather from embedding table
    S = x.shape[0]
    out = jnp.take(emb_table, x, axis=0)
    # add sinusoidal positional encoding (precomputed buffer in torch __init__)
    poe = make_poe(CTX, EMBED)
    out = out + poe[:S]
    # unsqueeze(0).repeat(T, 1, 1)
    out3 = jnp.broadcast_to(out[None, :, :], (T, S, EMBED))
    # fresh nn.BatchNorm1d(cur_pos) in training mode: input [N=T, C=S, L=EMBED],
    # normalize per channel (per sequence position) over (N, L); weight=1, bias=0
    mean = jnp.mean(out3, axis=(0, 2), keepdims=True)
    var = jnp.mean((out3 - mean) ** 2, axis=(0, 2), keepdims=True)
    out_bn = (out3 - mean) / jnp.sqrt(var + 1e-5)
    return out_bn

if __name__ == "__main__":
    import jax
    _d = setup_inputs()
    print(jax.jit(kernel)(*tuple(_d.values())))

</pallas_src>

<mosaic_0001>
#map = affine_map<(d0, d1) -> (0)>
#map1 = affine_map<(d0, d1) -> (0, 0)>
#map2 = affine_map<(d0, d1) -> (0, 0, 0)>
module attributes {stable_mosaic.version = 14 : i64} {
  func.func @sc_kernel(%arg0: i32, %arg1: i32, %arg2: memref<2048xi32, #tpu.memory_space<hbm>>, %arg3: memref<100000x128xf32, #tpu.memory_space<hbm>>, %arg4: memref<262144xf32, #tpu.memory_space<hbm>>, %arg5: memref<4x2048x128xf32, #tpu.memory_space<hbm>>, %arg6: memref<64xi32, #tpu.memory_space<vmem>>, %arg7: memref<64x128xf32, #tpu.memory_space<vmem>>, %arg8: memref<8192xf32, #tpu.memory_space<vmem>>, %arg9: memref<!tpu.dma_semaphore, #tpu.memory_space<semaphore_mem>>, %arg10: memref<!tpu.dma_semaphore, #tpu.memory_space<semaphore_mem>>, %arg11: memref<!tpu.dma_semaphore, #tpu.memory_space<semaphore_mem>>, %arg12: memref<!tpu.dma_semaphore, #tpu.memory_space<semaphore_mem>>) attributes {dimension_semantics = [#tpu.dimension_semantics<core_parallel>, #tpu.dimension_semantics<subcore_parallel>], iteration_bounds = array<i64: 2, 16>, scalar_prefetch = 0 : i64, scratch_operands = 7 : i64, tpu.core_type = #tpu.core_type<sc_vector_subcore>, window_params = [{transform_indices = #map}, {transform_indices = #map1}, {transform_indices = #map}, {transform_indices = #map2}]} {
    %mul3A = arith.constant 2 : i32
    %mul3A_0 = arith.muli %arg1, %mul3A : i32
    %add3A = arith.addi %mul3A_0, %arg0 : i32
    %mul3A_1 = arith.constant 64 : i32
    %mul3A_2 = arith.muli %add3A, %mul3A_1 : i32
    "tpu.region"() ({
      %run_scoped3A = tpu.sem_alloc : memref<!tpu.dma_semaphore, #tpu.memory_space<semaphore_mem>>
      %dma_start3A_274 = tpu.memref_slice %arg2[%mul3A_2] : memref<2048xi32, #tpu.memory_space<hbm>> -> memref<64xi32, #tpu.memory_space<hbm>>
      %dma_start3A_275 = tpu.memref_slice %arg2[%mul3A_2] : memref<2048xi32, #tpu.memory_space<hbm>> -> memref<64xi32, #tpu.memory_space<hbm>>
      tpu.enqueue_dma source(%dma_start3A_275 : memref<64xi32, #tpu.memory_space<hbm>>) target(%arg6 : memref<64xi32, #tpu.memory_space<vmem>>) target_semaphore(%run_scoped3A : memref<!tpu.dma_semaphore, #tpu.memory_space<semaphore_mem>>)
      %dma_wait3A_276 = tpu.memref_slice %arg2[%mul3A_2] : memref<2048xi32, #tpu.memory_space<hbm>> -> memref<64xi32, #tpu.memory_space<hbm>>
      %dma_wait3A_277 = tpu.memref_slice %arg2[%mul3A_2] : memref<2048xi32, #tpu.memory_space<hbm>> -> memref<64xi32, #tpu.memory_space<hbm>>
      tpu.wait_dma2 semaphore(%run_scoped3A : memref<!tpu.dma_semaphore, #tpu.memory_space<semaphore_mem>>) src(%dma_wait3A_277 : memref<64xi32, #tpu.memory_space<hbm>>) dst(%arg6 : memref<64xi32, #tpu.memory_space<vmem>>)
      tpu.yield
    }) : () -> ()
    %dma_start3A = arith.constant 0 : i32
    %dma_start3A_3 = arith.constant 0 : i32
    %dma_start3A_4 = tpu.memref_slice %arg7[%dma_start3A, %dma_start3A_3] : memref<64x128xf32, #tpu.memory_space<vmem>> -> memref<32x128xf32, #tpu.memory_space<vmem>>
    %dma_start3A_5 = arith.constant 0 : i32
    %dma_start3A_6 = tpu.memref_slice %arg6[%dma_start3A_5] : memref<64xi32, #tpu.memory_space<vmem>> -> memref<32xi32, #tpu.memory_space<vmem>>
    %dma_start3A_7 = arith.constant 0 : i32
    %dma_start3A_8 = arith.constant 0 : i32
    %dma_start3A_9 = tpu.memref_slice %arg3[%dma_start3A_7, %dma_start3A_8] : memref<100000x128xf32, #tpu.memory_space<hbm>> -> memref<100000x128xf32, #tpu.memory_space<hbm>>
    tpu.enqueue_indirect_dma source(%dma_start3A_9 : memref<100000x128xf32, #tpu.memory_space<hbm>>) target(%dma_start3A_4 : memref<32x128xf32, #tpu.memory_space<vmem>>) offsets(%dma_start3A_6 : memref<32xi32, #tpu.memory_space<vmem>>) semaphore(%arg9 : memref<!tpu.dma_semaphore, #tpu.memory_space<semaphore_mem>>)
    %dma_start3A_10 = arith.constant 32 : i32
    %dma_start3A_11 = arith.constant 0 : i32
    %dma_start3A_12 = tpu.memref_slice %arg7[%dma_start3A_10, %dma_start3A_11] : memref<64x128xf32, #tpu.memory_space<vmem>> -> memref<32x128xf32, #tpu.memory_space<vmem>>
    %dma_start3A_13 = arith.constant 32 : i32
    %dma_start3A_14 = tpu.memref_slice %arg6[%dma_start3A_13] : memref<64xi32, #tpu.memory_space<vmem>> -> memref<32xi32, #tpu.memory_space<vmem>>
    %dma_start3A_15 = arith.constant 0 : i32
    %dma_start3A_16 = arith.constant 0 : i32
    %dma_start3A_17 = tpu.memref_slice %arg3[%dma_start3A_15, %dma_start3A_16] : memref<100000x128xf32, #tpu.memory_space<hbm>> -> memref<100000x128xf32, #tpu.memory_space<hbm>>
    tpu.enqueue_indirect_dma source(%dma_start3A_17 : memref<100000x128xf32, #tpu.memory_space<hbm>>) target(%dma_start3A_12 : memref<32x128xf32, #tpu.memory_space<vmem>>) offsets(%dma_start3A_14 : memref<32xi32, #tpu.memory_space<vmem>>) semaphore(%arg10 : memref<!tpu.dma_semaphore, #tpu.memory_space<semaphore_mem>>)
    %mul3A_18 = arith.constant 128 : i32
    %mul3A_19 = arith.muli %mul3A_2, %mul3A_18 : i32
    %dma_start3A_20 = tpu.memref_slice %arg4[%mul3A_19] : memref<262144xf32, #tpu.memory_space<hbm>> -> memref<8192xf32, #tpu.memory_space<hbm>>
    %dma_start3A_21 = tpu.memref_slice %arg4[%mul3A_19] : memref<262144xf32, #tpu.memory_space<hbm>> -> memref<8192xf32, #tpu.memory_space<hbm>>
    tpu.enqueue_dma source(%dma_start3A_21 : memref<8192xf32, #tpu.memory_space<hbm>>) target(%arg8 : memref<8192xf32, #tpu.memory_space<vmem>>) target_semaphore(%arg11 : memref<!tpu.dma_semaphore, #tpu.memory_space<semaphore_mem>>)
    %dma_wait3A = tpu.memref_slice %arg4[%mul3A_19] : memref<262144xf32, #tpu.memory_space<hbm>> -> memref<8192xf32, #tpu.memory_space<hbm>>
    %dma_wait3A_22 = tpu.memref_slice %arg4[%mul3A_19] : memref<262144xf32, #tpu.memory_space<hbm>> -> memref<8192xf32, #tpu.memory_space<hbm>>
    tpu.wait_dma2 semaphore(%arg11 : memref<!tpu.dma_semaphore, #tpu.memory_space<semaphore_mem>>) src(%dma_wait3A_22 : memref<8192xf32, #tpu.memory_space<hbm>>) dst(%arg8 : memref<8192xf32, #tpu.memory_space<vmem>>)
    %dma_wait3A_23 = arith.constant 0 : i32
    %dma_wait3A_24 = arith.constant 0 : i32
    %dma_wait3A_25 = tpu.memref_slice %arg7[%dma_wait3A_23, %dma_wait3A_24] : memref<64x128xf32, #tpu.memory_space<vmem>> -> memref<32x128xf32, #tpu.memory_space<vmem>>
    %dma_wait3A_26 = arith.constant 0 : i32
    %dma_wait3A_27 = tpu.memref_slice %arg6[%dma_wait3A_26] : memref<64xi32, #tpu.memory_space<vmem>> -> memref<32xi32, #tpu.memory_space<vmem>>
    %dma_wait3A_28 = arith.constant 0 : i32
    %dma_wait3A_29 = arith.constant 0 : i32
    %dma_wait3A_30 = tpu.memref_slice %arg3[%dma_wait3A_28, %dma_wait3A_29] : memref<100000x128xf32, #tpu.memory_space<hbm>> -> memref<100000x128xf32, #tpu.memory_space<hbm>>
    tpu.wait_indirect_dma semaphore(%arg9 : memref<!tpu.dma_semaphore, #tpu.memory_space<semaphore_mem>>) src(%dma_wait3A_30 : memref<100000x128xf32, #tpu.memory_space<hbm>>) dst(%dma_wait3A_25 : memref<32x128xf32, #tpu.memory_space<vmem>>)
    %scan3A = arith.constant 0 : i32
    %scan3A_31 = arith.constant 0 : i32
    %scan3A_32 = arith.constant 8 : i32
    %scan3A_33 = arith.addi %scan3A_31, %scan3A_32 : i32
    %scan3A_34 = arith.constant 1 : i32
    scf.for %scan3A_274 = %scan3A_31 to %scan3A_33 step %scan3A_34  : i32 {
      %mul3A_275 = arith.constant 4 : i32
      %mul3A_276 = arith.muli %scan3A_274, %mul3A_275 : i32
      %add3A_277 = arith.addi %scan3A, %mul3A_276 : i32
      %add3A_278 = arith.constant 0 : i32
      %add3A_279 = arith.addi %add3A_277, %add3A_278 : i32
      %get3A = arith.index_cast %add3A_279 : i32 to index
      %get3A_280 = arith.constant 0 : index
      %get3A_281 = tpu.vector_load %arg7[%get3A, %get3A_280] {strides = array<i32>} : memref<64x128xf32, #tpu.memory_space<vmem>>, vector<1x16xf32>,
      %get3A_282 = vector.shape_cast %get3A_281 : vector<1x16xf32> to vector<16xf32>
      %mul3A_283 = arith.constant 128 : i32
      %mul3A_284 = arith.muli %add3A_279, %mul3A_283 : i32
      %add3A_285 = arith.constant 0 : i32
      %add3A_286 = arith.addi %mul3A_284, %add3A_285 : i32
      %get3A_287 = arith.index_cast %add3A_286 : i32 to index
      %get3A_288 = tpu.vector_load %arg8[%get3A_287] {strides = array<i32>} : memref<8192xf32, #tpu.memory_space<vmem>>, vector<16xf32>,
      %get3A_289 = vector.shape_cast %get3A_288 : vector<16xf32> to vector<16xf32>
      %add3A_290 = arith.addf %get3A_282, %get3A_289 : vector<16xf32>
      %get3A_291 = arith.index_cast %add3A_279 : i32 to index
      %get3A_292 = arith.constant 16 : index
      %get3A_293 = tpu.vector_load %arg7[%get3A_291, %get3A_292] {strides = array<i32>} : memref<64x128xf32, #tpu.memory_space<vmem>>, vector<1x16xf32>,
      %get3A_294 = vector.shape_cast %get3A_293 : vector<1x16xf32> to vector<16xf32>
      %mul3A_295 = arith.constant 128 : i32
      %mul3A_296 = arith.muli %add3A_279, %mul3A_295 : i32
      %add3A_297 = arith.constant 16 : i32
      %add3A_298 = arith.addi %mul3A_296, %add3A_297 : i32
      %get3A_299 = arith.index_cast %add3A_298 : i32 to index
      %get3A_300 = tpu.vector_load %arg8[%get3A_299] {strides = array<i32>} : memref<8192xf32, #tpu.memory_space<vmem>>, vector<16xf32>,
      %get3A_301 = vector.shape_cast %get3A_300 : vector<16xf32> to vector<16xf32>
      %add3A_302 = arith.addf %get3A_294, %get3A_301 : vector<16xf32>
      %get3A_303 = arith.index_cast %add3A_279 : i32 to index
      %get3A_304 = arith.constant 32 : index
      %get3A_305 = tpu.vector_load %arg7[%get3A_303, %get3A_304] {strides = array<i32>} : memref<64x128xf32, #tpu.memory_space<vmem>>, vector<1x16xf32>,
      %get3A_306 = vector.shape_cast %get3A_305 : vector<1x16xf32> to vector<16xf32>
      %mul3A_307 = arith.constant 128 : i32
      %mul3A_308 = arith.muli %add3A_279, %mul3A_307 : i32
      %add3A_309 = arith.constant 32 : i32
      %add3A_310 = arith.addi %mul3A_308, %add3A_309 : i32
      %get3A_311 = arith.index_cast %add3A_310 : i32 to index
      %get3A_312 = tpu.vector_load %arg8[%get3A_311] {strides = array<i32>} : memref<8192xf32, #tpu.memory_space<vmem>>, vector<16xf32>,
      %get3A_313 = vector.shape_cast %get3A_312 : vector<16xf32> to vector<16xf32>
      %add3A_314 = arith.addf %get3A_306, %get3A_313 : vector<16xf32>
      %get3A_315 = arith.index_cast %add3A_279 : i32 to index
      %get3A_316 = arith.constant 48 : index
      %get3A_317 = tpu.vector_load %arg7[%get3A_315, %get3A_316] {strides = array<i32>} : memref<64x128xf32, #tpu.memory_space<vmem>>, vector<1x16xf32>,
      %get3A_318 = vector.shape_cast %get3A_317 : vector<1x16xf32> to vector<16xf32>
      %mul3A_319 = arith.constant 128 : i32
      %mul3A_320 = arith.muli %add3A_279, %mul3A_319 : i32
      %add3A_321 = arith.constant 48 : i32
      %add3A_322 = arith.addi %mul3A_320, %add3A_321 : i32
      %get3A_323 = arith.index_cast %add3A_322 : i32 to index
      %get3A_324 = tpu.vector_load %arg8[%get3A_323] {strides = array<i32>} : memref<8192xf32, #tpu.memory_space<vmem>>, vector<16xf32>,
      %get3A_325 = vector.shape_cast %get3A_324 : vector<16xf32> to vector<16xf32>
      %add3A_326 = arith.addf %get3A_318, %get3A_325 : vector<16xf32>
      %get3A_327 = arith.index_cast %add3A_279 : i32 to index
      %get3A_328 = arith.constant 64 : index
      %get3A_329 = tpu.vector_load %arg7[%get3A_327, %get3A_328] {strides = array<i32>} : memref<64x128xf32, #tpu.memory_space<vmem>>, vector<1x16xf32>,
      %get3A_330 = vector.shape_cast %get3A_329 : vector<1x16xf32> to vector<16xf32>
      %mul3A_331 = arith.constant 128 : i32
      %mul3A_332 = arith.muli %add3A_279, %mul3A_331 : i32
      %add3A_333 = arith.constant 64 : i32
      %add3A_334 = arith.addi %mul3A_332, %add3A_333 : i32
      %get3A_335 = arith.index_cast %add3A_334 : i32 to index
      %get3A_336 = tpu.vector_load %arg8[%get3A_335] {strides = array<i32>} : memref<8192xf32, #tpu.memory_space<vmem>>, vector<16xf32>,
      %get3A_337 = vector.shape_cast %get3A_336 : vector<16xf32> to vector<16xf32>
      %add3A_338 = arith.addf %get3A_330, %get3A_337 : vector<16xf32>
      %get3A_339 = arith.index_cast %add3A_279 : i32 to index
      %get3A_340 = arith.constant 80 : index
      %get3A_341 = tpu.vector_load %arg7[%get3A_339, %get3A_340] {strides = array<i32>} : memref<64x128xf32, #tpu.memory_space<vmem>>, vector<1x16xf32>,
      %get3A_342 = vector.shape_cast %get3A_341 : vector<1x16xf32> to vector<16xf32>
      %mul3A_343 = arith.constant 128 : i32
      %mul3A_344 = arith.muli %add3A_279, %mul3A_343 : i32
      %add3A_345 = arith.constant 80 : i32
      %add3A_346 = arith.addi %mul3A_344, %add3A_345 : i32
      %get3A_347 = arith.index_cast %add3A_346 : i32 to index
      %get3A_348 = tpu.vector_load %arg8[%get3A_347] {strides = array<i32>} : memref<8192xf32, #tpu.memory_space<vmem>>, vector<16xf32>,
      %get3A_349 = vector.shape_cast %get3A_348 : vector<16xf32> to vector<16xf32>
      %add3A_350 = arith.addf %get3A_342, %get3A_349 : vector<16xf32>
      %get3A_351 = arith.index_cast %add3A_279 : i32 to index
      %get3A_352 = arith.constant 96 : index
      %get3A_353 = tpu.vector_load %arg7[%get3A_351, %get3A_352] {strides = array<i32>} : memref<64x128xf32, #tpu.memory_space<vmem>>, vector<1x16xf32>,
      %get3A_354 = vector.shape_cast %get3A_353 : vector<1x16xf32> to vector<16xf32>
      %mul3A_355 = arith.constant 128 : i32
      %mul3A_356 = arith.muli %add3A_279, %mul3A_355 : i32
      %add3A_357 = arith.constant 96 : i32
      %add3A_358 = arith.addi %mul3A_356, %add3A_357 : i32
      %get3A_359 = arith.index_cast %add3A_358 : i32 to index
      %get3A_360 = tpu.vector_load %arg8[%get3A_359] {strides = array<i32>} : memref<8192xf32, #tpu.memory_space<vmem>>, vector<16xf32>,
      %get3A_361 = vector.shape_cast %get3A_360 : vector<16xf32> to vector<16xf32>
      %add3A_362 = arith.addf %get3A_354, %get3A_361 : vector<16xf32>
      %get3A_363 = arith.index_cast %add3A_279 : i32 to index
      %get3A_364 = arith.constant 112 : index
      %get3A_365 = tpu.vector_load %arg7[%get3A_363, %get3A_364] {strides = array<i32>} : memref<64x128xf32, #tpu.memory_space<vmem>>, vector<1x16xf32>,
      %get3A_366 = vector.shape_cast %get3A_365 : vector<1x16xf32> to vector<16xf32>
      %mul3A_367 = arith.constant 128 : i32
      %mul3A_368 = arith.muli %add3A_279, %mul3A_367 : i32
      %add3A_369 = arith.constant 112 : i32
      %add3A_370 = arith.addi %mul3A_368, %add3A_369 : i32
      %get3A_371 = arith.index_cast %add3A_370 : i32 to index
      %get3A_372 = tpu.vector_load %arg8[%get3A_371] {strides = array<i32>} : memref<8192xf32, #tpu.memory_space<vmem>>, vector<16xf32>,
      %get3A_373 = vector.shape_cast %get3A_372 : vector<16xf32> to vector<16xf32>
      %add3A_374 = arith.addf %get3A_366, %get3A_373 : vector<16xf32>
      %mul3A_375 = arith.mulf %add3A_290, %add3A_290 : vector<16xf32>
      %add3A_376 = arith.addf %add3A_290, %add3A_302 : vector<16xf32>
      %mul3A_377 = arith.mulf %add3A_302, %add3A_302 : vector<16xf32>
      %add3A_378 = arith.addf %mul3A_375, %mul3A_377 : vector<16xf32>
      %add3A_379 = arith.addf %add3A_376, %add3A_314 : vector<16xf32>
      %mul3A_380 = arith.mulf %add3A_314, %add3A_314 : vector<16xf32>
      %add3A_381 = arith.addf %add3A_378, %mul3A_380 : vector<16xf32>
      %add3A_382 = arith.addf %add3A_379, %add3A_326 : vector<16xf32>
      %mul3A_383 = arith.mulf %add3A_326, %add3A_326 : vector<16xf32>
      %add3A_384 = arith.addf %add3A_381, %mul3A_383 : vector<16xf32>
      %add3A_385 = arith.addf %add3A_382, %add3A_338 : vector<16xf32>
      %mul3A_386 = arith.mulf %add3A_338, %add3A_338 : vector<16xf32>
      %add3A_387 = arith.addf %add3A_384, %mul3A_386 : vector<16xf32>
      %add3A_388 = arith.addf %add3A_385, %add3A_350 : vector<16xf32>
      %mul3A_389 = arith.mulf %add3A_350, %add3A_350 : vector<16xf32>
      %add3A_390 = arith.addf %add3A_387, %mul3A_389 : vector<16xf32>
      %add3A_391 = arith.addf %add3A_388, %add3A_362 : vector<16xf32>
      %mul3A_392 = arith.mulf %add3A_362, %add3A_362 : vector<16xf32>
      %add3A_393 = arith.addf %add3A_390, %mul3A_392 : vector<16xf32>
      %add3A_394 = arith.addf %add3A_391, %add3A_374 : vector<16xf32>
      %mul3A_395 = arith.mulf %add3A_374, %add3A_374 : vector<16xf32>
      %add3A_396 = arith.addf %add3A_393, %mul3A_395 : vector<16xf32>
      %mul3A_397 = arith.constant 4 : i32
      %mul3A_398 = arith.muli %scan3A_274, %mul3A_397 : i32
      %add3A_399 = arith.addi %scan3A, %mul3A_398 : i32
      %add3A_400 = arith.constant 1 : i32
      %add3A_401 = arith.addi %add3A_399, %add3A_400 : i32
      %get3A_402 = arith.index_cast %add3A_401 : i32 to index
      %get3A_403 = arith.constant 0 : index
      %get3A_404 = tpu.vector_load %arg7[%get3A_402, %get3A_403] {strides = array<i32>} : memref<64x128xf32, #tpu.memory_space<vmem>>, vector<1x16xf32>,
      %get3A_405 = vector.shape_cast %get3A_404 : vector<1x16xf32> to vector<16xf32>
      %mul3A_406 = arith.constant 128 : i32
      %mul3A_407 = arith.muli %add3A_401, %mul3A_406 : i32
      %add3A_408 = arith.constant 0 : i32
      %add3A_409 = arith.addi %mul3A_407, %add3A_408 : i32
      %get3A_410 = arith.index_cast %add3A_409 : i32 to index
      %get3A_411 = tpu.vector_load %arg8[%get3A_410] {strides = array<i32>} : memref<8192xf32, #tpu.memory_space<vmem>>, vector<16xf32>,
      %get3A_412 = vector.shape_cast %get3A_411 : vector<16xf32> to vector<16xf32>
      %add3A_413 = arith.addf %get3A_405, %get3A_412 : vector<16xf32>
      %get3A_414 = arith.index_cast %add3A_401 : i32 to index
      %get3A_415 = arith.constant 16 : index
      %get3A_416 = tpu.vector_load %arg7[%get3A_414, %get3A_415] {strides = array<i32>} : memref<64x128xf32, #tpu.memory_space<vmem>>, vector<1x16xf32>,
      %get3A_417 = vector.shape_cast %get3A_416 : vector<1x16xf32> to vector<16xf32>
      %mul3A_418 = arith.constant 128 : i32
      %mul3A_419 = arith.muli %add3A_401, %mul3A_418 : i32
      %add3A_420 = arith.constant 16 : i32
      %add3A_421 = arith.addi %mul3A_419, %add3A_420 : i32
      %get3A_422 = arith.index_cast %add3A_421 : i32 to index
      %get3A_423 = tpu.vector_load %arg8[%get3A_422] {strides = array<i32>} : memref<8192xf32, #tpu.memory_space<vmem>>, vector<16xf32>,
      %get3A_424 = vector.shape_cast %get3A_423 : vector<16xf32> to vector<16xf32>
      %add3A_425 = arith.addf %get3A_417, %get3A_424 : vector<16xf32>
      %get3A_426 = arith.index_cast %add3A_401 : i32 to index
      %get3A_427 = arith.constant 32 : index
      %get3A_428 = tpu.vector_load %arg7[%get3A_426, %get3A_427] {strides = array<i32>} : memref<64x128xf32, #tpu.memory_space<vmem>>, vector<1x16xf32>,
      %get3A_429 = vector.shape_cast %get3A_428 : vector<1x16xf32> to vector<16xf32>
      %mul3A_430 = arith.constant 128 : i32
      %mul3A_431 = arith.muli %add3A_401, %mul3A_430 : i32
      %add3A_432 = arith.constant 32 : i32
      %add3A_433 = arith.addi %mul3A_431, %add3A_432 : i32
      %get3A_434 = arith.index_cast %add3A_433 : i32 to index
      %get3A_435 = tpu.vector_load %arg8[%get3A_434] {strides = array<i32>} : memref<8192xf32, #tpu.memory_space<vmem>>, vector<16xf32>,
      %get3A_436 = vector.shape_cast %get3A_435 : vector<16xf32> to vector<16xf32>
      %add3A_437 = arith.addf %get3A_429, %get3A_436 : vector<16xf32>
      %get3A_438 = arith.index_cast %add3A_401 : i32 to index
      %get3A_439 = arith.constant 48 : index
      %get3A_440 = tpu.vector_load %arg7[%get3A_438, %get3A_439] {strides = array<i32>} : memref<64x128xf32, #tpu.memory_space<vmem>>, vector<1x16xf32>,
      %get3A_441 = vector.shape_cast %get3A_440 : vector<1x16xf32> to vector<16xf32>
      %mul3A_442 = arith.constant 128 : i32
      %mul3A_443 = arith.muli %add3A_401, %mul3A_442 : i32
      %add3A_444 = arith.constant 48 : i32
      %add3A_445 = arith.addi %mul3A_443, %add3A_444 : i32
      %get3A_446 = arith.index_cast %add3A_445 : i32 to index
      %get3A_447 = tpu.vector_load %arg8[%get3A_446] {strides = array<i32>} : memref<8192xf32, #tpu.memory_space<vmem>>, vector<16xf32>,
      %get3A_448 = vector.shape_cast %get3A_447 : vector<16xf32> to vector<16xf32>
      %add3A_449 = arith.addf %get3A_441, %get3A_448 : vector<16xf32>
      %get3A_450 = arith.index_cast %add3A_401 : i32 to index
      %get3A_451 = arith.constant 64 : index
      %get3A_452 = tpu.vector_load %arg7[%get3A_450, %get3A_451] {strides = array<i32>} : memref<64x128xf32, #tpu.memory_space<vmem>>, vector<1x16xf32>,
      %get3A_453 = vector.shape_cast %get3A_452 : vector<1x16xf32> to vector<16xf32>
      %mul3A_454 = arith.constant 128 : i32
      %mul3A_455 = arith.muli %add3A_401, %mul3A_454 : i32
      %add3A_456 = arith.constant 64 : i32
      %add3A_457 = arith.addi %mul3A_455, %add3A_456 : i32
      %get3A_458 = arith.index_cast %add3A_457 : i32 to index
      %get3A_459 = tpu.vector_load %arg8[%get3A_458] {strides = array<i32>} : memref<8192xf32, #tpu.memory_space<vmem>>, vector<16xf32>,
      %get3A_460 = vector.shape_cast %get3A_459 : vector<16xf32> to vector<16xf32>
      %add3A_461 = arith.addf %get3A_453, %get3A_460 : vector<16xf32>
      %get3A_462 = arith.index_cast %add3A_401 : i32 to index
      %get3A_463 = arith.constant 80 : index
      %get3A_464 = tpu.vector_load %arg7[%get3A_462, %get3A_463] {strides = array<i32>} : memref<64x128xf32, #tpu.memory_space<vmem>>, vector<1x16xf32>,
      %get3A_465 = vector.shape_cast %get3A_464 : vector<1x16xf32> to vector<16xf32>
      %mul3A_466 = arith.constant 128 : i32
      %mul3A_467 = arith.muli %add3A_401, %mul3A_466 : i32
      %add3A_468 = arith.constant 80 : i32
      %add3A_469 = arith.addi %mul3A_467, %add3A_468 : i32
      %get3A_470 = arith.index_cast %add3A_469 : i32 to index
      %get3A_471 = tpu.vector_load %arg8[%get3A_470] {strides = array<i32>} : memref<8192xf32, #tpu.memory_space<vmem>>, vector<16xf32>,
      %get3A_472 = vector.shape_cast %get3A_471 : vector<16xf32> to vector<16xf32>
      %add3A_473 = arith.addf %get3A_465, %get3A_472 : vector<16xf32>
      %get3A_474 = arith.index_cast %add3A_401 : i32 to index
      %get3A_475 = arith.constant 96 : index
      %get3A_476 = tpu.vector_load %arg7[%get3A_474, %get3A_475] {strides = array<i32>} : memref<64x128xf32, #tpu.memory_space<vmem>>, vector<1x16xf32>,
      %get3A_477 = vector.shape_cast %get3A_476 : vector<1x16xf32> to vector<16xf32>
      %mul3A_478 = arith.constant 128 : i32
      %mul3A_479 = arith.muli %add3A_401, %mul3A_478 : i32
      %add3A_480 = arith.constant 96 : i32
      %add3A_481 = arith.addi %mul3A_479, %add3A_480 : i32
      %get3A_482 = arith.index_cast %add3A_481 : i32 to index
      %get3A_483 = tpu.vector_load %arg8[%get3A_482] {strides = array<i32>} : memref<8192xf32, #tpu.memory_space<vmem>>, vector<16xf32>,
      %get3A_484 = vector.shape_cast %get3A_483 : vector<16xf32> to vector<16xf32>
      %add3A_485 = arith.addf %get3A_477, %get3A_484 : vector<16xf32>
      %get3A_486 = arith.index_cast %add3A_401 : i32 to index
      %get3A_487 = arith.constant 112 : index
      %get3A_488 = tpu.vector_load %arg7[%get3A_486, %get3A_487] {strides = array<i32>} : memref<64x128xf32, #tpu.memory_space<vmem>>, vector<1x16xf32>,
      %get3A_489 = vector.shape_cast %get3A_488 : vector<1x16xf32> to vector<16xf32>
      %mul3A_490 = arith.constant 128 : i32
      %mul3A_491 = arith.muli %add3A_401, %mul3A_490 : i32
      %add3A_492 = arith.constant 112 : i32
      %add3A_493 = arith.addi %mul3A_491, %add3A_492 : i32
      %get3A_494 = arith.index_cast %add3A_493 : i32 to index
      %get3A_495 = tpu.vector_load %arg8[%get3A_494] {strides = array<i32>} : memref<8192xf32, #tpu.memory_space<vmem>>, vector<16xf32>,
      %get3A_496 = vector.shape_cast %get3A_495 : vector<16xf32> to vector<16xf32>
      %add3A_497 = arith.addf %get3A_489, %get3A_496 : vector<16xf32>
      %mul3A_498 = arith.mulf %add3A_413, %add3A_413 : vector<16xf32>
      %add3A_499 = arith.addf %add3A_413, %add3A_425 : vector<16xf32>
      %mul3A_500 = arith.mulf %add3A_425, %add3A_425 : vector<16xf32>
      %add3A_501 = arith.addf %mul3A_498, %mul3A_500 : vector<16xf32>
      %add3A_502 = arith.addf %add3A_499, %add3A_437 : vector<16xf32>
      %mul3A_503 = arith.mulf %add3A_437, %add3A_437 : vector<16xf32>
      %add3A_504 = arith.addf %add3A_501, %mul3A_503 : vector<16xf32>
      %add3A_505 = arith.addf %add3A_502, %add3A_449 : vector<16xf32>
      %mul3A_506 = arith.mulf %add3A_449, %add3A_449 : vector<16xf32>
      %add3A_507 = arith.addf %add3A_504, %mul3A_506 : vector<16xf32>
      %add3A_508 = arith.addf %add3A_505, %add3A_461 : vector<16xf32>
      %mul3A_509 = arith.mulf %add3A_461, %add3A_461 : vector<16xf32>
      %add3A_510 = arith.addf %add3A_507, %mul3A_509 : vector<16xf32>
      %add3A_511 = arith.addf %add3A_508, %add3A_473 : vector<16xf32>
      %mul3A_512 = arith.mulf %add3A_473, %add3A_473 : vector<16xf32>
      %add3A_513 = arith.addf %add3A_510, %mul3A_512 : vector<16xf32>
      %add3A_514 = arith.addf %add3A_511, %add3A_485 : vector<16xf32>
      %mul3A_515 = arith.mulf %add3A_485, %add3A_485 : vector<16xf32>
      %add3A_516 = arith.addf %add3A_513, %mul3A_515 : vector<16xf32>
      %add3A_517 = arith.addf %add3A_514, %add3A_497 : vector<16xf32>
      %mul3A_518 = arith.mulf %add3A_497, %add3A_497 : vector<16xf32>
      %add3A_519 = arith.addf %add3A_516, %mul3A_518 : vector<16xf32>
      %mul3A_520 = arith.constant 4 : i32
      %mul3A_521 = arith.muli %scan3A_274, %mul3A_520 : i32
      %add3A_522 = arith.addi %scan3A, %mul3A_521 : i32
      %add3A_523 = arith.constant 2 : i32
      %add3A_524 = arith.addi %add3A_522, %add3A_523 : i32
      %get3A_525 = arith.index_cast %add3A_524 : i32 to index
      %get3A_526 = arith.constant 0 : index
      %get3A_527 = tpu.vector_load %arg7[%get3A_525, %get3A_526] {strides = array<i32>} : memref<64x128xf32, #tpu.memory_space<vmem>>, vector<1x16xf32>,
      %get3A_528 = vector.shape_cast %get3A_527 : vector<1x16xf32> to vector<16xf32>
      %mul3A_529 = arith.constant 128 : i32
      %mul3A_530 = arith.muli %add3A_524, %mul3A_529 : i32
      %add3A_531 = arith.constant 0 : i32
      %add3A_532 = arith.addi %mul3A_530, %add3A_531 : i32
      %get3A_533 = arith.index_cast %add3A_532 : i32 to index
      %get3A_534 = tpu.vector_load %arg8[%get3A_533] {strides = array<i32>} : memref<8192xf32, #tpu.memory_space<vmem>>, vector<16xf32>,
      %get3A_535 = vector.shape_cast %get3A_534 : vector<16xf32> to vector<16xf32>
      %add3A_536 = arith.addf %get3A_528, %get3A_535 : vector<16xf32>
      %get3A_537 = arith.index_cast %add3A_524 : i32 to index
      %get3A_538 = arith.constant 16 : index
      %get3A_539 = tpu.vector_load %arg7[%get3A_537, %get3A_538] {strides = array<i32>} : memref<64x128xf32, #tpu.memory_space<vmem>>, vector<1x16xf32>,
      %get3A_540 = vector.shape_cast %get3A_539 : vector<1x16xf32> to vector<16xf32>
      %mul3A_541 = arith.constant 128 : i32
      %mul3A_542 = arith.muli %add3A_524, %mul3A_541 : i32
      %add3A_543 = arith.constant 16 : i32
      %add3A_544 = arith.addi %mul3A_542, %add3A_543 : i32
      %get3A_545 = arith.index_cast %add3A_544 : i32 to index
      %get3A_546 = tpu.vector_load %arg8[%get3A_545] {strides = array<i32>} : memref<8192xf32, #tpu.memory_space<vmem>>, vector<16xf32>,
      %get3A_547 = vector.shape_cast %get3A_546 : vector<16xf32> to vector<16xf32>
      %add3A_548 = arith.addf %get3A_540, %get3A_547 : vector<16xf32>
      %get3A_549 = arith.index_cast %add3A_524 : i32 to index
      %get3A_550 = arith.constant 32 : index
      %get3A_551 = tpu.vector_load %arg7[%get3A_549, %get3A_550] {strides = array<i32>} : memref<64x128xf32, #tpu.memory_space<vmem>>, vector<1x16xf32>,
      %get3A_552 = vector.shape_cast %get3A_551 : vector<1x16xf32> to vector<16xf32>
      %mul3A_553 = arith.constant 128 : i32
      %mul3A_554 = arith.muli %add3A_524, %mul3A_553 : i32
      %add3A_555 = arith.constant 32 : i32
      %add3A_556 = arith.addi %mul3A_554, %add3A_555 : i32
      %get3A_557 = arith.index_cast %add3A_556 : i32 to index
      %get3A_558 = tpu.vector_load %arg8[%get3A_557] {strides = array<i32>} : memref<8192xf32, #tpu.memory_space<vmem>>, vector<16xf32>,
      %get3A_559 = vector.shape_cast %get3A_558 : vector<16xf32> to vector<16xf32>
      %add3A_560 = arith.addf %get3A_552, %get3A_559 : vector<16xf32>
      %get3A_561 = arith.index_cast %add3A_524 : i32 to index
      %get3A_562 = arith.constant 48 : index
      %get3A_563 = tpu.vector_load %arg7[%get3A_561, %get3A_562] {strides = array<i32>} : memref<64x128xf32, #tpu.memory_space<vmem>>, vector<1x16xf32>,
      %get3A_564 = vector.shape_cast %get3A_563 : vector<1x16xf32> to vector<16xf32>
      %mul3A_565 = arith.constant 128 : i32
      %mul3A_566 = arith.muli %add3A_524, %mul3A_565 : i32
      %add3A_567 = arith.constant 48 : i32
      %add3A_568 = arith.addi %mul3A_566, %add3A_567 : i32
      %get3A_569 = arith.index_cast %add3A_568 : i32 to index
      %get3A_570 = tpu.vector_load %arg8[%get3A_569] {strides = array<i32>} : memref<8192xf32, #tpu.memory_space<vmem>>, vector<16xf32>,
      %get3A_571 = vector.shape_cast %get3A_570 : vector<16xf32> to vector<16xf32>
      %add3A_572 = arith.addf %get3A_564, %get3A_571 : vector<16xf32>
      %get3A_573 = arith.index_cast %add3A_524 : i32 to index
      %get3A_574 = arith.constant 64 : index
      %get3A_575 = tpu.vector_load %arg7[%get3A_573, %get3A_574] {strides = array<i32>} : memref<64x128xf32, #tpu.memory_space<vmem>>, vector<1x16xf32>,
      %get3A_576 = vector.shape_cast %get3A_575 : vector<1x16xf32> to vector<16xf32>
      %mul3A_577 = arith.constant 128 : i32
      %mul3A_578 = arith.muli %add3A_524, %mul3A_577 : i32
      %add3A_579 = arith.constant 64 : i32
      %add3A_580 = arith.addi %mul3A_578, %add3A_579 : i32
      %get3A_581 = arith.index_cast %add3A_580 : i32 to index
      %get3A_582 = tpu.vector_load %arg8[%get3A_581] {strides = array<i32>} : memref<8192xf32, #tpu.memory_space<vmem>>, vector<16xf32>,
      %get3A_583 = vector.shape_cast %get3A_582 : vector<16xf32> to vector<16xf32>
      %add3A_584 = arith.addf %get3A_576, %get3A_583 : vector<16xf32>
      %get3A_585 = arith.index_cast %add3A_524 : i32 to index
      %get3A_586 = arith.constant 80 : index
      %get3A_587 = tpu.vector_load %arg7[%get3A_585, %get3A_586] {strides = array<i32>} : memref<64x128xf32, #tpu.memory_space<vmem>>, vector<1x16xf32>,
      %get3A_588 = vector.shape_cast %get3A_587 : vector<1x16xf32> to vector<16xf32>
      %mul3A_589 = arith.constant 128 : i32
      %mul3A_590 = arith.muli %add3A_524, %mul3A_589 : i32
      %add3A_591 = arith.constant 80 : i32
      %add3A_592 = arith.addi %mul3A_590, %add3A_591 : i32
      %get3A_593 = arith.index_cast %add3A_592 : i32 to index
      %get3A_594 = tpu.vector_load %arg8[%get3A_593] {strides = array<i32>} : memref<8192xf32, #tpu.memory_space<vmem>>, vector<16xf32>,
      %get3A_595 = vector.shape_cast %get3A_594 : vector<16xf32> to vector<16xf32>
      %add3A_596 = arith.addf %get3A_588, %get3A_595 : vector<16xf32>
      %get3A_597 = arith.index_cast %add3A_524 : i32 to index
      %get3A_598 = arith.constant 96 : index
      %get3A_599 = tpu.vector_load %arg7[%get3A_597, %get3A_598] {strides = array<i32>} : memref<64x128xf32, #tpu.memory_space<vmem>>, vector<1x16xf32>,
      %get3A_600 = vector.shape_cast %get3A_599 : vector<1x16xf32> to vector<16xf32>
      %mul3A_601 = arith.constant 128 : i32
      %mul3A_602 = arith.muli %add3A_524, %mul3A_601 : i32
      %add3A_603 = arith.constant 96 : i32
      %add3A_604 = arith.addi %mul3A_602, %add3A_603 : i32
      %get3A_605 = arith.index_cast %add3A_604 : i32 to index
      %get3A_606 = tpu.vector_load %arg8[%get3A_605] {strides = array<i32>} : memref<8192xf32, #tpu.memory_space<vmem>>, vector<16xf32>,
      %get3A_607 = vector.shape_cast %get3A_606 : vector<16xf32> to vector<16xf32>
      %add3A_608 = arith.addf %get3A_600, %get3A_607 : vector<16xf32>
      %get3A_609 = arith.index_cast %add3A_524 : i32 to index
      %get3A_610 = arith.constant 112 : index
      %get3A_611 = tpu.vector_load %arg7[%get3A_609, %get3A_610] {strides = array<i32>} : memref<64x128xf32, #tpu.memory_space<vmem>>, vector<1x16xf32>,
      %get3A_612 = vector.shape_cast %get3A_611 : vector<1x16xf32> to vector<16xf32>
      %mul3A_613 = arith.constant 128 : i32
      %mul3A_614 = arith.muli %add3A_524, %mul3A_613 : i32
      %add3A_615 = arith.constant 112 : i32
      %add3A_616 = arith.addi %mul3A_614, %add3A_615 : i32
      %get3A_617 = arith.index_cast %add3A_616 : i32 to index
      %get3A_618 = tpu.vector_load %arg8[%get3A_617] {strides = array<i32>} : memref<8192xf32, #tpu.memory_space<vmem>>, vector<16xf32>,
      %get3A_619 = vector.shape_cast %get3A_618 : vector<16xf32> to vector<16xf32>
      %add3A_620 = arith.addf %get3A_612, %get3A_619 : vector<16xf32>
      %mul3A_621 = arith.mulf %add3A_536, %add3A_536 : vector<16xf32>
      %add3A_622 = arith.addf %add3A_536, %add3A_548 : vector<16xf32>
      %mul3A_623 = arith.mulf %add3A_548, %add3A_548 : vector<16xf32>
      %add3A_624 = arith.addf %mul3A_621, %mul3A_623 : vector<16xf32>
      %add3A_625 = arith.addf %add3A_622, %add3A_560 : vector<16xf32>
      %mul3A_626 = arith.mulf %add3A_560, %add3A_560 : vector<16xf32>
      %add3A_627 = arith.addf %add3A_624, %mul3A_626 : vector<16xf32>
      %add3A_628 = arith.addf %add3A_625, %add3A_572 : vector<16xf32>
      %mul3A_629 = arith.mulf %add3A_572, %add3A_572 : vector<16xf32>
      %add3A_630 = arith.addf %add3A_627, %mul3A_629 : vector<16xf32>
      %add3A_631 = arith.addf %add3A_628, %add3A_584 : vector<16xf32>
      %mul3A_632 = arith.mulf %add3A_584, %add3A_584 : vector<16xf32>
      %add3A_633 = arith.addf %add3A_630, %mul3A_632 : vector<16xf32>
      %add3A_634 = arith.addf %add3A_631, %add3A_596 : vector<16xf32>
      %mul3A_635 = arith.mulf %add3A_596, %add3A_596 : vector<16xf32>
      %add3A_636 = arith.addf %add3A_633, %mul3A_635 : vector<16xf32>
      %add3A_637 = arith.addf %add3A_634, %add3A_608 : vector<16xf32>
      %mul3A_638 = arith.mulf %add3A_608, %add3A_608 : vector<16xf32>
      %add3A_639 = arith.addf %add3A_636, %mul3A_638 : vector<16xf32>
      %add3A_640 = arith.addf %add3A_637, %add3A_620 : vector<16xf32>
      %mul3A_641 = arith.mulf %add3A_620, %add3A_620 : vector<16xf32>
      %add3A_642 = arith.addf %add3A_639, %mul3A_641 : vector<16xf32>
      %mul3A_643 = arith.constant 4 : i32
      %mul3A_644 = arith.muli %scan3A_274, %mul3A_643 : i32
      %add3A_645 = arith.addi %scan3A, %mul3A_644 : i32
      %add3A_646 = arith.constant 3 : i32
      %add3A_647 = arith.addi %add3A_645, %add3A_646 : i32
      %get3A_648 = arith.index_cast %add3A_647 : i32 to index
      %get3A_649 = arith.constant 0 : index
      %get3A_650 = tpu.vector_load %arg7[%get3A_648, %get3A_649] {strides = array<i32>} : memref<64x128xf32, #tpu.memory_space<vmem>>, vector<1x16xf32>,
      %get3A_651 = vector.shape_cast %get3A_650 : vector<1x16xf32> to vector<16xf32>
      %mul3A_652 = arith.constant 128 : i32
      %mul3A_653 = arith.muli %add3A_647, %mul3A_652 : i32
      %add3A_654 = arith.constant 0 : i32
      %add3A_655 = arith.addi %mul3A_653, %add3A_654 : i32
      %get3A_656 = arith.index_cast %add3A_655 : i32 to index
      %get3A_657 = tpu.vector_load %arg8[%get3A_656] {strides = array<i32>} : memref<8192xf32, #tpu.memory_space<vmem>>, vector<16xf32>,
      %get3A_658 = vector.shape_cast %get3A_657 : vector<16xf32> to vector<16xf32>
      %add3A_659 = arith.addf %get3A_651, %get3A_658 : vector<16xf32>
      %get3A_660 = arith.index_cast %add3A_647 : i32 to index
      %get3A_661 = arith.constant 16 : index
      %get3A_662 = tpu.vector_load %arg7[%get3A_660, %get3A_661] {strides = array<i32>} : memref<64x128xf32, #tpu.memory_space<vmem>>, vector<1x16xf32>,
      %get3A_663 = vector.shape_cast %get3A_662 : vector<1x16xf32> to vector<16xf32>
      %mul3A_664 = arith.constant 128 : i32
      %mul3A_665 = arith.muli %add3A_647, %mul3A_664 : i32
      %add3A_666 = arith.constant 16 : i32
      %add3A_667 = arith.addi %mul3A_665, %add3A_666 : i32
      %get3A_668 = arith.index_cast %add3A_667 : i32 to index
      %get3A_669 = tpu.vector_load %arg8[%get3A_668] {strides = array<i32>} : memref<8192xf32, #tpu.memory_space<vmem>>, vector<16xf32>,
      %get3A_670 = vector.shape_cast %get3A_669 : vector<16xf32> to vector<16xf32>
      %add3A_671 = arith.addf %get3A_663, %get3A_670 : vector<16xf32>
      %get3A_672 = arith.index_cast %add3A_647 : i32 to index
      %get3A_673 = arith.constant 32 : index
      %get3A_674 = tpu.vector_load %arg7[%get3A_672, %get3A_673] {strides = array<i32>} : memref<64x128xf32, #tpu.memory_space<vmem>>, vector<1x16xf32>,
      %get3A_675 = vector.shape_cast %get3A_674 : vector<1x16xf32> to vector<16xf32>
      %mul3A_676 = arith.constant 128 : i32
      %mul3A_677 = arith.muli %add3A_647, %mul3A_676 : i32
      %add3A_678 = arith.constant 32 : i32
      %add3A_679 = arith.addi %mul3A_677, %add3A_678 : i32
      %get3A_680 = arith.index_cast %add3A_679 : i32 to index
      %get3A_681 = tpu.vector_load %arg8[%get3A_680] {strides = array<i32>} : memref<8192xf32, #tpu.memory_space<vmem>>, vector<16xf32>,
      %get3A_682 = vector.shape_cast %get3A_681 : vector<16xf32> to vector<16xf32>
      %add3A_683 = arith.addf %get3A_675, %get3A_682 : vector<16xf32>
      %get3A_684 = arith.index_cast %add3A_647 : i32 to index
      %get3A_685 = arith.constant 48 : index
      %get3A_686 = tpu.vector_load %arg7[%get3A_684, %get3A_685] {strides = array<i32>} : memref<64x128xf32, #tpu.memory_space<vmem>>, vector<1x16xf32>,
      %get3A_687 = vector.shape_cast %get3A_686 : vector<1x16xf32> to vector<16xf32>
      %mul3A_688 = arith.constant 128 : i32
      %mul3A_689 = arith.muli %add3A_647, %mul3A_688 : i32
      %add3A_690 = arith.constant 48 : i32
      %add3A_691 = arith.addi %mul3A_689, %add3A_690 : i32
      %get3A_692 = arith.index_cast %add3A_691 : i32 to index
      %get3A_693 = tpu.vector_load %arg8[%get3A_692] {strides = array<i32>} : memref<8192xf32, #tpu.memory_space<vmem>>, vector<16xf32>,
      %get3A_694 = vector.shape_cast %get3A_693 : vector<16xf32> to vector<16xf32>
      %add3A_695 = arith.addf %get3A_687, %get3A_694 : vector<16xf32>
      %get3A_696 = arith.index_cast %add3A_647 : i32 to index
      %get3A_697 = arith.constant 64 : index
      %get3A_698 = tpu.vector_load %arg7[%get3A_696, %get3A_697] {strides = array<i32>} : memref<64x128xf32, #tpu.memory_space<vmem>>, vector<1x16xf32>,
      %get3A_699 = vector.shape_cast %get3A_698 : vector<1x16xf32> to vector<16xf32>
      %mul3A_700 = arith.constant 128 : i32
      %mul3A_701 = arith.muli %add3A_647, %mul3A_700 : i32
      %add3A_702 = arith.constant 64 : i32
      %add3A_703 = arith.addi %mul3A_701, %add3A_702 : i32
      %get3A_704 = arith.index_cast %add3A_703 : i32 to index
      %get3A_705 = tpu.vector_load %arg8[%get3A_704] {strides = array<i32>} : memref<8192xf32, #tpu.memory_space<vmem>>, vector<16xf32>,
      %get3A_706 = vector.shape_cast %get3A_705 : vector<16xf32> to vector<16xf32>
      %add3A_707 = arith.addf %get3A_699, %get3A_706 : vector<16xf32>
      %get3A_708 = arith.index_cast %add3A_647 : i32 to index
      %get3A_709 = arith.constant 80 : index
      %get3A_710 = tpu.vector_load %arg7[%get3A_708, %get3A_709] {strides = array<i32>} : memref<64x128xf32, #tpu.memory_space<vmem>>, vector<1x16xf32>,
      %get3A_711 = vector.shape_cast %get3A_710 : vector<1x16xf32> to vector<16xf32>
      %mul3A_712 = arith.constant 128 : i32
      %mul3A_713 = arith.muli %add3A_647, %mul3A_712 : i32
      %add3A_714 = arith.constant 80 : i32
      %add3A_715 = arith.addi %mul3A_713, %add3A_714 : i32
      %get3A_716 = arith.index_cast %add3A_715 : i32 to index
      %get3A_717 = tpu.vector_load %arg8[%get3A_716] {strides = array<i32>} : memref<8192xf32, #tpu.memory_space<vmem>>, vector<16xf32>,
      %get3A_718 = vector.shape_cast %get3A_717 : vector<16xf32> to vector<16xf32>
      %add3A_719 = arith.addf %get3A_711, %get3A_718 : vector<16xf32>
      %get3A_720 = arith.index_cast %add3A_647 : i32 to index
      %get3A_721 = arith.constant 96 : index
      %get3A_722 = tpu.vector_load %arg7[%get3A_720, %get3A_721] {strides = array<i32>} : memref<64x128xf32, #tpu.memory_space<vmem>>, vector<1x16xf32>,
      %get3A_723 = vector.shape_cast %get3A_722 : vector<1x16xf32> to vector<16xf32>
      %mul3A_724 = arith.constant 128 : i32
      %mul3A_725 = arith.muli %add3A_647, %mul3A_724 : i32
      %add3A_726 = arith.constant 96 : i32
      %add3A_727 = arith.addi %mul3A_725, %add3A_726 : i32
      %get3A_728 = arith.index_cast %add3A_727 : i32 to index
      %get3A_729 = tpu.vector_load %arg8[%get3A_728] {strides = array<i32>} : memref<8192xf32, #tpu.memory_space<vmem>>, vector<16xf32>,
      %get3A_730 = vector.shape_cast %get3A_729 : vector<16xf32> to vector<16xf32>
      %add3A_731 = arith.addf %get3A_723, %get3A_730 : vector<16xf32>
      %get3A_732 = arith.index_cast %add3A_647 : i32 to index
      %get3A_733 = arith.constant 112 : index
      %get3A_734 = tpu.vector_load %arg7[%get3A_732, %get3A_733] {strides = array<i32>} : memref<64x128xf32, #tpu.memory_space<vmem>>, vector<1x16xf32>,
      %get3A_735 = vector.shape_cast %get3A_734 : vector<1x16xf32> to vector<16xf32>
      %mul3A_736 = arith.constant 128 : i32
      %mul3A_737 = arith.muli %add3A_647, %mul3A_736 : i32
      %add3A_738 = arith.constant 112 : i32
      %add3A_739 = arith.addi %mul3A_737, %add3A_738 : i32
      %get3A_740 = arith.index_cast %add3A_739 : i32 to index
      %get3A_741 = tpu.vector_load %arg8[%get3A_740] {strides = array<i32>} : memref<8192xf32, #tpu.memory_space<vmem>>, vector<16xf32>,
      %get3A_742 = vector.shape_cast %get3A_741 : vector<16xf32> to vector<16xf32>
      %add3A_743 = arith.addf %get3A_735, %get3A_742 : vector<16xf32>
      %mul3A_744 = arith.mulf %add3A_659, %add3A_659 : vector<16xf32>
      %add3A_745 = arith.addf %add3A_659, %add3A_671 : vector<16xf32>
      %mul3A_746 = arith.mulf %add3A_671, %add3A_671 : vector<16xf32>
      %add3A_747 = arith.addf %mul3A_744, %mul3A_746 : vector<16xf32>
      %add3A_748 = arith.addf %add3A_745, %add3A_683 : vector<16xf32>
      %mul3A_749 = arith.mulf %add3A_683, %add3A_683 : vector<16xf32>
      %add3A_750 = arith.addf %add3A_747, %mul3A_749 : vector<16xf32>
      %add3A_751 = arith.addf %add3A_748, %add3A_695 : vector<16xf32>
      %mul3A_752 = arith.mulf %add3A_695, %add3A_695 : vector<16xf32>
      %add3A_753 = arith.addf %add3A_750, %mul3A_752 : vector<16xf32>
      %add3A_754 = arith.addf %add3A_751, %add3A_707 : vector<16xf32>
      %mul3A_755 = arith.mulf %add3A_707, %add3A_707 : vector<16xf32>
      %add3A_756 = arith.addf %add3A_753, %mul3A_755 : vector<16xf32>
      %add3A_757 = arith.addf %add3A_754, %add3A_719 : vector<16xf32>
      %mul3A_758 = arith.mulf %add3A_719, %add3A_719 : vector<16xf32>
      %add3A_759 = arith.addf %add3A_756, %mul3A_758 : vector<16xf32>
      %add3A_760 = arith.addf %add3A_757, %add3A_731 : vector<16xf32>
      %mul3A_761 = arith.mulf %add3A_731, %add3A_731 : vector<16xf32>
      %add3A_762 = arith.addf %add3A_759, %mul3A_761 : vector<16xf32>
      %add3A_763 = arith.addf %add3A_760, %add3A_743 : vector<16xf32>
      %mul3A_764 = arith.mulf %add3A_743, %add3A_743 : vector<16xf32>
      %add3A_765 = arith.addf %add3A_762, %mul3A_764 : vector<16xf32>
      %iota3A = tpu.iota {dimensions = array<i32: 0>} : vector<16xi32>
      %xor3A = arith.constant 8 : i32
      %xor3A_766 = vector.broadcast %xor3A : i32 to vector<16xi32>
      %xor3A_767 = arith.xori %iota3A, %xor3A_766 : vector<16xi32>
      %broadcast_in_dim3A = vector.shape_cast %xor3A_767 : vector<16xi32> to vector<16x1xi32>
      %gather3A = vector.shape_cast %broadcast_in_dim3A : vector<16x1xi32> to vector<16xi32>
      %gather3A_768 = tpu.dynamic_gather %add3A_394[%gather3A] in [0] : vector<16xf32>, vector<16xi32> -> vector<16xf32>
      %add3A_769 = arith.addf %add3A_394, %gather3A_768 : vector<16xf32>
      %iota3A_770 = tpu.iota {dimensions = array<i32: 0>} : vector<16xi32>
      %xor3A_771 = arith.constant 4 : i32
      %xor3A_772 = vector.broadcast %xor3A_771 : i32 to vector<16xi32>
      %xor3A_773 = arith.xori %iota3A_770, %xor3A_772 : vector<16xi32>
      %broadcast_in_dim3A_774 = vector.shape_cast %xor3A_773 : vector<16xi32> to vector<16x1xi32>
      %gather3A_775 = vector.shape_cast %broadcast_in_dim3A_774 : vector<16x1xi32> to vector<16xi32>
      %gather3A_776 = tpu.dynamic_gather %add3A_769[%gather3A_775] in [0] : vector<16xf32>, vector<16xi32> -> vector<16xf32>
      %add3A_777 = arith.addf %add3A_769, %gather3A_776 : vector<16xf32>
      %iota3A_778 = tpu.iota {dimensions = array<i32: 0>} : vector<16xi32>
      %xor3A_779 = arith.constant 2 : i32
      %xor3A_780 = vector.broadcast %xor3A_779 : i32 to vector<16xi32>
      %xor3A_781 = arith.xori %iota3A_778, %xor3A_780 : vector<16xi32>
      %broadcast_in_dim3A_782 = vector.shape_cast %xor3A_781 : vector<16xi32> to vector<16x1xi32>
      %gather3A_783 = vector.shape_cast %broadcast_in_dim3A_782 : vector<16x1xi32> to vector<16xi32>
      %gather3A_784 = tpu.dynamic_gather %add3A_777[%gather3A_783] in [0] : vector<16xf32>, vector<16xi32> -> vector<16xf32>
      %add3A_785 = arith.addf %add3A_777, %gather3A_784 : vector<16xf32>
      %iota3A_786 = tpu.iota {dimensions = array<i32: 0>} : vector<16xi32>
      %xor3A_787 = arith.constant 1 : i32
      %xor3A_788 = vector.broadcast %xor3A_787 : i32 to vector<16xi32>
      %xor3A_789 = arith.xori %iota3A_786, %xor3A_788 : vector<16xi32>
      %broadcast_in_dim3A_790 = vector.shape_cast %xor3A_789 : vector<16xi32> to vector<16x1xi32>
      %gather3A_791 = vector.shape_cast %broadcast_in_dim3A_790 : vector<16x1xi32> to vector<16xi32>
      %gather3A_792 = tpu.dynamic_gather %add3A_785[%gather3A_791] in [0] : vector<16xf32>, vector<16xi32> -> vector<16xf32>
      %add3A_793 = arith.addf %add3A_785, %gather3A_792 : vector<16xf32>
      %mul3A_794 = arith.constant 7.812500e-03 : f32
      %mul3A_795 = vector.broadcast %mul3A_794 : f32 to vector<16xf32>
      %mul3A_796 = arith.mulf %add3A_793, %mul3A_795 : vector<16xf32>
      %iota3A_797 = tpu.iota {dimensions = array<i32: 0>} : vector<16xi32>
      %xor3A_798 = arith.constant 8 : i32
      %xor3A_799 = vector.broadcast %xor3A_798 : i32 to vector<16xi32>
      %xor3A_800 = arith.xori %iota3A_797, %xor3A_799 : vector<16xi32>
      %broadcast_in_dim3A_801 = vector.shape_cast %xor3A_800 : vector<16xi32> to vector<16x1xi32>
      %gather3A_802 = vector.shape_cast %broadcast_in_dim3A_801 : vector<16x1xi32> to vector<16xi32>
      %gather3A_803 = tpu.dynamic_gather %add3A_396[%gather3A_802] in [0] : vector<16xf32>, vector<16xi32> -> vector<16xf32>
      %add3A_804 = arith.addf %add3A_396, %gather3A_803 : vector<16xf32>
      %iota3A_805 = tpu.iota {dimensions = array<i32: 0>} : vector<16xi32>
      %xor3A_806 = arith.constant 4 : i32
      %xor3A_807 = vector.broadcast %xor3A_806 : i32 to vector<16xi32>
      %xor3A_808 = arith.xori %iota3A_805, %xor3A_807 : vector<16xi32>
      %broadcast_in_dim3A_809 = vector.shape_cast %xor3A_808 : vector<16xi32> to vector<16x1xi32>
      %gather3A_810 = vector.shape_cast %broadcast_in_dim3A_809 : vector<16x1xi32> to vector<16xi32>
      %gather3A_811 = tpu.dynamic_gather %add3A_804[%gather3A_810] in [0] : vector<16xf32>, vector<16xi32> -> vector<16xf32>
      %add3A_812 = arith.addf %add3A_804, %gather3A_811 : vector<16xf32>
      %iota3A_813 = tpu.iota {dimensions = array<i32: 0>} : vector<16xi32>
      %xor3A_814 = arith.constant 2 : i32
      %xor3A_815 = vector.broadcast %xor3A_814 : i32 to vector<16xi32>
      %xor3A_816 = arith.xori %iota3A_813, %xor3A_815 : vector<16xi32>
      %broadcast_in_dim3A_817 = vector.shape_cast %xor3A_816 : vector<16xi32> to vector<16x1xi32>
      %gather3A_818 = vector.shape_cast %broadcast_in_dim3A_817 : vector<16x1xi32> to vector<16xi32>
      %gather3A_819 = tpu.dynamic_gather %add3A_812[%gather3A_818] in [0] : vector<16xf32>, vector<16xi32> -> vector<16xf32>
      %add3A_820 = arith.addf %add3A_812, %gather3A_819 : vector<16xf32>
      %iota3A_821 = tpu.iota {dimensions = array<i32: 0>} : vector<16xi32>
      %xor3A_822 = arith.constant 1 : i32
      %xor3A_823 = vector.broadcast %xor3A_822 : i32 to vector<16xi32>
      %xor3A_824 = arith.xori %iota3A_821, %xor3A_823 : vector<16xi32>
      %broadcast_in_dim3A_825 = vector.shape_cast %xor3A_824 : vector<16xi32> to vector<16x1xi32>
      %gather3A_826 = vector.shape_cast %broadcast_in_dim3A_825 : vector<16x1xi32> to vector<16xi32>
      %gather3A_827 = tpu.dynamic_gather %add3A_820[%gather3A_826] in [0] : vector<16xf32>, vector<16xi32> -> vector<16xf32>
      %add3A_828 = arith.addf %add3A_820, %gather3A_827 : vector<16xf32>
      %mul3A_829 = arith.constant 7.812500e-03 : f32
      %mul3A_830 = vector.broadcast %mul3A_829 : f32 to vector<16xf32>
      %mul3A_831 = arith.mulf %add3A_828, %mul3A_830 : vector<16xf32>
      %mul3A_832 = arith.mulf %mul3A_796, %mul3A_796 : vector<16xf32>
      %sub3A = arith.subf %mul3A_831, %mul3A_832 : vector<16xf32>
      %add3A_833 = arith.constant 9.99999974E-6 : f32
      %add3A_834 = vector.broadcast %add3A_833 : f32 to vector<16xf32>
      %add3A_835 = arith.addf %sub3A, %add3A_834 : vector<16xf32>
      %bitcast_convert_type3A = tpu.bitcast %add3A_835 : vector<16xf32> -> vector<16xi32>
      %shift_right_logical3A = arith.constant 1 : i32
      %shift_right_logical3A_836 = vector.broadcast %shift_right_logical3A : i32 to vector<16xi32>
      %shift_right_logical3A_837 = arith.shrui %bitcast_convert_type3A, %shift_right_logical3A_836 : vector<16xi32>
      %sub3A_838 = arith.constant 1597463007 : i32
      %sub3A_839 = vector.broadcast %sub3A_838 : i32 to vector<16xi32>
      %sub3A_840 = arith.subi %sub3A_839, %shift_right_logical3A_837 : vector<16xi32>
      %bitcast_convert_type3A_841 = tpu.bitcast %sub3A_840 : vector<16xi32> -> vector<16xf32>
      %mul3A_842 = arith.constant 5.000000e-01 : f32
      %mul3A_843 = vector.broadcast %mul3A_842 : f32 to vector<16xf32>
      %mul3A_844 = arith.mulf %mul3A_843, %add3A_835 : vector<16xf32>
      %mul3A_845 = arith.mulf %mul3A_844, %bitcast_convert_type3A_841 : vector<16xf32>
      %mul3A_846 = arith.mulf %mul3A_845, %bitcast_convert_type3A_841 : vector<16xf32>
      %sub3A_847 = arith.constant 1.500000e+00 : f32
      %sub3A_848 = vector.broadcast %sub3A_847 : f32 to vector<16xf32>
      %sub3A_849 = arith.subf %sub3A_848, %mul3A_846 : vector<16xf32>
      %mul3A_850 = arith.mulf %bitcast_convert_type3A_841, %sub3A_849 : vector<16xf32>
      %sub3A_851 = arith.subf %add3A_290, %mul3A_796 : vector<16xf32>
      %mul3A_852 = arith.mulf %sub3A_851, %mul3A_850 : vector<16xf32>
      %swap3A = arith.index_cast %add3A_279 : i32 to index
      %swap3A_853 = arith.constant 0 : index
      %swap3A_854 = tpu.vector_load %arg7[%swap3A, %swap3A_853] {strides = array<i32>} : memref<64x128xf32, #tpu.memory_space<vmem>>, vector<1x16xf32>,
      %swap3A_855 = vector.shape_cast %swap3A_854 : vector<1x16xf32> to vector<16xf32>
      %swap3A_856 = vector.shape_cast %mul3A_852 : vector<16xf32> to vector<1x16xf32>
      tpu.vector_store %arg7[%swap3A, %swap3A_853], %swap3A_856 {strides = array<i32>} : memref<64x128xf32, #tpu.memory_space<vmem>>, vector<1x16xf32>,
      %sub3A_857 = arith.subf %add3A_302, %mul3A_796 : vector<16xf32>
      %mul3A_858 = arith.mulf %sub3A_857, %mul3A_850 : vector<16xf32>
      %swap3A_859 = arith.index_cast %add3A_279 : i32 to index
      %swap3A_860 = arith.constant 16 : index
      %swap3A_861 = tpu.vector_load %arg7[%swap3A_859, %swap3A_860] {strides = array<i32>} : memref<64x128xf32, #tpu.memory_space<vmem>>, vector<1x16xf32>,
      %swap3A_862 = vector.shape_cast %swap3A_861 : vector<1x16xf32> to vector<16xf32>
      %swap3A_863 = vector.shape_cast %mul3A_858 : vector<16xf32> to vector<1x16xf32>
      tpu.vector_store %arg7[%swap3A_859, %swap3A_860], %swap3A_863 {strides = array<i32>} : memref<64x128xf32, #tpu.memory_space<vmem>>, vector<1x16xf32>,
      %sub3A_864 = arith.subf %add3A_314, %mul3A_796 : vector<16xf32>
      %mul3A_865 = arith.mulf %sub3A_864, %mul3A_850 : vector<16xf32>
      %swap3A_866 = arith.index_cast %add3A_279 : i32 to index
      %swap3A_867 = arith.constant 32 : index
      %swap3A_868 = tpu.vector_load %arg7[%swap3A_866, %swap3A_867] {strides = array<i32>} : memref<64x128xf32, #tpu.memory_space<vmem>>, vector<1x16xf32>,
      %swap3A_869 = vector.shape_cast %swap3A_868 : vector<1x16xf32> to vector<16xf32>
      %swap3A_870 = vector.shape_cast %mul3A_865 : vector<16xf32> to vector<1x16xf32>
      tpu.vector_store %arg7[%swap3A_866, %swap3A_867], %swap3A_870 {strides = array<i32>} : memref<64x128xf32, #tpu.memory_space<vmem>>, vector<1x16xf32>,
      %sub3A_871 = arith.subf %add3A_326, %mul3A_796 : vector<16xf32>
      %mul3A_872 = arith.mulf %sub3A_871, %mul3A_850 : vector<16xf32>
      %swap3A_873 = arith.index_cast %add3A_279 : i32 to index
      %swap3A_874 = arith.constant 48 : index
      %swap3A_875 = tpu.vector_load %arg7[%swap3A_873, %swap3A_874] {strides = array<i32>} : memref<64x128xf32, #tpu.memory_space<vmem>>, vector<1x16xf32>,
      %swap3A_876 = vector.shape_cast %swap3A_875 : vector<1x16xf32> to vector<16xf32>
      %swap3A_877 = vector.shape_cast %mul3A_872 : vector<16xf32> to vector<1x16xf32>
      tpu.vector_store %arg7[%swap3A_873, %swap3A_874], %swap3A_877 {strides = array<i32>} : memref<64x128xf32, #tpu.memory_space<vmem>>, vector<1x16xf32>,
      %sub3A_878 = arith.subf %add3A_338, %mul3A_796 : vector<16xf32>
      %mul3A_879 = arith.mulf %sub3A_878, %mul3A_850 : vector<16xf32>
      %swap3A_880 = arith.index_cast %add3A_279 : i32 to index
      %swap3A_881 = arith.constant 64 : index
      %swap3A_882 = tpu.vector_load %arg7[%swap3A_880, %swap3A_881] {strides = array<i32>} : memref<64x128xf32, #tpu.memory_space<vmem>>, vector<1x16xf32>,
      %swap3A_883 = vector.shape_cast %swap3A_882 : vector<1x16xf32> to vector<16xf32>
      %swap3A_884 = vector.shape_cast %mul3A_879 : vector<16xf32> to vector<1x16xf32>
      tpu.vector_store %arg7[%swap3A_880, %swap3A_881], %swap3A_884 {strides = array<i32>} : memref<64x128xf32, #tpu.memory_space<vmem>>, vector<1x16xf32>,
      %sub3A_885 = arith.subf %add3A_350, %mul3A_796 : vector<16xf32>
      %mul3A_886 = arith.mulf %sub3A_885, %mul3A_850 : vector<16xf32>
      %swap3A_887 = arith.index_cast %add3A_279 : i32 to index
      %swap3A_888 = arith.constant 80 : index
      %swap3A_889 = tpu.vector_load %arg7[%swap3A_887, %swap3A_888] {strides = array<i32>} : memref<64x128xf32, #tpu.memory_space<vmem>>, vector<1x16xf32>,
      %swap3A_890 = vector.shape_cast %swap3A_889 : vector<1x16xf32> to vector<16xf32>
      %swap3A_891 = vector.shape_cast %mul3A_886 : vector<16xf32> to vector<1x16xf32>
      tpu.vector_store %arg7[%swap3A_887, %swap3A_888], %swap3A_891 {strides = array<i32>} : memref<64x128xf32, #tpu.memory_space<vmem>>, vector<1x16xf32>,
      %sub3A_892 = arith.subf %add3A_362, %mul3A_796 : vector<16xf32>
      %mul3A_893 = arith.mulf %sub3A_892, %mul3A_850 : vector<16xf32>
      %swap3A_894 = arith.index_cast %add3A_279 : i32 to index
      %swap3A_895 = arith.constant 96 : index
      %swap3A_896 = tpu.vector_load %arg7[%swap3A_894, %swap3A_895] {strides = array<i32>} : memref<64x128xf32, #tpu.memory_space<vmem>>, vector<1x16xf32>,
      %swap3A_897 = vector.shape_cast %swap3A_896 : vector<1x16xf32> to vector<16xf32>
      %swap3A_898 = vector.shape_cast %mul3A_893 : vector<16xf32> to vector<1x16xf32>
      tpu.vector_store %arg7[%swap3A_894, %swap3A_895], %swap3A_898 {strides = array<i32>} : memref<64x128xf32, #tpu.memory_space<vmem>>, vector<1x16xf32>,
      %sub3A_899 = arith.subf %add3A_374, %mul3A_796 : vector<16xf32>
      %mul3A_900 = arith.mulf %sub3A_899, %mul3A_850 : vector<16xf32>
      %swap3A_901 = arith.index_cast %add3A_279 : i32 to index
      %swap3A_902 = arith.constant 112 : index
      %swap3A_903 = tpu.vector_load %arg7[%swap3A_901, %swap3A_902] {strides = array<i32>} : memref<64x128xf32, #tpu.memory_space<vmem>>, vector<1x16xf32>,
      %swap3A_904 = vector.shape_cast %swap3A_903 : vector<1x16xf32> to vector<16xf32>
      %swap3A_905 = vector.shape_cast %mul3A_900 : vector<16xf32> to vector<1x16xf32>
      tpu.vector_store %arg7[%swap3A_901, %swap3A_902], %swap3A_905 {strides = array<i32>} : memref<64x128xf32, #tpu.memory_space<vmem>>, vector<1x16xf32>,
      %iota3A_906 = tpu.iota {dimensions = array<i32: 0>} : vector<16xi32>
      %xor3A_907 = arith.constant 8 : i32
      %xor3A_908 = vector.broadcast %xor3A_907 : i32 to vector<16xi32>
      %xor3A_909 = arith.xori %iota3A_906, %xor3A_908 : vector<16xi32>
      %broadcast_in_dim3A_910 = vector.shape_cast %xor3A_909 : vector<16xi32> to vector<16x1xi32>
      %gather3A_911 = vector.shape_cast %broadcast_in_dim3A_910 : vector<16x1xi32> to vector<16xi32>
      %gather3A_912 = tpu.dynamic_gather %add3A_517[%gather3A_911] in [0] : vector<16xf32>, vector<16xi32> -> vector<16xf32>
      %add3A_913 = arith.addf %add3A_517, %gather3A_912 : vector<16xf32>
      %iota3A_914 = tpu.iota {dimensions = array<i32: 0>} : vector<16xi32>
      %xor3A_915 = arith.constant 4 : i32
      %xor3A_916 = vector.broadcast %xor3A_915 : i32 to vector<16xi32>
      %xor3A_917 = arith.xori %iota3A_914, %xor3A_916 : vector<16xi32>
      %broadcast_in_dim3A_918 = vector.shape_cast %xor3A_917 : vector<16xi32> to vector<16x1xi32>
      %gather3A_919 = vector.shape_cast %broadcast_in_dim3A_918 : vector<16x1xi32> to vector<16xi32>
      %gather3A_920 = tpu.dynamic_gather %add3A_913[%gather3A_919] in [0] : vector<16xf32>, vector<16xi32> -> vector<16xf32>
      %add3A_921 = arith.addf %add3A_913, %gather3A_920 : vector<16xf32>
      %iota3A_922 = tpu.iota {dimensions = array<i32: 0>} : vector<16xi32>
      %xor3A_923 = arith.constant 2 : i32
      %xor3A_924 = vector.broadcast %xor3A_923 : i32 to vector<16xi32>
      %xor3A_925 = arith.xori %iota3A_922, %xor3A_924 : vector<16xi32>
      %broadcast_in_dim3A_926 = vector.shape_cast %xor3A_925 : vector<16xi32> to vector<16x1xi32>
      %gather3A_927 = vector.shape_cast %broadcast_in_dim3A_926 : vector<16x1xi32> to vector<16xi32>
      %gather3A_928 = tpu.dynamic_gather %add3A_921[%gather3A_927] in [0] : vector<16xf32>, vector<16xi32> -> vector<16xf32>
      %add3A_929 = arith.addf %add3A_921, %gather3A_928 : vector<16xf32>
      %iota3A_930 = tpu.iota {dimensions = array<i32: 0>} : vector<16xi32>
      %xor3A_931 = arith.constant 1 : i32
      %xor3A_932 = vector.broadcast %xor3A_931 : i32 to vector<16xi32>
      %xor3A_933 = arith.xori %iota3A_930, %xor3A_932 : vector<16xi32>
      %broadcast_in_dim3A_934 = vector.shape_cast %xor3A_933 : vector<16xi32> to vector<16x1xi32>
      %gather3A_935 = vector.shape_cast %broadcast_in_dim3A_934 : vector<16x1xi32> to vector<16xi32>
      %gather3A_936 = tpu.dynamic_gather %add3A_929[%gather3A_935] in [0] : vector<16xf32>, vector<16xi32> -> vector<16xf32>
      %add3A_937 = arith.addf %add3A_929, %gather3A_936 : vector<16xf32>
      %mul3A_938 = arith.constant 7.812500e-03 : f32
      %mul3A_939 = vector.broadcast %mul3A_938 : f32 to vector<16xf32>
      %mul3A_940 = arith.mulf %add3A_937, %mul3A_939 : vector<16xf32>
      %iota3A_941 = tpu.iota {dimensions = array<i32: 0>} : vector<16xi32>
      %xor3A_942 = arith.constant 8 : i32
      %xor3A_943 = vector.broadcast %xor3A_942 : i32 to vector<16xi32>
      %xor3A_944 = arith.xori %iota3A_941, %xor3A_943 : vector<16xi32>
      %broadcast_in_dim3A_945 = vector.shape_cast %xor3A_944 : vector<16xi32> to vector<16x1xi32>
      %gather3A_946 = vector.shape_cast %broadcast_in_dim3A_945 : vector<16x1xi32> to vector<16xi32>
      %gather3A_947 = tpu.dynamic_gather %add3A_519[%gather3A_946] in [0] : vector<16xf32>, vector<16xi32> -> vector<16xf32>
      %add3A_948 = arith.addf %add3A_519, %gather3A_947 : vector<16xf32>
      %iota3A_949 = tpu.iota {dimensions = array<i32: 0>} : vector<16xi32>
      %xor3A_950 = arith.constant 4 : i32
      %xor3A_951 = vector.broadcast %xor3A_950 : i32 to vector<16xi32>
      %xor3A_952 = arith.xori %iota3A_949, %xor3A_951 : vector<16xi32>
      %broadcast_in_dim3A_953 = vector.shape_cast %xor3A_952 : vector<16xi32> to vector<16x1xi32>
      %gather3A_954 = vector.shape_cast %broadcast_in_dim3A_953 : vector<16x1xi32> to vector<16xi32>
      %gather3A_955 = tpu.dynamic_gather %add3A_948[%gather3A_954] in [0] : vector<16xf32>, vector<16xi32> -> vector<16xf32>
      %add3A_956 = arith.addf %add3A_948, %gather3A_955 : vector<16xf32>
      %iota3A_957 = tpu.iota {dimensions = array<i32: 0>} : vector<16xi32>
      %xor3A_958 = arith.constant 2 : i32
      %xor3A_959 = vector.broadcast %xor3A_958 : i32 to vector<16xi32>
      %xor3A_960 = arith.xori %iota3A_957, %xor3A_959 : vector<16xi32>
      %broadcast_in_dim3A_961 = vector.shape_cast %xor3A_960 : vector<16xi32> to vector<16x1xi32>
      %gather3A_962 = vector.shape_cast %broadcast_in_dim3A_961 : vector<16x1xi32> to vector<16xi32>
      %gather3A_963 = tpu.dynamic_gather %add3A_956[%gather3A_962] in [0] : vector<16xf32>, vector<16xi32> -> vector<16xf32>
      %add3A_964 = arith.addf %add3A_956, %gather3A_963 : vector<16xf32>
      %iota3A_965 = tpu.iota {dimensions = array<i32: 0>} : vector<16xi32>
      %xor3A_966 = arith.constant 1 : i32
      %xor3A_967 = vector.broadcast %xor3A_966 : i32 to vector<16xi32>
      %xor3A_968 = arith.xori %iota3A_965, %xor3A_967 : vector<16xi32>
      %broadcast_in_dim3A_969 = vector.shape_cast %xor3A_968 : vector<16xi32> to vector<16x1xi32>
      %gather3A_970 = vector.shape_cast %broadcast_in_dim3A_969 : vector<16x1xi32> to vector<16xi32>
      %gather3A_971 = tpu.dynamic_gather %add3A_964[%gather3A_970] in [0] : vector<16xf32>, vector<16xi32> -> vector<16xf32>
      %add3A_972 = arith.addf %add3A_964, %gather3A_971 : vector<16xf32>
      %mul3A_973 = arith.constant 7.812500e-03 : f32
      %mul3A_974 = vector.broadcast %mul3A_973 : f32 to vector<16xf32>
      %mul3A_975 = arith.mulf %add3A_972, %mul3A_974 : vector<16xf32>
      %mul3A_976 = arith.mulf %mul3A_940, %mul3A_940 : vector<16xf32>
      %sub3A_977 = arith.subf %mul3A_975, %mul3A_976 : vector<16xf32>
      %add3A_978 = arith.constant 9.99999974E-6 : f32
      %add3A_979 = vector.broadcast %add3A_978 : f32 to vector<16xf32>
      %add3A_980 = arith.addf %sub3A_977, %add3A_979 : vector<16xf32>
      %bitcast_convert_type3A_981 = tpu.bitcast %add3A_980 : vector<16xf32> -> vector<16xi32>
      %shift_right_logical3A_982 = arith.constant 1 : i32
      %shift_right_logical3A_983 = vector.broadcast %shift_right_logical3A_982 : i32 to vector<16xi32>
      %shift_right_logical3A_984 = arith.shrui %bitcast_convert_type3A_981, %shift_right_logical3A_983 : vector<16xi32>
      %sub3A_985 = arith.constant 1597463007 : i32
      %sub3A_986 = vector.broadcast %sub3A_985 : i32 to vector<16xi32>
      %sub3A_987 = arith.subi %sub3A_986, %shift_right_logical3A_984 : vector<16xi32>
      %bitcast_convert_type3A_988 = tpu.bitcast %sub3A_987 : vector<16xi32> -> vector<16xf32>
      %mul3A_989 = arith.constant 5.000000e-01 : f32
      %mul3A_990 = vector.broadcast %mul3A_989 : f32 to vector<16xf32>
      %mul3A_991 = arith.mulf %mul3A_990, %add3A_980 : vector<16xf32>
      %mul3A_992 = arith.mulf %mul3A_991, %bitcast_convert_type3A_988 : vector<16xf32>
      %mul3A_993 = arith.mulf %mul3A_992, %bitcast_convert_type3A_988 : vector<16xf32>
      %sub3A_994 = arith.constant 1.500000e+00 : f32
      %sub3A_995 = vector.broadcast %sub3A_994 : f32 to vector<16xf32>
      %sub3A_996 = arith.subf %sub3A_995, %mul3A_993 : vector<16xf32>
      %mul3A_997 = arith.mulf %bitcast_convert_type3A_988, %sub3A_996 : vector<16xf32>
      %sub3A_998 = arith.subf %add3A_413, %mul3A_940 : vector<16xf32>
      %mul3A_999 = arith.mulf %sub3A_998, %mul3A_997 : vector<16xf32>
      %swap3A_1000 = arith.index_cast %add3A_401 : i32 to index
      %swap3A_1001 = arith.constant 0 : index
      %swap3A_1002 = tpu.vector_load %arg7[%swap3A_1000, %swap3A_1001] {strides = array<i32>} : memref<64x128xf32, #tpu.memory_space<vmem>>, vector<1x16xf32>,
      %swap3A_1003 = vector.shape_cast %swap3A_1002 : vector<1x16xf32> to vector<16xf32>
      %swap3A_1004 = vector.shape_cast %mul3A_999 : vector<16xf32> to vector<1x16xf32>
      tpu.vector_store %arg7[%swap3A_1000, %swap3A_1001], %swap3A_1004 {strides = array<i32>} : memref<64x128xf32, #tpu.memory_space<vmem>>, vector<1x16xf32>,
      %sub3A_1005 = arith.subf %add3A_425, %mul3A_940 : vector<16xf32>
      %mul3A_1006 = arith.mulf %sub3A_1005, %mul3A_997 : vector<16xf32>
      %swap3A_1007 = arith.index_cast %add3A_401 : i32 to index
      %swap3A_1008 = arith.constant 16 : index
      %swap3A_1009 = tpu.vector_load %arg7[%swap3A_1007, %swap3A_1008] {strides = array<i32>} : memref<64x128xf32, #tpu.memory_space<vmem>>, vector<1x16xf32>,
      %swap3A_1010 = vector.shape_cast %swap3A_1009 : vector<1x16xf32> to vector<16xf32>
      %swap3A_1011 = vector.shape_cast %mul3A_1006 : vector<16xf32> to vector<1x16xf32>
      tpu.vector_store %arg7[%swap3A_1007, %swap3A_1008], %swap3A_1011 {strides = array<i32>} : memref<64x128xf32, #tpu.memory_space<vmem>>, vector<1x16xf32>,
      %sub3A_1012 = arith.subf %add3A_437, %mul3A_940 : vector<16xf32>
      %mul3A_1013 = arith.mulf %sub3A_1012, %mul3A_997 : vector<16xf32>
      %swap3A_1014 = arith.index_cast %add3A_401 : i32 to index
      %swap3A_1015 = arith.constant 32 : index
      %swap3A_1016 = tpu.vector_load %arg7[%swap3A_1014, %swap3A_1015] {strides = array<i32>} : memref<64x128xf32, #tpu.memory_space<vmem>>, vector<1x16xf32>,
      %swap3A_1017 = vector.shape_cast %swap3A_1016 : vector<1x16xf32> to vector<16xf32>
      %swap3A_1018 = vector.shape_cast %mul3A_1013 : vector<16xf32> to vector<1x16xf32>
      tpu.vector_store %arg7[%swap3A_1014, %swap3A_1015], %swap3A_1018 {strides = array<i32>} : memref<64x128xf32, #tpu.memory_space<vmem>>, vector<1x16xf32>,
      %sub3A_1019 = arith.subf %add3A_449, %mul3A_940 : vector<16xf32>
      %mul3A_1020 = arith.mulf %sub3A_1019, %mul3A_997 : vector<16xf32>
      %swap3A_1021 = arith.index_cast %add3A_401 : i32 to index
      %swap3A_1022 = arith.constant 48 : index
      %swap3A_1023 = tpu.vector_load %arg7[%swap3A_1021, %swap3A_1022] {strides = array<i32>} : memref<64x128xf32, #tpu.memory_space<vmem>>, vector<1x16xf32>,
      %swap3A_1024 = vector.shape_cast %swap3A_1023 : vector<1x16xf32> to vector<16xf32>
      %swap3A_1025 = vector.shape_cast %mul3A_1020 : vector<16xf32> to vector<1x16xf32>
      tpu.vector_store %arg7[%swap3A_1021, %swap3A_1022], %swap3A_1025 {strides = array<i32>} : memref<64x128xf32, #tpu.memory_space<vmem>>, vector<1x16xf32>,
      %sub3A_1026 = arith.subf %add3A_461, %mul3A_940 : vector<16xf32>
      %mul3A_1027 = arith.mulf %sub3A_1026, %mul3A_997 : vector<16xf32>
      %swap3A_1028 = arith.index_cast %add3A_401 : i32 to index
      %swap3A_1029 = arith.constant 64 : index
      %swap3A_1030 = tpu.vector_load %arg7[%swap3A_1028, %swap3A_1029] {strides = array<i32>} : memref<64x128xf32, #tpu.memory_space<vmem>>, vector<1x16xf32>,
      %swap3A_1031 = vector.shape_cast %swap3A_1030 : vector<1x16xf32> to vector<16xf32>
      %swap3A_1032 = vector.shape_cast %mul3A_1027 : vector<16xf32> to vector<1x16xf32>
      tpu.vector_store %arg7[%swap3A_1028, %swap3A_1029], %swap3A_1032 {strides = array<i32>} : memref<64x128xf32, #tpu.memory_space<vmem>>, vector<1x16xf32>,
      %sub3A_1033 = arith.subf %add3A_473, %mul3A_940 : vector<16xf32>
      %mul3A_1034 = arith.mulf %sub3A_1033, %mul3A_997 : vector<16xf32>
      %swap3A_1035 = arith.index_cast %add3A_401 : i32 to index
      %swap3A_1036 = arith.constant 80 : index
      %swap3A_1037 = tpu.vector_load %arg7[%swap3A_1035, %swap3A_1036] {strides = array<i32>} : memref<64x128xf32, #tpu.memory_space<vmem>>, vector<1x16xf32>,
      %swap3A_1038 = vector.shape_cast %swap3A_1037 : vector<1x16xf32> to vector<16xf32>
      %swap3A_1039 = vector.shape_cast %mul3A_1034 : vector<16xf32> to vector<1x16xf32>
      tpu.vector_store %arg7[%swap3A_1035, %swap3A_1036], %swap3A_1039 {strides = array<i32>} : memref<64x128xf32, #tpu.memory_space<vmem>>, vector<1x16xf32>,
      %sub3A_1040 = arith.subf %add3A_485, %mul3A_940 : vector<16xf32>
      %mul3A_1041 = arith.mulf %sub3A_1040, %mul3A_997 : vector<16xf32>
      %swap3A_1042 = arith.index_cast %add3A_401 : i32 to index
      %swap3A_1043 = arith.constant 96 : index
      %swap3A_1044 = tpu.vector_load %arg7[%swap3A_1042, %swap3A_1043] {strides = array<i32>} : memref<64x128xf32, #tpu.memory_space<vmem>>, vector<1x16xf32>,
      %swap3A_1045 = vector.shape_cast %swap3A_1044 : vector<1x16xf32> to vector<16xf32>
      %swap3A_1046 = vector.shape_cast %mul3A_1041 : vector<16xf32> to vector<1x16xf32>
      tpu.vector_store %arg7[%swap3A_1042, %swap3A_1043], %swap3A_1046 {strides = array<i32>} : memref<64x128xf32, #tpu.memory_space<vmem>>, vector<1x16xf32>,
      %sub3A_1047 = arith.subf %add3A_497, %mul3A_940 : vector<16xf32>
      %mul3A_1048 = arith.mulf %sub3A_1047, %mul3A_997 : vector<16xf32>
      %swap3A_1049 = arith.index_cast %add3A_401 : i32 to index
      %swap3A_1050 = arith.constant 112 : index
      %swap3A_1051 = tpu.vector_load %arg7[%swap3A_1049, %swap3A_1050] {strides = array<i32>} : memref<64x128xf32, #tpu.memory_space<vmem>>, vector<1x16xf32>,
      %swap3A_1052 = vector.shape_cast %swap3A_1051 : vector<1x16xf32> to vector<16xf32>
      %swap3A_1053 = vector.shape_cast %mul3A_1048 : vector<16xf32> to vector<1x16xf32>
      tpu.vector_store %arg7[%swap3A_1049, %swap3A_1050], %swap3A_1053 {strides = array<i32>} : memref<64x128xf32, #tpu.memory_space<vmem>>, vector<1x16xf32>,
      %iota3A_1054 = tpu.iota {dimensions = array<i32: 0>} : vector<16xi32>
      %xor3A_1055 = arith.constant 8 : i32
      %xor3A_1056 = vector.broadcast %xor3A_1055 : i32 to vector<16xi32>
      %xor3A_1057 = arith.xori %iota3A_1054, %xor3A_1056 : vector<16xi32>
      %broadcast_in_dim3A_1058 = vector.shape_cast %xor3A_1057 : vector<16xi32> to vector<16x1xi32>
      %gather3A_1059 = vector.shape_cast %broadcast_in_dim3A_1058 : vector<16x1xi32> to vector<16xi32>
      %gather3A_1060 = tpu.dynamic_gather %add3A_640[%gather3A_1059] in [0] : vector<16xf32>, vector<16xi32> -> vector<16xf32>
      %add3A_1061 = arith.addf %add3A_640, %gather3A_1060 : vector<16xf32>
      %iota3A_1062 = tpu.iota {dimensions = array<i32: 0>} : vector<16xi32>
      %xor3A_1063 = arith.constant 4 : i32
      %xor3A_1064 = vector.broadcast %xor3A_1063 : i32 to vector<16xi32>
      %xor3A_1065 = arith.xori %iota3A_1062, %xor3A_1064 : vector<16xi32>
      %broadcast_in_dim3A_1066 = vector.shape_cast %xor3A_1065 : vector<16xi32> to vector<16x1xi32>
      %gather3A_1067 = vector.shape_cast %broadcast_in_dim3A_1066 : vector<16x1xi32> to vector<16xi32>
      %gather3A_1068 = tpu.dynamic_gather %add3A_1061[%gather3A_1067] in [0] : vector<16xf32>, vector<16xi32> -> vector<16xf32>
      %add3A_1069 = arith.addf %add3A_1061, %gather3A_1068 : vector<16xf32>
      %iota3A_1070 = tpu.iota {dimensions = array<i32: 0>} : vector<16xi32>
      %xor3A_1071 = arith.constant 2 : i32
      %xor3A_1072 = vector.broadcast %xor3A_1071 : i32 to vector<16xi32>
      %xor3A_1073 = arith.xori %iota3A_1070, %xor3A_1072 : vector<16xi32>
      %broadcast_in_dim3A_1074 = vector.shape_cast %xor3A_1073 : vector<16xi32> to vector<16x1xi32>
      %gather3A_1075 = vector.shape_cast %broadcast_in_dim3A_1074 : vector<16x1xi32> to vector<16xi32>
      %gather3A_1076 = tpu.dynamic_gather %add3A_1069[%gather3A_1075] in [0] : vector<16xf32>, vector<16xi32> -> vector<16xf32>
      %add3A_1077 = arith.addf %add3A_1069, %gather3A_1076 : vector<16xf32>
      %iota3A_1078 = tpu.iota {dimensions = array<i32: 0>} : vector<16xi32>
      %xor3A_1079 = arith.constant 1 : i32
      %xor3A_1080 = vector.broadcast %xor3A_1079 : i32 to vector<16xi32>
      %xor3A_1081 = arith.xori %iota3A_1078, %xor3A_1080 : vector<16xi32>
      %broadcast_in_dim3A_1082 = vector.shape_cast %xor3A_1081 : vector<16xi32> to vector<16x1xi32>
      %gather3A_1083 = vector.shape_cast %broadcast_in_dim3A_1082 : vector<16x1xi32> to vector<16xi32>
      %gather3A_1084 = tpu.dynamic_gather %add3A_1077[%gather3A_1083] in [0] : vector<16xf32>, vector<16xi32> -> vector<16xf32>
      %add3A_1085 = arith.addf %add3A_1077, %gather3A_1084 : vector<16xf32>
      %mul3A_1086 = arith.constant 7.812500e-03 : f32
      %mul3A_1087 = vector.broadcast %mul3A_1086 : f32 to vector<16xf32>
      %mul3A_1088 = arith.mulf %add3A_1085, %mul3A_1087 : vector<16xf32>
      %iota3A_1089 = tpu.iota {dimensions = array<i32: 0>} : vector<16xi32>
      %xor3A_1090 = arith.constant 8 : i32
      %xor3A_1091 = vector.broadcast %xor3A_1090 : i32 to vector<16xi32>
      %xor3A_1092 = arith.xori %iota3A_1089, %xor3A_1091 : vector<16xi32>
      %broadcast_in_dim3A_1093 = vector.shape_cast %xor3A_1092 : vector<16xi32> to vector<16x1xi32>
      %gather3A_1094 = vector.shape_cast %broadcast_in_dim3A_1093 : vector<16x1xi32> to vector<16xi32>
      %gather3A_1095 = tpu.dynamic_gather %add3A_642[%gather3A_1094] in [0] : vector<16xf32>, vector<16xi32> -> vector<16xf32>
      %add3A_1096 = arith.addf %add3A_642, %gather3A_1095 : vector<16xf32>
      %iota3A_1097 = tpu.iota {dimensions = array<i32: 0>} : vector<16xi32>
      %xor3A_1098 = arith.constant 4 : i32
      %xor3A_1099 = vector.broadcast %xor3A_1098 : i32 to vector<16xi32>
      %xor3A_1100 = arith.xori %iota3A_1097, %xor3A_1099 : vector<16xi32>
      %broadcast_in_dim3A_1101 = vector.shape_cast %xor3A_1100 : vector<16xi32> to vector<16x1xi32>
      %gather3A_1102 = vector.shape_cast %broadcast_in_dim3A_1101 : vector<16x1xi32> to vector<16xi32>
      %gather3A_1103 = tpu.dynamic_gather %add3A_1096[%gather3A_1102] in [0] : vector<16xf32>, vector<16xi32> -> vector<16xf32>
      %add3A_1104 = arith.addf %add3A_1096, %gather3A_1103 : vector<16xf32>
      %iota3A_1105 = tpu.iota {dimensions = array<i32: 0>} : vector<16xi32>
      %xor3A_1106 = arith.constant 2 : i32
      %xor3A_1107 = vector.broadcast %xor3A_1106 : i32 to vector<16xi32>
      %xor3A_1108 = arith.xori %iota3A_1105, %xor3A_1107 : vector<16xi32>
      %broadcast_in_dim3A_1109 = vector.shape_cast %xor3A_1108 : vector<16xi32> to vector<16x1xi32>
      %gather3A_1110 = vector.shape_cast %broadcast_in_dim3A_1109 : vector<16x1xi32> to vector<16xi32>
      %gather3A_1111 = tpu.dynamic_gather %add3A_1104[%gather3A_1110] in [0] : vector<16xf32>, vector<16xi32> -> vector<16xf32>
      %add3A_1112 = arith.addf %add3A_1104, %gather3A_1111 : vector<16xf32>
      %iota3A_1113 = tpu.iota {dimensions = array<i32: 0>} : vector<16xi32>
      %xor3A_1114 = arith.constant 1 : i32
      %xor3A_1115 = vector.broadcast %xor3A_1114 : i32 to vector<16xi32>
      %xor3A_1116 = arith.xori %iota3A_1113, %xor3A_1115 : vector<16xi32>
      %broadcast_in_dim3A_1117 = vector.shape_cast %xor3A_1116 : vector<16xi32> to vector<16x1xi32>
      %gather3A_1118 = vector.shape_cast %broadcast_in_dim3A_1117 : vector<16x1xi32> to vector<16xi32>
      %gather3A_1119 = tpu.dynamic_gather %add3A_1112[%gather3A_1118] in [0] : vector<16xf32>, vector<16xi32> -> vector<16xf32>
      %add3A_1120 = arith.addf %add3A_1112, %gather3A_1119 : vector<16xf32>
      %mul3A_1121 = arith.constant 7.812500e-03 : f32
      %mul3A_1122 = vector.broadcast %mul3A_1121 : f32 to vector<16xf32>
      %mul3A_1123 = arith.mulf %add3A_1120, %mul3A_1122 : vector<16xf32>
      %mul3A_1124 = arith.mulf %mul3A_1088, %mul3A_1088 : vector<16xf32>
      %sub3A_1125 = arith.subf %mul3A_1123, %mul3A_1124 : vector<16xf32>
      %add3A_1126 = arith.constant 9.99999974E-6 : f32
      %add3A_1127 = vector.broadcast %add3A_1126 : f32 to vector<16xf32>
      %add3A_1128 = arith.addf %sub3A_1125, %add3A_1127 : vector<16xf32>
      %bitcast_convert_type3A_1129 = tpu.bitcast %add3A_1128 : vector<16xf32> -> vector<16xi32>
      %shift_right_logical3A_1130 = arith.constant 1 : i32
      %shift_right_logical3A_1131 = vector.broadcast %shift_right_logical3A_1130 : i32 to vector<16xi32>
      %shift_right_logical3A_1132 = arith.shrui %bitcast_convert_type3A_1129, %shift_right_logical3A_1131 : vector<16xi32>
      %sub3A_1133 = arith.constant 1597463007 : i32
      %sub3A_1134 = vector.broadcast %sub3A_1133 : i32 to vector<16xi32>
      %sub3A_1135 = arith.subi %sub3A_1134, %shift_right_logical3A_1132 : vector<16xi32>
      %bitcast_convert_type3A_1136 = tpu.bitcast %sub3A_1135 : vector<16xi32> -> vector<16xf32>
      %mul3A_1137 = arith.constant 5.000000e-01 : f32
      %mul3A_1138 = vector.broadcast %mul3A_1137 : f32 to vector<16xf32>
      %mul3A_1139 = arith.mulf %mul3A_1138, %add3A_1128 : vector<16xf32>
      %mul3A_1140 = arith.mulf %mul3A_1139, %bitcast_convert_type3A_1136 : vector<16xf32>
      %mul3A_1141 = arith.mulf %mul3A_1140, %bitcast_convert_type3A_1136 : vector<16xf32>
      %sub3A_1142 = arith.constant 1.500000e+00 : f32
      %sub3A_1143 = vector.broadcast %sub3A_1142 : f32 to vector<16xf32>
      %sub3A_1144 = arith.subf %sub3A_1143, %mul3A_1141 : vector<16xf32>
      %mul3A_1145 = arith.mulf %bitcast_convert_type3A_1136, %sub3A_1144 : vector<16xf32>
      %sub3A_1146 = arith.subf %add3A_536, %mul3A_1088 : vector<16xf32>
      %mul3A_1147 = arith.mulf %sub3A_1146, %mul3A_1145 : vector<16xf32>
      %swap3A_1148 = arith.index_cast %add3A_524 : i32 to index
      %swap3A_1149 = arith.constant 0 : index
      %swap3A_1150 = tpu.vector_load %arg7[%swap3A_1148, %swap3A_1149] {strides = array<i32>} : memref<64x128xf32, #tpu.memory_space<vmem>>, vector<1x16xf32>,
      %swap3A_1151 = vector.shape_cast %swap3A_1150 : vector<1x16xf32> to vector<16xf32>
      %swap3A_1152 = vector.shape_cast %mul3A_1147 : vector<16xf32> to vector<1x16xf32>
      tpu.vector_store %arg7[%swap3A_1148, %swap3A_1149], %swap3A_1152 {strides = array<i32>} : memref<64x128xf32, #tpu.memory_space<vmem>>, vector<1x16xf32>,
      %sub3A_1153 = arith.subf %add3A_548, %mul3A_1088 : vector<16xf32>
      %mul3A_1154 = arith.mulf %sub3A_1153, %mul3A_1145 : vector<16xf32>
      %swap3A_1155 = arith.index_cast %add3A_524 : i32 to index
      %swap3A_1156 = arith.constant 16 : index
      %swap3A_1157 = tpu.vector_load %arg7[%swap3A_1155, %swap3A_1156] {strides = array<i32>} : memref<64x128xf32, #tpu.memory_space<vmem>>, vector<1x16xf32>,
      %swap3A_1158 = vector.shape_cast %swap3A_1157 : vector<1x16xf32> to vector<16xf32>
      %swap3A_1159 = vector.shape_cast %mul3A_1154 : vector<16xf32> to vector<1x16xf32>
      tpu.vector_store %arg7[%swap3A_1155, %swap3A_1156], %swap3A_1159 {strides = array<i32>} : memref<64x128xf32, #tpu.memory_space<vmem>>, vector<1x16xf32>,
      %sub3A_1160 = arith.subf %add3A_560, %mul3A_1088 : vector<16xf32>
      %mul3A_1161 = arith.mulf %sub3A_1160, %mul3A_1145 : vector<16xf32>
      %swap3A_1162 = arith.index_cast %add3A_524 : i32 to index
      %swap3A_1163 = arith.constant 32 : index
      %swap3A_1164 = tpu.vector_load %arg7[%swap3A_1162, %swap3A_1163] {strides = array<i32>} : memref<64x128xf32, #tpu.memory_space<vmem>>, vector<1x16xf32>,
      %swap3A_1165 = vector.shape_cast %swap3A_1164 : vector<1x16xf32> to vector<16xf32>
      %swap3A_1166 = vector.shape_cast %mul3A_1161 : vector<16xf32> to vector<1x16xf32>
      tpu.vector_store %arg7[%swap3A_1162, %swap3A_1163], %swap3A_1166 {strides = array<i32>} : memref<64x128xf32, #tpu.memory_space<vmem>>, vector<1x16xf32>,
      %sub3A_1167 = arith.subf %add3A_572, %mul3A_1088 : vector<16xf32>
      %mul3A_1168 = arith.mulf %sub3A_1167, %mul3A_1145 : vector<16xf32>
      %swap3A_1169 = arith.index_cast %add3A_524 : i32 to index
      %swap3A_1170 = arith.constant 48 : index
      %swap3A_1171 = tpu.vector_load %arg7[%swap3A_1169, %swap3A_1170] {strides = array<i32>} : memref<64x128xf32, #tpu.memory_space<vmem>>, vector<1x16xf32>,
      %swap3A_1172 = vector.shape_cast %swap3A_1171 : vector<1x16xf32> to vector<16xf32>
      %swap3A_1173 = vector.shape_cast %mul3A_1168 : vector<16xf32> to vector<1x16xf32>
      tpu.vector_store %arg7[%swap3A_1169, %swap3A_1170], %swap3A_1173 {strides = array<i32>} : memref<64x128xf32, #tpu.memory_space<vmem>>, vector<1x16xf32>,
      %sub3A_1174 = arith.subf %add3A_584, %mul3A_1088 : vector<16xf32>
      %mul3A_1175 = arith.mulf %sub3A_1174, %mul3A_1145 : vector<16xf32>
      %swap3A_1176 = arith.index_cast %add3A_524 : i32 to index
      %swap3A_1177 = arith.constant 64 : index
      %swap3A_1178 = tpu.vector_load %arg7[%swap3A_1176, %swap3A_1177] {strides = array<i32>} : memref<64x128xf32, #tpu.memory_space<vmem>>, vector<1x16xf32>,
      %swap3A_1179 = vector.shape_cast %swap3A_1178 : vector<1x16xf32> to vector<16xf32>
      %swap3A_1180 = vector.shape_cast %mul3A_1175 : vector<16xf32> to vector<1x16xf32>
      tpu.vector_store %arg7[%swap3A_1176, %swap3A_1177], %swap3A_1180 {strides = array<i32>} : memref<64x128xf32, #tpu.memory_space<vmem>>, vector<1x16xf32>,
      %sub3A_1181 = arith.subf %add3A_596, %mul3A_1088 : vector<16xf32>
      %mul3A_1182 = arith.mulf %sub3A_1181, %mul3A_1145 : vector<16xf32>
      %swap3A_1183 = arith.index_cast %add3A_524 : i32 to index
      %swap3A_1184 = arith.constant 80 : index
      %swap3A_1185 = tpu.vector_load %arg7[%swap3A_1183, %swap3A_1184] {strides = array<i32>} : memref<64x128xf32, #tpu.memory_space<vmem>>, vector<1x16xf32>,
      %swap3A_1186 = vector.shape_cast %swap3A_1185 : vector<1x16xf32> to vector<16xf32>
      %swap3A_1187 = vector.shape_cast %mul3A_1182 : vector<16xf32> to vector<1x16xf32>
      tpu.vector_store %arg7[%swap3A_1183, %swap3A_1184], %swap3A_1187 {strides = array<i32>} : memref<64x128xf32, #tpu.memory_space<vmem>>, vector<1x16xf32>,
      %sub3A_1188 = arith.subf %add3A_608, %mul3A_1088 : vector<16xf32>
      %mul3A_1189 = arith.mulf %sub3A_1188, %mul3A_1145 : vector<16xf32>
      %swap3A_1190 = arith.index_cast %add3A_524 : i32 to index
      %swap3A_1191 = arith.constant 96 : index
      %swap3A_1192 = tpu.vector_load %arg7[%swap3A_1190, %swap3A_1191] {strides = array<i32>} : memref<64x128xf32, #tpu.memory_space<vmem>>, vector<1x16xf32>,
      %swap3A_1193 = vector.shape_cast %swap3A_1192 : vector<1x16xf32> to vector<16xf32>
      %swap3A_1194 = vector.shape_cast %mul3A_1189 : vector<16xf32> to vector<1x16xf32>
      tpu.vector_store %arg7[%swap3A_1190, %swap3A_1191], %swap3A_1194 {strides = array<i32>} : memref<64x128xf32, #tpu.memory_space<vmem>>, vector<1x16xf32>,
      %sub3A_1195 = arith.subf %add3A_620, %mul3A_1088 : vector<16xf32>
      %mul3A_1196 = arith.mulf %sub3A_1195, %mul3A_1145 : vector<16xf32>
      %swap3A_1197 = arith.index_cast %add3A_524 : i32 to index
      %swap3A_1198 = arith.constant 112 : index
      %swap3A_1199 = tpu.vector_load %arg7[%swap3A_1197, %swap3A_1198] {strides = array<i32>} : memref<64x128xf32, #tpu.memory_space<vmem>>, vector<1x16xf32>,
      %swap3A_1200 = vector.shape_cast %swap3A_1199 : vector<1x16xf32> to vector<16xf32>
      %swap3A_1201 = vector.shape_cast %mul3A_1196 : vector<16xf32> to vector<1x16xf32>
      tpu.vector_store %arg7[%swap3A_1197, %swap3A_1198], %swap3A_1201 {strides = array<i32>} : memref<64x128xf32, #tpu.memory_space<vmem>>, vector<1x16xf32>,
      %iota3A_1202 = tpu.iota {dimensions = array<i32: 0>} : vector<16xi32>
      %xor3A_1203 = arith.constant 8 : i32
      %xor3A_1204 = vector.broadcast %xor3A_1203 : i32 to vector<16xi32>
      %xor3A_1205 = arith.xori %iota3A_1202, %xor3A_1204 : vector<16xi32>
      %broadcast_in_dim3A_1206 = vector.shape_cast %xor3A_1205 : vector<16xi32> to vector<16x1xi32>
      %gather3A_1207 = vector.shape_cast %broadcast_in_dim3A_1206 : vector<16x1xi32> to vector<16xi32>
      %gather3A_1208 = tpu.dynamic_gather %add3A_763[%gather3A_1207] in [0] : vector<16xf32>, vector<16xi32> -> vector<16xf32>
      %add3A_1209 = arith.addf %add3A_763, %gather3A_1208 : vector<16xf32>
      %iota3A_1210 = tpu.iota {dimensions = array<i32: 0>} : vector<16xi32>
      %xor3A_1211 = arith.constant 4 : i32
      %xor3A_1212 = vector.broadcast %xor3A_1211 : i32 to vector<16xi32>
      %xor3A_1213 = arith.xori %iota3A_1210, %xor3A_1212 : vector<16xi32>
      %broadcast_in_dim3A_1214 = vector.shape_cast %xor3A_1213 : vector<16xi32> to vector<16x1xi32>
      %gather3A_1215 = vector.shape_cast %broadcast_in_dim3A_1214 : vector<16x1xi32> to vector<16xi32>
      %gather3A_1216 = tpu.dynamic_gather %add3A_1209[%gather3A_1215] in [0] : vector<16xf32>, vector<16xi32> -> vector<16xf32>
      %add3A_1217 = arith.addf %add3A_1209, %gather3A_1216 : vector<16xf32>
      %iota3A_1218 = tpu.iota {dimensions = array<i32: 0>} : vector<16xi32>
      %xor3A_1219 = arith.constant 2 : i32
      %xor3A_1220 = vector.broadcast %xor3A_1219 : i32 to vector<16xi32>
      %xor3A_1221 = arith.xori %iota3A_1218, %xor3A_1220 : vector<16xi32>
      %broadcast_in_dim3A_1222 = vector.shape_cast %xor3A_1221 : vector<16xi32> to vector<16x1xi32>
      %gather3A_1223 = vector.shape_cast %broadcast_in_dim3A_1222 : vector<16x1xi32> to vector<16xi32>
      %gather3A_1224 = tpu.dynamic_gather %add3A_1217[%gather3A_1223] in [0] : vector<16xf32>, vector<16xi32> -> vector<16xf32>
      %add3A_1225 = arith.addf %add3A_1217, %gather3A_1224 : vector<16xf32>
      %iota3A_1226 = tpu.iota {dimensions = array<i32: 0>} : vector<16xi32>
      %xor3A_1227 = arith.constant 1 : i32
      %xor3A_1228 = vector.broadcast %xor3A_1227 : i32 to vector<16xi32>
      %xor3A_1229 = arith.xori %iota3A_1226, %xor3A_1228 : vector<16xi32>
      %broadcast_in_dim3A_1230 = vector.shape_cast %xor3A_1229 : vector<16xi32> to vector<16x1xi32>
      %gather3A_1231 = vector.shape_cast %broadcast_in_dim3A_1230 : vector<16x1xi32> to vector<16xi32>
      %gather3A_1232 = tpu.dynamic_gather %add3A_1225[%gather3A_1231] in [0] : vector<16xf32>, vector<16xi32> -> vector<16xf32>
      %add3A_1233 = arith.addf %add3A_1225, %gather3A_1232 : vector<16xf32>
      %mul3A_1234 = arith.constant 7.812500e-03 : f32
      %mul3A_1235 = vector.broadcast %mul3A_1234 : f32 to vector<16xf32>
      %mul3A_1236 = arith.mulf %add3A_1233, %mul3A_1235 : vector<16xf32>
      %iota3A_1237 = tpu.iota {dimensions = array<i32: 0>} : vector<16xi32>
      %xor3A_1238 = arith.constant 8 : i32
      %xor3A_1239 = vector.broadcast %xor3A_1238 : i32 to vector<16xi32>
      %xor3A_1240 = arith.xori %iota3A_1237, %xor3A_1239 : vector<16xi32>
      %broadcast_in_dim3A_1241 = vector.shape_cast %xor3A_1240 : vector<16xi32> to vector<16x1xi32>
      %gather3A_1242 = vector.shape_cast %broadcast_in_dim3A_1241 : vector<16x1xi32> to vector<16xi32>
      %gather3A_1243 = tpu.dynamic_gather %add3A_765[%gather3A_1242] in [0] : vector<16xf32>, vector<16xi32> -> vector<16xf32>
      %add3A_1244 = arith.addf %add3A_765, %gather3A_1243 : vector<16xf32>
      %iota3A_1245 = tpu.iota {dimensions = array<i32: 0>} : vector<16xi32>
      %xor3A_1246 = arith.constant 4 : i32
      %xor3A_1247 = vector.broadcast %xor3A_1246 : i32 to vector<16xi32>
      %xor3A_1248 = arith.xori %iota3A_1245, %xor3A_1247 : vector<16xi32>
      %broadcast_in_dim3A_1249 = vector.shape_cast %xor3A_1248 : vector<16xi32> to vector<16x1xi32>
      %gather3A_1250 = vector.shape_cast %broadcast_in_dim3A_1249 : vector<16x1xi32> to vector<16xi32>
      %gather3A_1251 = tpu.dynamic_gather %add3A_1244[%gather3A_1250] in [0] : vector<16xf32>, vector<16xi32> -> vector<16xf32>
      %add3A_1252 = arith.addf %add3A_1244, %gather3A_1251 : vector<16xf32>
      %iota3A_1253 = tpu.iota {dimensions = array<i32: 0>} : vector<16xi32>
      %xor3A_1254 = arith.constant 2 : i32
      %xor3A_1255 = vector.broadcast %xor3A_1254 : i32 to vector<16xi32>
      %xor3A_1256 = arith.xori %iota3A_1253, %xor3A_1255 : vector<16xi32>
      %broadcast_in_dim3A_1257 = vector.shape_cast %xor3A_1256 : vector<16xi32> to vector<16x1xi32>
      %gather3A_1258 = vector.shape_cast %broadcast_in_dim3A_1257 : vector<16x1xi32> to vector<16xi32>
      %gather3A_1259 = tpu.dynamic_gather %add3A_1252[%gather3A_1258] in [0] : vector<16xf32>, vector<16xi32> -> vector<16xf32>
      %add3A_1260 = arith.addf %add3A_1252, %gather3A_1259 : vector<16xf32>
      %iota3A_1261 = tpu.iota {dimensions = array<i32: 0>} : vector<16xi32>
      %xor3A_1262 = arith.constant 1 : i32
      %xor3A_1263 = vector.broadcast %xor3A_1262 : i32 to vector<16xi32>
      %xor3A_1264 = arith.xori %iota3A_1261, %xor3A_1263 : vector<16xi32>
      %broadcast_in_dim3A_1265 = vector.shape_cast %xor3A_1264 : vector<16xi32> to vector<16x1xi32>
      %gather3A_1266 = vector.shape_cast %broadcast_in_dim3A_1265 : vector<16x1xi32> to vector<16xi32>
      %gather3A_1267 = tpu.dynamic_gather %add3A_1260[%gather3A_1266] in [0] : vector<16xf32>, vector<16xi32> -> vector<16xf32>
      %add3A_1268 = arith.addf %add3A_1260, %gather3A_1267 : vector<16xf32>
      %mul3A_1269 = arith.constant 7.812500e-03 : f32
      %mul3A_1270 = vector.broadcast %mul3A_1269 : f32 to vector<16xf32>
      %mul3A_1271 = arith.mulf %add3A_1268, %mul3A_1270 : vector<16xf32>
      %mul3A_1272 = arith.mulf %mul3A_1236, %mul3A_1236 : vector<16xf32>
      %sub3A_1273 = arith.subf %mul3A_1271, %mul3A_1272 : vector<16xf32>
      %add3A_1274 = arith.constant 9.99999974E-6 : f32
      %add3A_1275 = vector.broadcast %add3A_1274 : f32 to vector<16xf32>
      %add3A_1276 = arith.addf %sub3A_1273, %add3A_1275 : vector<16xf32>
      %bitcast_convert_type3A_1277 = tpu.bitcast %add3A_1276 : vector<16xf32> -> vector<16xi32>
      %shift_right_logical3A_1278 = arith.constant 1 : i32
      %shift_right_logical3A_1279 = vector.broadcast %shift_right_logical3A_1278 : i32 to vector<16xi32>
      %shift_right_logical3A_1280 = arith.shrui %bitcast_convert_type3A_1277, %shift_right_logical3A_1279 : vector<16xi32>
      %sub3A_1281 = arith.constant 1597463007 : i32
      %sub3A_1282 = vector.broadcast %sub3A_1281 : i32 to vector<16xi32>
      %sub3A_1283 = arith.subi %sub3A_1282, %shift_right_logical3A_1280 : vector<16xi32>
      %bitcast_convert_type3A_1284 = tpu.bitcast %sub3A_1283 : vector<16xi32> -> vector<16xf32>
      %mul3A_1285 = arith.constant 5.000000e-01 : f32
      %mul3A_1286 = vector.broadcast %mul3A_1285 : f32 to vector<16xf32>
      %mul3A_1287 = arith.mulf %mul3A_1286, %add3A_1276 : vector<16xf32>
      %mul3A_1288 = arith.mulf %mul3A_1287, %bitcast_convert_type3A_1284 : vector<16xf32>
      %mul3A_1289 = arith.mulf %mul3A_1288, %bitcast_convert_type3A_1284 : vector<16xf32>
      %sub3A_1290 = arith.constant 1.500000e+00 : f32
      %sub3A_1291 = vector.broadcast %sub3A_1290 : f32 to vector<16xf32>
      %sub3A_1292 = arith.subf %sub3A_1291, %mul3A_1289 : vector<16xf32>
      %mul3A_1293 = arith.mulf %bitcast_convert_type3A_1284, %sub3A_1292 : vector<16xf32>
      %sub3A_1294 = arith.subf %add3A_659, %mul3A_1236 : vector<16xf32>
      %mul3A_1295 = arith.mulf %sub3A_1294, %mul3A_1293 : vector<16xf32>
      %swap3A_1296 = arith.index_cast %add3A_647 : i32 to index
      %swap3A_1297 = arith.constant 0 : index
      %swap3A_1298 = tpu.vector_load %arg7[%swap3A_1296, %swap3A_1297] {strides = array<i32>} : memref<64x128xf32, #tpu.memory_space<vmem>>, vector<1x16xf32>,
      %swap3A_1299 = vector.shape_cast %swap3A_1298 : vector<1x16xf32> to vector<16xf32>
      %swap3A_1300 = vector.shape_cast %mul3A_1295 : vector<16xf32> to vector<1x16xf32>
      tpu.vector_store %arg7[%swap3A_1296, %swap3A_1297], %swap3A_1300 {strides = array<i32>} : memref<64x128xf32, #tpu.memory_space<vmem>>, vector<1x16xf32>,
      %sub3A_1301 = arith.subf %add3A_671, %mul3A_1236 : vector<16xf32>
      %mul3A_1302 = arith.mulf %sub3A_1301, %mul3A_1293 : vector<16xf32>
      %swap3A_1303 = arith.index_cast %add3A_647 : i32 to index
      %swap3A_1304 = arith.constant 16 : index
      %swap3A_1305 = tpu.vector_load %arg7[%swap3A_1303, %swap3A_1304] {strides = array<i32>} : memref<64x128xf32, #tpu.memory_space<vmem>>, vector<1x16xf32>,
      %swap3A_1306 = vector.shape_cast %swap3A_1305 : vector<1x16xf32> to vector<16xf32>
      %swap3A_1307 = vector.shape_cast %mul3A_1302 : vector<16xf32> to vector<1x16xf32>
      tpu.vector_store %arg7[%swap3A_1303, %swap3A_1304], %swap3A_1307 {strides = array<i32>} : memref<64x128xf32, #tpu.memory_space<vmem>>, vector<1x16xf32>,
      %sub3A_1308 = arith.subf %add3A_683, %mul3A_1236 : vector<16xf32>
      %mul3A_1309 = arith.mulf %sub3A_1308, %mul3A_1293 : vector<16xf32>
      %swap3A_1310 = arith.index_cast %add3A_647 : i32 to index
      %swap3A_1311 = arith.constant 32 : index
      %swap3A_1312 = tpu.vector_load %arg7[%swap3A_1310, %swap3A_1311] {strides = array<i32>} : memref<64x128xf32, #tpu.memory_space<vmem>>, vector<1x16xf32>,
      %swap3A_1313 = vector.shape_cast %swap3A_1312 : vector<1x16xf32> to vector<16xf32>
      %swap3A_1314 = vector.shape_cast %mul3A_1309 : vector<16xf32> to vector<1x16xf32>
      tpu.vector_store %arg7[%swap3A_1310, %swap3A_1311], %swap3A_1314 {strides = array<i32>} : memref<64x128xf32, #tpu.memory_space<vmem>>, vector<1x16xf32>,
      %sub3A_1315 = arith.subf %add3A_695, %mul3A_1236 : vector<16xf32>
      %mul3A_1316 = arith.mulf %sub3A_1315, %mul3A_1293 : vector<16xf32>
      %swap3A_1317 = arith.index_cast %add3A_647 : i32 to index
      %swap3A_1318 = arith.constant 48 : index
      %swap3A_1319 = tpu.vector_load %arg7[%swap3A_1317, %swap3A_1318] {strides = array<i32>} : memref<64x128xf32, #tpu.memory_space<vmem>>, vector<1x16xf32>,
      %swap3A_1320 = vector.shape_cast %swap3A_1319 : vector<1x16xf32> to vector<16xf32>
      %swap3A_1321 = vector.shape_cast %mul3A_1316 : vector<16xf32> to vector<1x16xf32>
      tpu.vector_store %arg7[%swap3A_1317, %swap3A_1318], %swap3A_1321 {strides = array<i32>} : memref<64x128xf32, #tpu.memory_space<vmem>>, vector<1x16xf32>,
      %sub3A_1322 = arith.subf %add3A_707, %mul3A_1236 : vector<16xf32>
      %mul3A_1323 = arith.mulf %sub3A_1322, %mul3A_1293 : vector<16xf32>
      %swap3A_1324 = arith.index_cast %add3A_647 : i32 to index
      %swap3A_1325 = arith.constant 64 : index
      %swap3A_1326 = tpu.vector_load %arg7[%swap3A_1324, %swap3A_1325] {strides = array<i32>} : memref<64x128xf32, #tpu.memory_space<vmem>>, vector<1x16xf32>,
      %swap3A_1327 = vector.shape_cast %swap3A_1326 : vector<1x16xf32> to vector<16xf32>
      %swap3A_1328 = vector.shape_cast %mul3A_1323 : vector<16xf32> to vector<1x16xf32>
      tpu.vector_store %arg7[%swap3A_1324, %swap3A_1325], %swap3A_1328 {strides = array<i32>} : memref<64x128xf32, #tpu.memory_space<vmem>>, vector<1x16xf32>,
      %sub3A_1329 = arith.subf %add3A_719, %mul3A_1236 : vector<16xf32>
      %mul3A_1330 = arith.mulf %sub3A_1329, %mul3A_1293 : vector<16xf32>
      %swap3A_1331 = arith.index_cast %add3A_647 : i32 to index
      %swap3A_1332 = arith.constant 80 : index
      %swap3A_1333 = tpu.vector_load %arg7[%swap3A_1331, %swap3A_1332] {strides = array<i32>} : memref<64x128xf32, #tpu.memory_space<vmem>>, vector<1x16xf32>,
      %swap3A_1334 = vector.shape_cast %swap3A_1333 : vector<1x16xf32> to vector<16xf32>
      %swap3A_1335 = vector.shape_cast %mul3A_1330 : vector<16xf32> to vector<1x16xf32>
      tpu.vector_store %arg7[%swap3A_1331, %swap3A_1332], %swap3A_1335 {strides = array<i32>} : memref<64x128xf32, #tpu.memory_space<vmem>>, vector<1x16xf32>,
      %sub3A_1336 = arith.subf %add3A_731, %mul3A_1236 : vector<16xf32>
      %mul3A_1337 = arith.mulf %sub3A_1336, %mul3A_1293 : vector<16xf32>
      %swap3A_1338 = arith.index_cast %add3A_647 : i32 to index
      %swap3A_1339 = arith.constant 96 : index
      %swap3A_1340 = tpu.vector_load %arg7[%swap3A_1338, %swap3A_1339] {strides = array<i32>} : memref<64x128xf32, #tpu.memory_space<vmem>>, vector<1x16xf32>,
      %swap3A_1341 = vector.shape_cast %swap3A_1340 : vector<1x16xf32> to vector<16xf32>
      %swap3A_1342 = vector.shape_cast %mul3A_1337 : vector<16xf32> to vector<1x16xf32>
      tpu.vector_store %arg7[%swap3A_1338, %swap3A_1339], %swap3A_1342 {strides = array<i32>} : memref<64x128xf32, #tpu.memory_space<vmem>>, vector<1x16xf32>,
      %sub3A_1343 = arith.subf %add3A_743, %mul3A_1236 : vector<16xf32>
      %mul3A_1344 = arith.mulf %sub3A_1343, %mul3A_1293 : vector<16xf32>
      %swap3A_1345 = arith.index_cast %add3A_647 : i32 to index
      %swap3A_1346 = arith.constant 112 : index
      %swap3A_1347 = tpu.vector_load %arg7[%swap3A_1345, %swap3A_1346] {strides = array<i32>} : memref<64x128xf32, #tpu.memory_space<vmem>>, vector<1x16xf32>,
      %swap3A_1348 = vector.shape_cast %swap3A_1347 : vector<1x16xf32> to vector<16xf32>
      %swap3A_1349 = vector.shape_cast %mul3A_1344 : vector<16xf32> to vector<1x16xf32>
      tpu.vector_store %arg7[%swap3A_1345, %swap3A_1346], %swap3A_1349 {strides = array<i32>} : memref<64x128xf32, #tpu.memory_space<vmem>>, vector<1x16xf32>,
    }
    %scan3A_35 = arith.constant 8 : i32
    %add3A_36 = arith.constant 0 : i32
    %add3A_37 = arith.addi %mul3A_2, %add3A_36 : i32
    %dma_start3A_38 = arith.constant 0 : i32
    %dma_start3A_39 = arith.constant 0 : i32
    %dma_start3A_40 = arith.constant 0 : i32
    %dma_start3A_41 = tpu.memref_slice %arg7[%dma_start3A_39, %dma_start3A_40] : memref<64x128xf32, #tpu.memory_space<vmem>> -> memref<32x128xf32, #tpu.memory_space<vmem>>
    %dma_start3A_42 = arith.constant 0 : i32
    %dma_start3A_43 = tpu.memref_slice %arg5[%dma_start3A_38, %add3A_37, %dma_start3A_42] : memref<4x2048x128xf32, #tpu.memory_space<hbm>> -> memref<1x32x128xf32, #tpu.memory_space<hbm>>
    %dma_start3A_44 = tpu.memref_squeeze %dma_start3A_43 : memref<1x32x128xf32, #tpu.memory_space<hbm>> -> memref<32x128xf32, #tpu.memory_space<hbm>>
    %dma_start3A_45 = arith.constant 0 : i32
    %dma_start3A_46 = tpu.memref_slice %arg5[%dma_start3A_38, %add3A_37, %dma_start3A_45] : memref<4x2048x128xf32, #tpu.memory_space<hbm>> -> memref<1x32x128xf32, #tpu.memory_space<hbm>>
    %dma_start3A_47 = tpu.memref_squeeze %dma_start3A_46 : memref<1x32x128xf32, #tpu.memory_space<hbm>> -> memref<32x128xf32, #tpu.memory_space<hbm>>
    %dma_start3A_48 = arith.constant 0 : i32
    %dma_start3A_49 = arith.constant 0 : i32
    %dma_start3A_50 = tpu.memref_slice %arg7[%dma_start3A_48, %dma_start3A_49] : memref<64x128xf32, #tpu.memory_space<vmem>> -> memref<32x128xf32, #tpu.memory_space<vmem>>
    tpu.enqueue_dma source(%dma_start3A_50 : memref<32x128xf32, #tpu.memory_space<vmem>>) target(%dma_start3A_47 : memref<32x128xf32, #tpu.memory_space<hbm>>) target_semaphore(%arg12 : memref<!tpu.dma_semaphore, #tpu.memory_space<semaphore_mem>>)
    %add3A_51 = arith.constant 0 : i32
    %add3A_52 = arith.addi %mul3A_2, %add3A_51 : i32
    %dma_start3A_53 = arith.constant 1 : i32
    %dma_start3A_54 = arith.constant 0 : i32
    %dma_start3A_55 = arith.constant 0 : i32
    %dma_start3A_56 = tpu.memref_slice %arg7[%dma_start3A_54, %dma_start3A_55] : memref<64x128xf32, #tpu.memory_space<vmem>> -> memref<32x128xf32, #tpu.memory_space<vmem>>
    %dma_start3A_57 = arith.constant 0 : i32
    %dma_start3A_58 = tpu.memref_slice %arg5[%dma_start3A_53, %add3A_52, %dma_start3A_57] : memref<4x2048x128xf32, #tpu.memory_space<hbm>> -> memref<1x32x128xf32, #tpu.memory_space<hbm>>
    %dma_start3A_59 = tpu.memref_squeeze %dma_start3A_58 : memref<1x32x128xf32, #tpu.memory_space<hbm>> -> memref<32x128xf32, #tpu.memory_space<hbm>>
    %dma_start3A_60 = arith.constant 0 : i32
    %dma_start3A_61 = tpu.memref_slice %arg5[%dma_start3A_53, %add3A_52, %dma_start3A_60] : memref<4x2048x128xf32, #tpu.memory_space<hbm>> -> memref<1x32x128xf32, #tpu.memory_space<hbm>>
    %dma_start3A_62 = tpu.memref_squeeze %dma_start3A_61 : memref<1x32x128xf32, #tpu.memory_space<hbm>> -> memref<32x128xf32, #tpu.memory_space<hbm>>
    %dma_start3A_63 = arith.constant 0 : i32
    %dma_start3A_64 = arith.constant 0 : i32
    %dma_start3A_65 = tpu.memref_slice %arg7[%dma_start3A_63, %dma_start3A_64] : memref<64x128xf32, #tpu.memory_space<vmem>> -> memref<32x128xf32, #tpu.memory_space<vmem>>
    tpu.enqueue_dma source(%dma_start3A_65 : memref<32x128xf32, #tpu.memory_space<vmem>>) target(%dma_start3A_62 : memref<32x128xf32, #tpu.memory_space<hbm>>) target_semaphore(%arg12 : memref<!tpu.dma_semaphore, #tpu.memory_space<semaphore_mem>>)
    %add3A_66 = arith.constant 0 : i32
    %add3A_67 = arith.addi %mul3A_2, %add3A_66 : i32
    %dma_start3A_68 = arith.constant 2 : i32
    %dma_start3A_69 = arith.constant 0 : i32
    %dma_start3A_70 = arith.constant 0 : i32
    %dma_start3A_71 = tpu.memref_slice %arg7[%dma_start3A_69, %dma_start3A_70] : memref<64x128xf32, #tpu.memory_space<vmem>> -> memref<32x128xf32, #tpu.memory_space<vmem>>
    %dma_start3A_72 = arith.constant 0 : i32
    %dma_start3A_73 = tpu.memref_slice %arg5[%dma_start3A_68, %add3A_67, %dma_start3A_72] : memref<4x2048x128xf32, #tpu.memory_space<hbm>> -> memref<1x32x128xf32, #tpu.memory_space<hbm>>
    %dma_start3A_74 = tpu.memref_squeeze %dma_start3A_73 : memref<1x32x128xf32, #tpu.memory_space<hbm>> -> memref<32x128xf32, #tpu.memory_space<hbm>>
    %dma_start3A_75 = arith.constant 0 : i32
    %dma_start3A_76 = tpu.memref_slice %arg5[%dma_start3A_68, %add3A_67, %dma_start3A_75] : memref<4x2048x128xf32, #tpu.memory_space<hbm>> -> memref<1x32x128xf32, #tpu.memory_space<hbm>>
    %dma_start3A_77 = tpu.memref_squeeze %dma_start3A_76 : memref<1x32x128xf32, #tpu.memory_space<hbm>> -> memref<32x128xf32, #tpu.memory_space<hbm>>
    %dma_start3A_78 = arith.constant 0 : i32
    %dma_start3A_79 = arith.constant 0 : i32
    %dma_start3A_80 = tpu.memref_slice %arg7[%dma_start3A_78, %dma_start3A_79] : memref<64x128xf32, #tpu.memory_space<vmem>> -> memref<32x128xf32, #tpu.memory_space<vmem>>
    tpu.enqueue_dma source(%dma_start3A_80 : memref<32x128xf32, #tpu.memory_space<vmem>>) target(%dma_start3A_77 : memref<32x128xf32, #tpu.memory_space<hbm>>) target_semaphore(%arg12 : memref<!tpu.dma_semaphore, #tpu.memory_space<semaphore_mem>>)
    %add3A_81 = arith.constant 0 : i32
    %add3A_82 = arith.addi %mul3A_2, %add3A_81 : i32
    %dma_start3A_83 = arith.constant 3 : i32
    %dma_start3A_84 = arith.constant 0 : i32
    %dma_start3A_85 = arith.constant 0 : i32
    %dma_start3A_86 = tpu.memref_slice %arg7[%dma_start3A_84, %dma_start3A_85] : memref<64x128xf32, #tpu.memory_space<vmem>> -> memref<32x128xf32, #tpu.memory_space<vmem>>
    %dma_start3A_87 = arith.constant 0 : i32
    %dma_start3A_88 = tpu.memref_slice %arg5[%dma_start3A_83, %add3A_82, %dma_start3A_87] : memref<4x2048x128xf32, #tpu.memory_space<hbm>> -> memref<1x32x128xf32, #tpu.memory_space<hbm>>
    %dma_start3A_89 = tpu.memref_squeeze %dma_start3A_88 : memref<1x32x128xf32, #tpu.memory_space<hbm>> -> memref<32x128xf32, #tpu.memory_space<hbm>>
    %dma_start3A_90 = arith.constant 0 : i32
    %dma_start3A_91 = tpu.memref_slice %arg5[%dma_start3A_83, %add3A_82, %dma_start3A_90] : memref<4x2048x128xf32, #tpu.memory_space<hbm>> -> memref<1x32x128xf32, #tpu.memory_space<hbm>>
    %dma_start3A_92 = tpu.memref_squeeze %dma_start3A_91 : memref<1x32x128xf32, #tpu.memory_space<hbm>> -> memref<32x128xf32, #tpu.memory_space<hbm>>
    %dma_start3A_93 = arith.constant 0 : i32
    %dma_start3A_94 = arith.constant 0 : i32
    %dma_start3A_95 = tpu.memref_slice %arg7[%dma_start3A_93, %dma_start3A_94] : memref<64x128xf32, #tpu.memory_space<vmem>> -> memref<32x128xf32, #tpu.memory_space<vmem>>
    tpu.enqueue_dma source(%dma_start3A_95 : memref<32x128xf32, #tpu.memory_space<vmem>>) target(%dma_start3A_92 : memref<32x128xf32, #tpu.memory_space<hbm>>) target_semaphore(%arg12 : memref<!tpu.dma_semaphore, #tpu.memory_space<semaphore_mem>>)
    %dma_wait3A_96 = arith.constant 32 : i32
    %dma_wait3A_97 = arith.constant 0 : i32
    %dma_wait3A_98 = tpu.memref_slice %arg7[%dma_wait3A_96, %dma_wait3A_97] : memref<64x128xf32, #tpu.memory_space<vmem>> -> memref<32x128xf32, #tpu.memory_space<vmem>>
    %dma_wait3A_99 = arith.constant 32 : i32
    %dma_wait3A_100 = tpu.memref_slice %arg6[%dma_wait3A_99] : memref<64xi32, #tpu.memory_space<vmem>> -> memref<32xi32, #tpu.memory_space<vmem>>
    %dma_wait3A_101 = arith.constant 0 : i32
    %dma_wait3A_102 = arith.constant 0 : i32
    %dma_wait3A_103 = tpu.memref_slice %arg3[%dma_wait3A_101, %dma_wait3A_102] : memref<100000x128xf32, #tpu.memory_space<hbm>> -> memref<100000x128xf32, #tpu.memory_space<hbm>>
    tpu.wait_indirect_dma semaphore(%arg10 : memref<!tpu.dma_semaphore, #tpu.memory_space<semaphore_mem>>) src(%dma_wait3A_103 : memref<100000x128xf32, #tpu.memory_space<hbm>>) dst(%dma_wait3A_98 : memref<32x128xf32, #tpu.memory_space<vmem>>)
    %scan3A_104 = arith.constant 32 : i32
    %scan3A_105 = arith.constant 0 : i32
    %scan3A_106 = arith.constant 8 : i32
    %scan3A_107 = arith.addi %scan3A_105, %scan3A_106 : i32
    %scan3A_108 = arith.constant 1 : i32
    scf.for %scan3A_274 = %scan3A_105 to %scan3A_107 step %scan3A_108  : i32 {
      %mul3A_275 = arith.constant 4 : i32
      %mul3A_276 = arith.muli %scan3A_274, %mul3A_275 : i32
      %add3A_277 = arith.addi %scan3A_104, %mul3A_276 : i32
      %add3A_278 = arith.constant 0 : i32
      %add3A_279 = arith.addi %add3A_277, %add3A_278 : i32
      %get3A = arith.index_cast %add3A_279 : i32 to index
      %get3A_280 = arith.constant 0 : index
      %get3A_281 = tpu.vector_load %arg7[%get3A, %get3A_280] {strides = array<i32>} : memref<64x128xf32, #tpu.memory_space<vmem>>, vector<1x16xf32>,
      %get3A_282 = vector.shape_cast %get3A_281 : vector<1x16xf32> to vector<16xf32>
      %mul3A_283 = arith.constant 128 : i32
      %mul3A_284 = arith.muli %add3A_279, %mul3A_283 : i32
      %add3A_285 = arith.constant 0 : i32
      %add3A_286 = arith.addi %mul3A_284, %add3A_285 : i32
      %get3A_287 = arith.index_cast %add3A_286 : i32 to index
      %get3A_288 = tpu.vector_load %arg8[%get3A_287] {strides = array<i32>} : memref<8192xf32, #tpu.memory_space<vmem>>, vector<16xf32>,
      %get3A_289 = vector.shape_cast %get3A_288 : vector<16xf32> to vector<16xf32>
      %add3A_290 = arith.addf %get3A_282, %get3A_289 : vector<16xf32>
      %get3A_291 = arith.index_cast %add3A_279 : i32 to index
      %get3A_292 = arith.constant 16 : index
      %get3A_293 = tpu.vector_load %arg7[%get3A_291, %get3A_292] {strides = array<i32>} : memref<64x128xf32, #tpu.memory_space<vmem>>, vector<1x16xf32>,
      %get3A_294 = vector.shape_cast %get3A_293 : vector<1x16xf32> to vector<16xf32>
      %mul3A_295 = arith.constant 128 : i32
      %mul3A_296 = arith.muli %add3A_279, %mul3A_295 : i32
      %add3A_297 = arith.constant 16 : i32
      %add3A_298 = arith.addi %mul3A_296, %add3A_297 : i32
      %get3A_299 = arith.index_cast %add3A_298 : i32 to index
      %get3A_300 = tpu.vector_load %arg8[%get3A_299] {strides = array<i32>} : memref<8192xf32, #tpu.memory_space<vmem>>, vector<16xf32>,
      %get3A_301 = vector.shape_cast %get3A_300 : vector<16xf32> to vector<16xf32>
      %add3A_302 = arith.addf %get3A_294, %get3A_301 : vector<16xf32>
      %get3A_303 = arith.index_cast %add3A_279 : i32 to index
      %get3A_304 = arith.constant 32 : index
      %get3A_305 = tpu.vector_load %arg7[%get3A_303, %get3A_304] {strides = array<i32>} : memref<64x128xf32, #tpu.memory_space<vmem>>, vector<1x16xf32>,
      %get3A_306 = vector.shape_cast %get3A_305 : vector<1x16xf32> to vector<16xf32>
      %mul3A_307 = arith.constant 128 : i32
      %mul3A_308 = arith.muli %add3A_279, %mul3A_307 : i32
      %add3A_309 = arith.constant 32 : i32
      %add3A_310 = arith.addi %mul3A_308, %add3A_309 : i32
      %get3A_311 = arith.index_cast %add3A_310 : i32 to index
      %get3A_312 = tpu.vector_load %arg8[%get3A_311] {strides = array<i32>} : memref<8192xf32, #tpu.memory_space<vmem>>, vector<16xf32>,
      %get3A_313 = vector.shape_cast %get3A_312 : vector<16xf32> to vector<16xf32>
      %add3A_314 = arith.addf %get3A_306, %get3A_313 : vector<16xf32>
      %get3A_315 = arith.index_cast %add3A_279 : i32 to index
      %get3A_316 = arith.constant 48 : index
      %get3A_317 = tpu.vector_load %arg7[%get3A_315, %get3A_316] {strides = array<i32>} : memref<64x128xf32, #tpu.memory_space<vmem>>, vector<1x16xf32>,
      %get3A_318 = vector.shape_cast %get3A_317 : vector<1x16xf32> to vector<16xf32>
      %mul3A_319 = arith.constant 128 : i32
      %mul3A_320 = arith.muli %add3A_279, %mul3A_319 : i32
      %add3A_321 = arith.constant 48 : i32
      %add3A_322 = arith.addi %mul3A_320, %add3A_321 : i32
      %get3A_323 = arith.index_cast %add3A_322 : i32 to index
      %get3A_324 = tpu.vector_load %arg8[%get3A_323] {strides = array<i32>} : memref<8192xf32, #tpu.memory_space<vmem>>, vector<16xf32>,
      %get3A_325 = vector.shape_cast %get3A_324 : vector<16xf32> to vector<16xf32>
      %add3A_326 = arith.addf %get3A_318, %get3A_325 : vector<16xf32>
      %get3A_327 = arith.index_cast %add3A_279 : i32 to index
      %get3A_328 = arith.constant 64 : index
      %get3A_329 = tpu.vector_load %arg7[%get3A_327, %get3A_328] {strides = array<i32>} : memref<64x128xf32, #tpu.memory_space<vmem>>, vector<1x16xf32>,
      %get3A_330 = vector.shape_cast %get3A_329 : vector<1x16xf32> to vector<16xf32>
      %mul3A_331 = arith.constant 128 : i32
      %mul3A_332 = arith.muli %add3A_279, %mul3A_331 : i32
      %add3A_333 = arith.constant 64 : i32
      %add3A_334 = arith.addi %mul3A_332, %add3A_333 : i32
      %get3A_335 = arith.index_cast %add3A_334 : i32 to index
      %get3A_336 = tpu.vector_load %arg8[%get3A_335] {strides = array<i32>} : memref<8192xf32, #tpu.memory_space<vmem>>, vector<16xf32>,
      %get3A_337 = vector.shape_cast %get3A_336 : vector<16xf32> to vector<16xf32>
      %add3A_338 = arith.addf %get3A_330, %get3A_337 : vector<16xf32>
      %get3A_339 = arith.index_cast %add3A_279 : i32 to index
      %get3A_340 = arith.constant 80 : index
      %get3A_341 = tpu.vector_load %arg7[%get3A_339, %get3A_340] {strides = array<i32>} : memref<64x128xf32, #tpu.memory_space<vmem>>, vector<1x16xf32>,
      %get3A_342 = vector.shape_cast %get3A_341 : vector<1x16xf32> to vector<16xf32>
      %mul3A_343 = arith.constant 128 : i32
      %mul3A_344 = arith.muli %add3A_279, %mul3A_343 : i32
      %add3A_345 = arith.constant 80 : i32
      %add3A_346 = arith.addi %mul3A_344, %add3A_345 : i32
      %get3A_347 = arith.index_cast %add3A_346 : i32 to index
      %get3A_348 = tpu.vector_load %arg8[%get3A_347] {strides = array<i32>} : memref<8192xf32, #tpu.memory_space<vmem>>, vector<16xf32>,
      %get3A_349 = vector.shape_cast %get3A_348 : vector<16xf32> to vector<16xf32>
      %add3A_350 = arith.addf %get3A_342, %get3A_349 : vector<16xf32>
      %get3A_351 = arith.index_cast %add3A_279 : i32 to index
      %get3A_352 = arith.constant 96 : index
      %get3A_353 = tpu.vector_load %arg7[%get3A_351, %get3A_352] {strides = array<i32>} : memref<64x128xf32, #tpu.memory_space<vmem>>, vector<1x16xf32>,
      %get3A_354 = vector.shape_cast %get3A_353 : vector<1x16xf32> to vector<16xf32>
      %mul3A_355 = arith.constant 128 : i32
      %mul3A_356 = arith.muli %add3A_279, %mul3A_355 : i32
      %add3A_357 = arith.constant 96 : i32
      %add3A_358 = arith.addi %mul3A_356, %add3A_357 : i32
      %get3A_359 = arith.index_cast %add3A_358 : i32 to index
      %get3A_360 = tpu.vector_load %arg8[%get3A_359] {strides = array<i32>} : memref<8192xf32, #tpu.memory_space<vmem>>, vector<16xf32>,
      %get3A_361 = vector.shape_cast %get3A_360 : vector<16xf32> to vector<16xf32>
      %add3A_362 = arith.addf %get3A_354, %get3A_361 : vector<16xf32>
      %get3A_363 = arith.index_cast %add3A_279 : i32 to index
      %get3A_364 = arith.constant 112 : index
      %get3A_365 = tpu.vector_load %arg7[%get3A_363, %get3A_364] {strides = array<i32>} : memref<64x128xf32, #tpu.memory_space<vmem>>, vector<1x16xf32>,
      %get3A_366 = vector.shape_cast %get3A_365 : vector<1x16xf32> to vector<16xf32>
      %mul3A_367 = arith.constant 128 : i32
      %mul3A_368 = arith.muli %add3A_279, %mul3A_367 : i32
      %add3A_369 = arith.constant 112 : i32
      %add3A_370 = arith.addi %mul3A_368, %add3A_369 : i32
      %get3A_371 = arith.index_cast %add3A_370 : i32 to index
      %get3A_372 = tpu.vector_load %arg8[%get3A_371] {strides = array<i32>} : memref<8192xf32, #tpu.memory_space<vmem>>, vector<16xf32>,
      %get3A_373 = vector.shape_cast %get3A_372 : vector<16xf32> to vector<16xf32>
      %add3A_374 = arith.addf %get3A_366, %get3A_373 : vector<16xf32>
      %mul3A_375 = arith.mulf %add3A_290, %add3A_290 : vector<16xf32>
      %add3A_376 = arith.addf %add3A_290, %add3A_302 : vector<16xf32>
      %mul3A_377 = arith.mulf %add3A_302, %add3A_302 : vector<16xf32>
      %add3A_378 = arith.addf %mul3A_375, %mul3A_377 : vector<16xf32>
      %add3A_379 = arith.addf %add3A_376, %add3A_314 : vector<16xf32>
      %mul3A_380 = arith.mulf %add3A_314, %add3A_314 : vector<16xf32>
      %add3A_381 = arith.addf %add3A_378, %mul3A_380 : vector<16xf32>
      %add3A_382 = arith.addf %add3A_379, %add3A_326 : vector<16xf32>
      %mul3A_383 = arith.mulf %add3A_326, %add3A_326 : vector<16xf32>
      %add3A_384 = arith.addf %add3A_381, %mul3A_383 : vector<16xf32>
      %add3A_385 = arith.addf %add3A_382, %add3A_338 : vector<16xf32>
      %mul3A_386 = arith.mulf %add3A_338, %add3A_338 : vector<16xf32>
      %add3A_387 = arith.addf %add3A_384, %mul3A_386 : vector<16xf32>
      %add3A_388 = arith.addf %add3A_385, %add3A_350 : vector<16xf32>
      %mul3A_389 = arith.mulf %add3A_350, %add3A_350 : vector<16xf32>
      %add3A_390 = arith.addf %add3A_387, %mul3A_389 : vector<16xf32>
      %add3A_391 = arith.addf %add3A_388, %add3A_362 : vector<16xf32>
      %mul3A_392 = arith.mulf %add3A_362, %add3A_362 : vector<16xf32>
      %add3A_393 = arith.addf %add3A_390, %mul3A_392 : vector<16xf32>
      %add3A_394 = arith.addf %add3A_391, %add3A_374 : vector<16xf32>
      %mul3A_395 = arith.mulf %add3A_374, %add3A_374 : vector<16xf32>
      %add3A_396 = arith.addf %add3A_393, %mul3A_395 : vector<16xf32>
      %mul3A_397 = arith.constant 4 : i32
      %mul3A_398 = arith.muli %scan3A_274, %mul3A_397 : i32
      %add3A_399 = arith.addi %scan3A_104, %mul3A_398 : i32
      %add3A_400 = arith.constant 1 : i32
      %add3A_401 = arith.addi %add3A_399, %add3A_400 : i32
      %get3A_402 = arith.index_cast %add3A_401 : i32 to index
      %get3A_403 = arith.constant 0 : index
      %get3A_404 = tpu.vector_load %arg7[%get3A_402, %get3A_403] {strides = array<i32>} : memref<64x128xf32, #tpu.memory_space<vmem>>, vector<1x16xf32>,
      %get3A_405 = vector.shape_cast %get3A_404 : vector<1x16xf32> to vector<16xf32>
      %mul3A_406 = arith.constant 128 : i32
      %mul3A_407 = arith.muli %add3A_401, %mul3A_406 : i32
      %add3A_408 = arith.constant 0 : i32
      %add3A_409 = arith.addi %mul3A_407, %add3A_408 : i32
      %get3A_410 = arith.index_cast %add3A_409 : i32 to index
      %get3A_411 = tpu.vector_load %arg8[%get3A_410] {strides = array<i32>} : memref<8192xf32, #tpu.memory_space<vmem>>, vector<16xf32>,
      %get3A_412 = vector.shape_cast %get3A_411 : vector<16xf32> to vector<16xf32>
      %add3A_413 = arith.addf %get3A_405, %get3A_412 : vector<16xf32>
      %get3A_414 = arith.index_cast %add3A_401 : i32 to index
      %get3A_415 = arith.constant 16 : index
      %get3A_416 = tpu.vector_load %arg7[%get3A_414, %get3A_415] {strides = array<i32>} : memref<64x128xf32, #tpu.memory_space<vmem>>, vector<1x16xf32>,
      %get3A_417 = vector.shape_cast %get3A_416 : vector<1x16xf32> to vector<16xf32>
      %mul3A_418 = arith.constant 128 : i32
      %mul3A_419 = arith.muli %add3A_401, %mul3A_418 : i32
      %add3A_420 = arith.constant 16 : i32
      %add3A_421 = arith.addi %mul3A_419, %add3A_420 : i32
      %get3A_422 = arith.index_cast %add3A_421 : i32 to index
      %get3A_423 = tpu.vector_load %arg8[%get3A_422] {strides = array<i32>} : memref<8192xf32, #tpu.memory_space<vmem>>, vector<16xf32>,
      %get3A_424 = vector.shape_cast %get3A_423 : vector<16xf32> to vector<16xf32>
      %add3A_425 = arith.addf %get3A_417, %get3A_424 : vector<16xf32>
      %get3A_426 = arith.index_cast %add3A_401 : i32 to index
      %get3A_427 = arith.constant 32 : index
      %get3A_428 = tpu.vector_load %arg7[%get3A_426, %get3A_427] {strides = array<i32>} : memref<64x128xf32, #tpu.memory_space<vmem>>, vector<1x16xf32>,
      %get3A_429 = vector.shape_cast %get3A_428 : vector<1x16xf32> to vector<16xf32>
      %mul3A_430 = arith.constant 128 : i32
      %mul3A_431 = arith.muli %add3A_401, %mul3A_430 : i32
      %add3A_432 = arith.constant 32 : i32
      %add3A_433 = arith.addi %mul3A_431, %add3A_432 : i32
      %get3A_434 = arith.index_cast %add3A_433 : i32 to index
      %get3A_435 = tpu.vector_load %arg8[%get3A_434] {strides = array<i32>} : memref<8192xf32, #tpu.memory_space<vmem>>, vector<16xf32>,
      %get3A_436 = vector.shape_cast %get3A_435 : vector<16xf32> to vector<16xf32>
      %add3A_437 = arith.addf %get3A_429, %get3A_436 : vector<16xf32>
      %get3A_438 = arith.index_cast %add3A_401 : i32 to index
      %get3A_439 = arith.constant 48 : index
      %get3A_440 = tpu.vector_load %arg7[%get3A_438, %get3A_439] {strides = array<i32>} : memref<64x128xf32, #tpu.memory_space<vmem>>, vector<1x16xf32>,
      %get3A_441 = vector.shape_cast %get3A_440 : vector<1x16xf32> to vector<16xf32>
      %mul3A_442 = arith.constant 128 : i32
      %mul3A_443 = arith.muli %add3A_401, %mul3A_442 : i32
      %add3A_444 = arith.constant 48 : i32
      %add3A_445 = arith.addi %mul3A_443, %add3A_444 : i32
      %get3A_446 = arith.index_cast %add3A_445 : i32 to index
      %get3A_447 = tpu.vector_load %arg8[%get3A_446] {strides = array<i32>} : memref<8192xf32, #tpu.memory_space<vmem>>, vector<16xf32>,
      %get3A_448 = vector.shape_cast %get3A_447 : vector<16xf32> to vector<16xf32>
      %add3A_449 = arith.addf %get3A_441, %get3A_448 : vector<16xf32>
      %get3A_450 = arith.index_cast %add3A_401 : i32 to index
      %get3A_451 = arith.constant 64 : index
      %get3A_452 = tpu.vector_load %arg7[%get3A_450, %get3A_451] {strides = array<i32>} : memref<64x128xf32, #tpu.memory_space<vmem>>, vector<1x16xf32>,
      %get3A_453 = vector.shape_cast %get3A_452 : vector<1x16xf32> to vector<16xf32>
      %mul3A_454 = arith.constant 128 : i32
      %mul3A_455 = arith.muli %add3A_401, %mul3A_454 : i32
      %add3A_456 = arith.constant 64 : i32
      %add3A_457 = arith.addi %mul3A_455, %add3A_456 : i32
      %get3A_458 = arith.index_cast %add3A_457 : i32 to index
      %get3A_459 = tpu.vector_load %arg8[%get3A_458] {strides = array<i32>} : memref<8192xf32, #tpu.memory_space<vmem>>, vector<16xf32>,
      %get3A_460 = vector.shape_cast %get3A_459 : vector<16xf32> to vector<16xf32>
      %add3A_461 = arith.addf %get3A_453, %get3A_460 : vector<16xf32>
      %get3A_462 = arith.index_cast %add3A_401 : i32 to index
      %get3A_463 = arith.constant 80 : index
      %get3A_464 = tpu.vector_load %arg7[%get3A_462, %get3A_463] {strides = array<i32>} : memref<64x128xf32, #tpu.memory_space<vmem>>, vector<1x16xf32>,
      %get3A_465 = vector.shape_cast %get3A_464 : vector<1x16xf32> to vector<16xf32>
      %mul3A_466 = arith.constant 128 : i32
      %mul3A_467 = arith.muli %add3A_401, %mul3A_466 : i32
      %add3A_468 = arith.constant 80 : i32
      %add3A_469 = arith.addi %mul3A_467, %add3A_468 : i32
      %get3A_470 = arith.index_cast %add3A_469 : i32 to index
      %get3A_471 = tpu.vector_load %arg8[%get3A_470] {strides = array<i32>} : memref<8192xf32, #tpu.memory_space<vmem>>, vector<16xf32>,
      %get3A_472 = vector.shape_cast %get3A_471 : vector<16xf32> to vector<16xf32>
      %add3A_473 = arith.addf %get3A_465, %get3A_472 : vector<16xf32>
      %get3A_474 = arith.index_cast %add3A_401 : i32 to index
      %get3A_475 = arith.constant 96 : index
      %get3A_476 = tpu.vector_load %arg7[%get3A_474, %get3A_475] {strides = array<i32>} : memref<64x128xf32, #tpu.memory_space<vmem>>, vector<1x16xf32>,
      %get3A_477 = vector.shape_cast %get3A_476 : vector<1x16xf32> to vector<16xf32>
      %mul3A_478 = arith.constant 128 : i32
      %mul3A_479 = arith.muli %add3A_401, %mul3A_478 : i32
      %add3A_480 = arith.constant 96 : i32
      %add3A_481 = arith.addi %mul3A_479, %add3A_480 : i32
      %get3A_482 = arith.index_cast %add3A_481 : i32 to index
      %get3A_483 = tpu.vector_load %arg8[%get3A_482] {strides = array<i32>} : memref<8192xf32, #tpu.memory_space<vmem>>, vector<16xf32>,
      %get3A_484 = vector.shape_cast %get3A_483 : vector<16xf32> to vector<16xf32>
      %add3A_485 = arith.addf %get3A_477, %get3A_484 : vector<16xf32>
      %get3A_486 = arith.index_cast %add3A_401 : i32 to index
      %get3A_487 = arith.constant 112 : index
      %get3A_488 = tpu.vector_load %arg7[%get3A_486, %get3A_487] {strides = array<i32>} : memref<64x128xf32, #tpu.memory_space<vmem>>, vector<1x16xf32>,
      %get3A_489 = vector.shape_cast %get3A_488 : vector<1x16xf32> to vector<16xf32>
      %mul3A_490 = arith.constant 128 : i32
      %mul3A_491 = arith.muli %add3A_401, %mul3A_490 : i32
      %add3A_492 = arith.constant 112 : i32
      %add3A_493 = arith.addi %mul3A_491, %add3A_492 : i32
      %get3A_494 = arith.index_cast %add3A_493 : i32 to index
      %get3A_495 = tpu.vector_load %arg8[%get3A_494] {strides = array<i32>} : memref<8192xf32, #tpu.memory_space<vmem>>, vector<16xf32>,
      %get3A_496 = vector.shape_cast %get3A_495 : vector<16xf32> to vector<16xf32>
      %add3A_497 = arith.addf %get3A_489, %get3A_496 : vector<16xf32>
      %mul3A_498 = arith.mulf %add3A_413, %add3A_413 : vector<16xf32>
      %add3A_499 = arith.addf %add3A_413, %add3A_425 : vector<16xf32>
      %mul3A_500 = arith.mulf %add3A_425, %add3A_425 : vector<16xf32>
      %add3A_501 = arith.addf %mul3A_498, %mul3A_500 : vector<16xf32>
      %add3A_502 = arith.addf %add3A_499, %add3A_437 : vector<16xf32>
      %mul3A_503 = arith.mulf %add3A_437, %add3A_437 : vector<16xf32>
      %add3A_504 = arith.addf %add3A_501, %mul3A_503 : vector<16xf32>
      %add3A_505 = arith.addf %add3A_502, %add3A_449 : vector<16xf32>
      %mul3A_506 = arith.mulf %add3A_449, %add3A_449 : vector<16xf32>
      %add3A_507 = arith.addf %add3A_504, %mul3A_506 : vector<16xf32>
      %add3A_508 = arith.addf %add3A_505, %add3A_461 : vector<16xf32>
      %mul3A_509 = arith.mulf %add3A_461, %add3A_461 : vector<16xf32>
      %add3A_510 = arith.addf %add3A_507, %mul3A_509 : vector<16xf32>
      %add3A_511 = arith.addf %add3A_508, %add3A_473 : vector<16xf32>
      %mul3A_512 = arith.mulf %add3A_473, %add3A_473 : vector<16xf32>
      %add3A_513 = arith.addf %add3A_510, %mul3A_512 : vector<16xf32>
      %add3A_514 = arith.addf %add3A_511, %add3A_485 : vector<16xf32>
      %mul3A_515 = arith.mulf %add3A_485, %add3A_485 : vector<16xf32>
      %add3A_516 = arith.addf %add3A_513, %mul3A_515 : vector<16xf32>
      %add3A_517 = arith.addf %add3A_514, %add3A_497 : vector<16xf32>
      %mul3A_518 = arith.mulf %add3A_497, %add3A_497 : vector<16xf32>
      %add3A_519 = arith.addf %add3A_516, %mul3A_518 : vector<16xf32>
      %mul3A_520 = arith.constant 4 : i32
      %mul3A_521 = arith.muli %scan3A_274, %mul3A_520 : i32
      %add3A_522 = arith.addi %scan3A_104, %mul3A_521 : i32
      %add3A_523 = arith.constant 2 : i32
      %add3A_524 = arith.addi %add3A_522, %add3A_523 : i32
      %get3A_525 = arith.index_cast %add3A_524 : i32 to index
      %get3A_526 = arith.constant 0 : index
      %get3A_527 = tpu.vector_load %arg7[%get3A_525, %get3A_526] {strides = array<i32>} : memref<64x128xf32, #tpu.memory_space<vmem>>, vector<1x16xf32>,
      %get3A_528 = vector.shape_cast %get3A_527 : vector<1x16xf32> to vector<16xf32>
      %mul3A_529 = arith.constant 128 : i32
      %mul3A_530 = arith.muli %add3A_524, %mul3A_529 : i32
      %add3A_531 = arith.constant 0 : i32
      %add3A_532 = arith.addi %mul3A_530, %add3A_531 : i32
      %get3A_533 = arith.index_cast %add3A_532 : i32 to index
      %get3A_534 = tpu.vector_load %arg8[%get3A_533] {strides = array<i32>} : memref<8192xf32, #tpu.memory_space<vmem>>, vector<16xf32>,
      %get3A_535 = vector.shape_cast %get3A_534 : vector<16xf32> to vector<16xf32>
      %add3A_536 = arith.addf %get3A_528, %get3A_535 : vector<16xf32>
      %get3A_537 = arith.index_cast %add3A_524 : i32 to index
      %get3A_538 = arith.constant 16 : index
      %get3A_539 = tpu.vector_load %arg7[%get3A_537, %get3A_538] {strides = array<i32>} : memref<64x128xf32, #tpu.memory_space<vmem>>, vector<1x16xf32>,
      %get3A_540 = vector.shape_cast %get3A_539 : vector<1x16xf32> to vector<16xf32>
      %mul3A_541 = arith.constant 128 : i32
      %mul3A_542 = arith.muli %add3A_524, %mul3A_541 : i32
      %add3A_543 = arith.constant 16 : i32
      %add3A_544 = arith.addi %mul3A_542, %add3A_543 : i32
      %get3A_545 = arith.index_cast %add3A_544 : i32 to index
      %get3A_546 = tpu.vector_load %arg8[%get3A_545] {strides = array<i32>} : memref<8192xf32, #tpu.memory_space<vmem>>, vector<16xf32>,
      %get3A_547 = vector.shape_cast %get3A_546 : vector<16xf32> to vector<16xf32>
      %add3A_548 = arith.addf %get3A_540, %get3A_547 : vector<16xf32>
      %get3A_549 = arith.index_cast %add3A_524 : i32 to index
      %get3A_550 = arith.constant 32 : index
      %get3A_551 = tpu.vector_load %arg7[%get3A_549, %get3A_550] {strides = array<i32>} : memref<64x128xf32, #tpu.memory_space<vmem>>, vector<1x16xf32>,
      %get3A_552 = vector.shape_cast %get3A_551 : vector<1x16xf32> to vector<16xf32>
      %mul3A_553 = arith.constant 128 : i32
      %mul3A_554 = arith.muli %add3A_524, %mul3A_553 : i32
      %add3A_555 = arith.constant 32 : i32
      %add3A_556 = arith.addi %mul3A_554, %add3A_555 : i32
      %get3A_557 = arith.index_cast %add3A_556 : i32 to index
      %get3A_558 = tpu.vector_load %arg8[%get3A_557] {strides = array<i32>} : memref<8192xf32, #tpu.memory_space<vmem>>, vector<16xf32>,
      %get3A_559 = vector.shape_cast %get3A_558 : vector<16xf32> to vector<16xf32>
      %add3A_560 = arith.addf %get3A_552, %get3A_559 : vector<16xf32>
      %get3A_561 = arith.index_cast %add3A_524 : i32 to index
      %get3A_562 = arith.constant 48 : index
      %get3A_563 = tpu.vector_load %arg7[%get3A_561, %get3A_562] {strides = array<i32>} : memref<64x128xf32, #tpu.memory_space<vmem>>, vector<1x16xf32>,
      %get3A_564 = vector.shape_cast %get3A_563 : vector<1x16xf32> to vector<16xf32>
      %mul3A_565 = arith.constant 128 : i32
      %mul3A_566 = arith.muli %add3A_524, %mul3A_565 : i32
      %add3A_567 = arith.constant 48 : i32
      %add3A_568 = arith.addi %mul3A_566, %add3A_567 : i32
      %get3A_569 = arith.index_cast %add3A_568 : i32 to index
      %get3A_570 = tpu.vector_load %arg8[%get3A_569] {strides = array<i32>} : memref<8192xf32, #tpu.memory_space<vmem>>, vector<16xf32>,
      %get3A_571 = vector.shape_cast %get3A_570 : vector<16xf32> to vector<16xf32>
      %add3A_572 = arith.addf %get3A_564, %get3A_571 : vector<16xf32>
      %get3A_573 = arith.index_cast %add3A_524 : i32 to index
      %get3A_574 = arith.constant 64 : index
      %get3A_575 = tpu.vector_load %arg7[%get3A_573, %get3A_574] {strides = array<i32>} : memref<64x128xf32, #tpu.memory_space<vmem>>, vector<1x16xf32>,
      %get3A_576 = vector.shape_cast %get3A_575 : vector<1x16xf32> to vector<16xf32>
      %mul3A_577 = arith.constant 128 : i32
      %mul3A_578 = arith.muli %add3A_524, %mul3A_577 : i32
      %add3A_579 = arith.constant 64 : i32
      %add3A_580 = arith.addi %mul3A_578, %add3A_579 : i32
      %get3A_581 = arith.index_cast %add3A_580 : i32 to index
      %get3A_582 = tpu.vector_load %arg8[%get3A_581] {strides = array<i32>} : memref<8192xf32, #tpu.memory_space<vmem>>, vector<16xf32>,
      %get3A_583 = vector.shape_cast %get3A_582 : vector<16xf32> to vector<16xf32>
      %add3A_584 = arith.addf %get3A_576, %get3A_583 : vector<16xf32>
      %get3A_585 = arith.index_cast %add3A_524 : i32 to index
      %get3A_586 = arith.constant 80 : index
      %get3A_587 = tpu.vector_load %arg7[%get3A_585, %get3A_586] {strides = array<i32>} : memref<64x128xf32, #tpu.memory_space<vmem>>, vector<1x16xf32>,
      %get3A_588 = vector.shape_cast %get3A_587 : vector<1x16xf32> to vector<16xf32>
      %mul3A_589 = arith.constant 128 : i32
      %mul3A_590 = arith.muli %add3A_524, %mul3A_589 : i32
      %add3A_591 = arith.constant 80 : i32
      %add3A_592 = arith.addi %mul3A_590, %add3A_591 : i32
      %get3A_593 = arith.index_cast %add3A_592 : i32 to index
      %get3A_594 = tpu.vector_load %arg8[%get3A_593] {strides = array<i32>} : memref<8192xf32, #tpu.memory_space<vmem>>, vector<16xf32>,
      %get3A_595 = vector.shape_cast %get3A_594 : vector<16xf32> to vector<16xf32>
      %add3A_596 = arith.addf %get3A_588, %get3A_595 : vector<16xf32>
      %get3A_597 = arith.index_cast %add3A_524 : i32 to index
      %get3A_598 = arith.constant 96 : index
      %get3A_599 = tpu.vector_load %arg7[%get3A_597, %get3A_598] {strides = array<i32>} : memref<64x128xf32, #tpu.memory_space<vmem>>, vector<1x16xf32>,
      %get3A_600 = vector.shape_cast %get3A_599 : vector<1x16xf32> to vector<16xf32>
      %mul3A_601 = arith.constant 128 : i32
      %mul3A_602 = arith.muli %add3A_524, %mul3A_601 : i32
      %add3A_603 = arith.constant 96 : i32
      %add3A_604 = arith.addi %mul3A_602, %add3A_603 : i32
      %get3A_605 = arith.index_cast %add3A_604 : i32 to index
      %get3A_606 = tpu.vector_load %arg8[%get3A_605] {strides = array<i32>} : memref<8192xf32, #tpu.memory_space<vmem>>, vector<16xf32>,
      %get3A_607 = vector.shape_cast %get3A_606 : vector<16xf32> to vector<16xf32>
      %add3A_608 = arith.addf %get3A_600, %get3A_607 : vector<16xf32>
      %get3A_609 = arith.index_cast %add3A_524 : i32 to index
      %get3A_610 = arith.constant 112 : index
      %get3A_611 = tpu.vector_load %arg7[%get3A_609, %get3A_610] {strides = array<i32>} : memref<64x128xf32, #tpu.memory_space<vmem>>, vector<1x16xf32>,
      %get3A_612 = vector.shape_cast %get3A_611 : vector<1x16xf32> to vector<16xf32>
      %mul3A_613 = arith.constant 128 : i32
      %mul3A_614 = arith.muli %add3A_524, %mul3A_613 : i32
      %add3A_615 = arith.constant 112 : i32
      %add3A_616 = arith.addi %mul3A_614, %add3A_615 : i32
      %get3A_617 = arith.index_cast %add3A_616 : i32 to index
      %get3A_618 = tpu.vector_load %arg8[%get3A_617] {strides = array<i32>} : memref<8192xf32, #tpu.memory_space<vmem>>, vector<16xf32>,
      %get3A_619 = vector.shape_cast %get3A_618 : vector<16xf32> to vector<16xf32>
      %add3A_620 = arith.addf %get3A_612, %get3A_619 : vector<16xf32>
      %mul3A_621 = arith.mulf %add3A_536, %add3A_536 : vector<16xf32>
      %add3A_622 = arith.addf %add3A_536, %add3A_548 : vector<16xf32>
      %mul3A_623 = arith.mulf %add3A_548, %add3A_548 : vector<16xf32>
      %add3A_624 = arith.addf %mul3A_621, %mul3A_623 : vector<16xf32>
      %add3A_625 = arith.addf %add3A_622, %add3A_560 : vector<16xf32>
      %mul3A_626 = arith.mulf %add3A_560, %add3A_560 : vector<16xf32>
      %add3A_627 = arith.addf %add3A_624, %mul3A_626 : vector<16xf32>
      %add3A_628 = arith.addf %add3A_625, %add3A_572 : vector<16xf32>
      %mul3A_629 = arith.mulf %add3A_572, %add3A_572 : vector<16xf32>
      %add3A_630 = arith.addf %add3A_627, %mul3A_629 : vector<16xf32>
      %add3A_631 = arith.addf %add3A_628, %add3A_584 : vector<16xf32>
      %mul3A_632 = arith.mulf %add3A_584, %add3A_584 : vector<16xf32>
      %add3A_633 = arith.addf %add3A_630, %mul3A_632 : vector<16xf32>
      %add3A_634 = arith.addf %add3A_631, %add3A_596 : vector<16xf32>
      %mul3A_635 = arith.mulf %add3A_596, %add3A_596 : vector<16xf32>
      %add3A_636 = arith.addf %add3A_633, %mul3A_635 : vector<16xf32>
      %add3A_637 = arith.addf %add3A_634, %add3A_608 : vector<16xf32>
      %mul3A_638 = arith.mulf %add3A_608, %add3A_608 : vector<16xf32>
      %add3A_639 = arith.addf %add3A_636, %mul3A_638 : vector<16xf32>
      %add3A_640 = arith.addf %add3A_637, %add3A_620 : vector<16xf32>
      %mul3A_641 = arith.mulf %add3A_620, %add3A_620 : vector<16xf32>
      %add3A_642 = arith.addf %add3A_639, %mul3A_641 : vector<16xf32>
      %mul3A_643 = arith.constant 4 : i32
      %mul3A_644 = arith.muli %scan3A_274, %mul3A_643 : i32
      %add3A_645 = arith.addi %scan3A_104, %mul3A_644 : i32
      %add3A_646 = arith.constant 3 : i32
      %add3A_647 = arith.addi %add3A_645, %add3A_646 : i32
      %get3A_648 = arith.index_cast %add3A_647 : i32 to index
      %get3A_649 = arith.constant 0 : index
      %get3A_650 = tpu.vector_load %arg7[%get3A_648, %get3A_649] {strides = array<i32>} : memref<64x128xf32, #tpu.memory_space<vmem>>, vector<1x16xf32>,
      %get3A_651 = vector.shape_cast %get3A_650 : vector<1x16xf32> to vector<16xf32>
      %mul3A_652 = arith.constant 128 : i32
      %mul3A_653 = arith.muli %add3A_647, %mul3A_652 : i32
      %add3A_654 = arith.constant 0 : i32
      %add3A_655 = arith.addi %mul3A_653, %add3A_654 : i32
      %get3A_656 = arith.index_cast %add3A_655 : i32 to index
      %get3A_657 = tpu.vector_load %arg8[%get3A_656] {strides = array<i32>} : memref<8192xf32, #tpu.memory_space<vmem>>, vector<16xf32>,
      %get3A_658 = vector.shape_cast %get3A_657 : vector<16xf32> to vector<16xf32>
      %add3A_659 = arith.addf %get3A_651, %get3A_658 : vector<16xf32>
      %get3A_660 = arith.index_cast %add3A_647 : i32 to index
      %get3A_661 = arith.constant 16 : index
      %get3A_662 = tpu.vector_load %arg7[%get3A_660, %get3A_661] {strides = array<i32>} : memref<64x128xf32, #tpu.memory_space<vmem>>, vector<1x16xf32>,
      %get3A_663 = vector.shape_cast %get3A_662 : vector<1x16xf32> to vector<16xf32>
      %mul3A_664 = arith.constant 128 : i32
      %mul3A_665 = arith.muli %add3A_647, %mul3A_664 : i32
      %add3A_666 = arith.constant 16 : i32
      %add3A_667 = arith.addi %mul3A_665, %add3A_666 : i32
      %get3A_668 = arith.index_cast %add3A_667 : i32 to index
      %get3A_669 = tpu.vector_load %arg8[%get3A_668] {strides = array<i32>} : memref<8192xf32, #tpu.memory_space<vmem>>, vector<16xf32>,
      %get3A_670 = vector.shape_cast %get3A_669 : vector<16xf32> to vector<16xf32>
      %add3A_671 = arith.addf %get3A_663, %get3A_670 : vector<16xf32>
      %get3A_672 = arith.index_cast %add3A_647 : i32 to index
      %get3A_673 = arith.constant 32 : index
      %get3A_674 = tpu.vector_load %arg7[%get3A_672, %get3A_673] {strides = array<i32>} : memref<64x128xf32, #tpu.memory_space<vmem>>, vector<1x16xf32>,
      %get3A_675 = vector.shape_cast %get3A_674 : vector<1x16xf32> to vector<16xf32>
      %mul3A_676 = arith.constant 128 : i32
      %mul3A_677 = arith.muli %add3A_647, %mul3A_676 : i32
      %add3A_678 = arith.constant 32 : i32
      %add3A_679 = arith.addi %mul3A_677, %add3A_678 : i32
      %get3A_680 = arith.index_cast %add3A_679 : i32 to index
      %get3A_681 = tpu.vector_load %arg8[%get3A_680] {strides = array<i32>} : memref<8192xf32, #tpu.memory_space<vmem>>, vector<16xf32>,
      %get3A_682 = vector.shape_cast %get3A_681 : vector<16xf32> to vector<16xf32>
      %add3A_683 = arith.addf %get3A_675, %get3A_682 : vector<16xf32>
      %get3A_684 = arith.index_cast %add3A_647 : i32 to index
      %get3A_685 = arith.constant 48 : index
      %get3A_686 = tpu.vector_load %arg7[%get3A_684, %get3A_685] {strides = array<i32>} : memref<64x128xf32, #tpu.memory_space<vmem>>, vector<1x16xf32>,
      %get3A_687 = vector.shape_cast %get3A_686 : vector<1x16xf32> to vector<16xf32>
      %mul3A_688 = arith.constant 128 : i32
      %mul3A_689 = arith.muli %add3A_647, %mul3A_688 : i32
      %add3A_690 = arith.constant 48 : i32
      %add3A_691 = arith.addi %mul3A_689, %add3A_690 : i32
      %get3A_692 = arith.index_cast %add3A_691 : i32 to index
      %get3A_693 = tpu.vector_load %arg8[%get3A_692] {strides = array<i32>} : memref<8192xf32, #tpu.memory_space<vmem>>, vector<16xf32>,
      %get3A_694 = vector.shape_cast %get3A_693 : vector<16xf32> to vector<16xf32>
      %add3A_695 = arith.addf %get3A_687, %get3A_694 : vector<16xf32>
      %get3A_696 = arith.index_cast %add3A_647 : i32 to index
      %get3A_697 = arith.constant 64 : index
      %get3A_698 = tpu.vector_load %arg7[%get3A_696, %get3A_697] {strides = array<i32>} : memref<64x128xf32, #tpu.memory_space<vmem>>, vector<1x16xf32>,
      %get3A_699 = vector.shape_cast %get3A_698 : vector<1x16xf32> to vector<16xf32>
      %mul3A_700 = arith.constant 128 : i32
      %mul3A_701 = arith.muli %add3A_647, %mul3A_700 : i32
      %add3A_702 = arith.constant 64 : i32
      %add3A_703 = arith.addi %mul3A_701, %add3A_702 : i32
      %get3A_704 = arith.index_cast %add3A_703 : i32 to index
      %get3A_705 = tpu.vector_load %arg8[%get3A_704] {strides = array<i32>} : memref<8192xf32, #tpu.memory_space<vmem>>, vector<16xf32>,
      %get3A_706 = vector.shape_cast %get3A_705 : vector<16xf32> to vector<16xf32>
      %add3A_707 = arith.addf %get3A_699, %get3A_706 : vector<16xf32>
      %get3A_708 = arith.index_cast %add3A_647 : i32 to index
      %get3A_709 = arith.constant 80 : index
      %get3A_710 = tpu.vector_load %arg7[%get3A_708, %get3A_709] {strides = array<i32>} : memref<64x128xf32, #tpu.memory_space<vmem>>, vector<1x16xf32>,
      %get3A_711 = vector.shape_cast %get3A_710 : vector<1x16xf32> to vector<16xf32>
      %mul3A_712 = arith.constant 128 : i32
      %mul3A_713 = arith.muli %add3A_647, %mul3A_712 : i32
      %add3A_714 = arith.constant 80 : i32
      %add3A_715 = arith.addi %mul3A_713, %add3A_714 : i32
      %get3A_716 = arith.index_cast %add3A_715 : i32 to index
      %get3A_717 = tpu.vector_load %arg8[%get3A_716] {strides = array<i32>} : memref<8192xf32, #tpu.memory_space<vmem>>, vector<16xf32>,
      %get3A_718 = vector.shape_cast %get3A_717 : vector<16xf32> to vector<16xf32>
      %add3A_719 = arith.addf %get3A_711, %get3A_718 : vector<16xf32>
      %get3A_720 = arith.index_cast %add3A_647 : i32 to index
      %get3A_721 = arith.constant 96 : index
      %get3A_722 = tpu.vector_load %arg7[%get3A_720, %get3A_721] {strides = array<i32>} : memref<64x128xf32, #tpu.memory_space<vmem>>, vector<1x16xf32>,
      %get3A_723 = vector.shape_cast %get3A_722 : vector<1x16xf32> to vector<16xf32>
      %mul3A_724 = arith.constant 128 : i32
      %mul3A_725 = arith.muli %add3A_647, %mul3A_724 : i32
      %add3A_726 = arith.constant 96 : i32
      %add3A_727 = arith.addi %mul3A_725, %add3A_726 : i32
      %get3A_728 = arith.index_cast %add3A_727 : i32 to index
      %get3A_729 = tpu.vector_load %arg8[%get3A_728] {strides = array<i32>} : memref<8192xf32, #tpu.memory_space<vmem>>, vector<16xf32>,
      %get3A_730 = vector.shape_cast %get3A_729 : vector<16xf32> to vector<16xf32>
      %add3A_731 = arith.addf %get3A_723, %get3A_730 : vector<16xf32>
      %get3A_732 = arith.index_cast %add3A_647 : i32 to index
      %get3A_733 = arith.constant 112 : index
      %get3A_734 = tpu.vector_load %arg7[%get3A_732, %get3A_733] {strides = array<i32>} : memref<64x128xf32, #tpu.memory_space<vmem>>, vector<1x16xf32>,
      %get3A_735 = vector.shape_cast %get3A_734 : vector<1x16xf32> to vector<16xf32>
      %mul3A_736 = arith.constant 128 : i32
      %mul3A_737 = arith.muli %add3A_647, %mul3A_736 : i32
      %add3A_738 = arith.constant 112 : i32
      %add3A_739 = arith.addi %mul3A_737, %add3A_738 : i32
      %get3A_740 = arith.index_cast %add3A_739 : i32 to index
      %get3A_741 = tpu.vector_load %arg8[%get3A_740] {strides = array<i32>} : memref<8192xf32, #tpu.memory_space<vmem>>, vector<16xf32>,
      %get3A_742 = vector.shape_cast %get3A_741 : vector<16xf32> to vector<16xf32>
      %add3A_743 = arith.addf %get3A_735, %get3A_742 : vector<16xf32>
      %mul3A_744 = arith.mulf %add3A_659, %add3A_659 : vector<16xf32>
      %add3A_745 = arith.addf %add3A_659, %add3A_671 : vector<16xf32>
      %mul3A_746 = arith.mulf %add3A_671, %add3A_671 : vector<16xf32>
      %add3A_747 = arith.addf %mul3A_744, %mul3A_746 : vector<16xf32>
      %add3A_748 = arith.addf %add3A_745, %add3A_683 : vector<16xf32>
      %mul3A_749 = arith.mulf %add3A_683, %add3A_683 : vector<16xf32>
      %add3A_750 = arith.addf %add3A_747, %mul3A_749 : vector<16xf32>
      %add3A_751 = arith.addf %add3A_748, %add3A_695 : vector<16xf32>
      %mul3A_752 = arith.mulf %add3A_695, %add3A_695 : vector<16xf32>
      %add3A_753 = arith.addf %add3A_750, %mul3A_752 : vector<16xf32>
      %add3A_754 = arith.addf %add3A_751, %add3A_707 : vector<16xf32>
      %mul3A_755 = arith.mulf %add3A_707, %add3A_707 : vector<16xf32>
      %add3A_756 = arith.addf %add3A_753, %mul3A_755 : vector<16xf32>
      %add3A_757 = arith.addf %add3A_754, %add3A_719 : vector<16xf32>
      %mul3A_758 = arith.mulf %add3A_719, %add3A_719 : vector<16xf32>
      %add3A_759 = arith.addf %add3A_756, %mul3A_758 : vector<16xf32>
      %add3A_760 = arith.addf %add3A_757, %add3A_731 : vector<16xf32>
      %mul3A_761 = arith.mulf %add3A_731, %add3A_731 : vector<16xf32>
      %add3A_762 = arith.addf %add3A_759, %mul3A_761 : vector<16xf32>
      %add3A_763 = arith.addf %add3A_760, %add3A_743 : vector<16xf32>
      %mul3A_764 = arith.mulf %add3A_743, %add3A_743 : vector<16xf32>
      %add3A_765 = arith.addf %add3A_762, %mul3A_764 : vector<16xf32>
      %iota3A = tpu.iota {dimensions = array<i32: 0>} : vector<16xi32>
      %xor3A = arith.constant 8 : i32
      %xor3A_766 = vector.broadcast %xor3A : i32 to vector<16xi32>
      %xor3A_767 = arith.xori %iota3A, %xor3A_766 : vector<16xi32>
      %broadcast_in_dim3A = vector.shape_cast %xor3A_767 : vector<16xi32> to vector<16x1xi32>
      %gather3A = vector.shape_cast %broadcast_in_dim3A : vector<16x1xi32> to vector<16xi32>
      %gather3A_768 = tpu.dynamic_gather %add3A_394[%gather3A] in [0] : vector<16xf32>, vector<16xi32> -> vector<16xf32>
      %add3A_769 = arith.addf %add3A_394, %gather3A_768 : vector<16xf32>
      %iota3A_770 = tpu.iota {dimensions = array<i32: 0>} : vector<16xi32>
      %xor3A_771 = arith.constant 4 : i32
      %xor3A_772 = vector.broadcast %xor3A_771 : i32 to vector<16xi32>
      %xor3A_773 = arith.xori %iota3A_770, %xor3A_772 : vector<16xi32>
      %broadcast_in_dim3A_774 = vector.shape_cast %xor3A_773 : vector<16xi32> to vector<16x1xi32>
      %gather3A_775 = vector.shape_cast %broadcast_in_dim3A_774 : vector<16x1xi32> to vector<16xi32>
      %gather3A_776 = tpu.dynamic_gather %add3A_769[%gather3A_775] in [0] : vector<16xf32>, vector<16xi32> -> vector<16xf32>
      %add3A_777 = arith.addf %add3A_769, %gather3A_776 : vector<16xf32>
      %iota3A_778 = tpu.iota {dimensions = array<i32: 0>} : vector<16xi32>
      %xor3A_779 = arith.constant 2 : i32
      %xor3A_780 = vector.broadcast %xor3A_779 : i32 to vector<16xi32>
      %xor3A_781 = arith.xori %iota3A_778, %xor3A_780 : vector<16xi32>
      %broadcast_in_dim3A_782 = vector.shape_cast %xor3A_781 : vector<16xi32> to vector<16x1xi32>
      %gather3A_783 = vector.shape_cast %broadcast_in_dim3A_782 : vector<16x1xi32> to vector<16xi32>
      %gather3A_784 = tpu.dynamic_gather %add3A_777[%gather3A_783] in [0] : vector<16xf32>, vector<16xi32> -> vector<16xf32>
      %add3A_785 = arith.addf %add3A_777, %gather3A_784 : vector<16xf32>
      %iota3A_786 = tpu.iota {dimensions = array<i32: 0>} : vector<16xi32>
      %xor3A_787 = arith.constant 1 : i32
      %xor3A_788 = vector.broadcast %xor3A_787 : i32 to vector<16xi32>
      %xor3A_789 = arith.xori %iota3A_786, %xor3A_788 : vector<16xi32>
      %broadcast_in_dim3A_790 = vector.shape_cast %xor3A_789 : vector<16xi32> to vector<16x1xi32>
      %gather3A_791 = vector.shape_cast %broadcast_in_dim3A_790 : vector<16x1xi32> to vector<16xi32>
      %gather3A_792 = tpu.dynamic_gather %add3A_785[%gather3A_791] in [0] : vector<16xf32>, vector<16xi32> -> vector<16xf32>
      %add3A_793 = arith.addf %add3A_785, %gather3A_792 : vector<16xf32>
      %mul3A_794 = arith.constant 7.812500e-03 : f32
      %mul3A_795 = vector.broadcast %mul3A_794 : f32 to vector<16xf32>
      %mul3A_796 = arith.mulf %add3A_793, %mul3A_795 : vector<16xf32>
      %iota3A_797 = tpu.iota {dimensions = array<i32: 0>} : vector<16xi32>
      %xor3A_798 = arith.constant 8 : i32
      %xor3A_799 = vector.broadcast %xor3A_798 : i32 to vector<16xi32>
      %xor3A_800 = arith.xori %iota3A_797, %xor3A_799 : vector<16xi32>
      %broadcast_in_dim3A_801 = vector.shape_cast %xor3A_800 : vector<16xi32> to vector<16x1xi32>
      %gather3A_802 = vector.shape_cast %broadcast_in_dim3A_801 : vector<16x1xi32> to vector<16xi32>
      %gather3A_803 = tpu.dynamic_gather %add3A_396[%gather3A_802] in [0] : vector<16xf32>, vector<16xi32> -> vector<16xf32>
      %add3A_804 = arith.addf %add3A_396, %gather3A_803 : vector<16xf32>
      %iota3A_805 = tpu.iota {dimensions = array<i32: 0>} : vector<16xi32>
      %xor3A_806 = arith.constant 4 : i32
      %xor3A_807 = vector.broadcast %xor3A_806 : i32 to vector<16xi32>
      %xor3A_808 = arith.xori %iota3A_805, %xor3A_807 : vector<16xi32>
      %broadcast_in_dim3A_809 = vector.shape_cast %xor3A_808 : vector<16xi32> to vector<16x1xi32>
      %gather3A_810 = vector.shape_cast %broadcast_in_dim3A_809 : vector<16x1xi32> to vector<16xi32>
      %gather3A_811 = tpu.dynamic_gather %add3A_804[%gather3A_810] in [0] : vector<16xf32>, vector<16xi32> -> vector<16xf32>
      %add3A_812 = arith.addf %add3A_804, %gather3A_811 : vector<16xf32>
      %iota3A_813 = tpu.iota {dimensions = array<i32: 0>} : vector<16xi32>
      %xor3A_814 = arith.constant 2 : i32
      %xor3A_815 = vector.broadcast %xor3A_814 : i32 to vector<16xi32>
      %xor3A_816 = arith.xori %iota3A_813, %xor3A_815 : vector<16xi32>
      %broadcast_in_dim3A_817 = vector.shape_cast %xor3A_816 : vector<16xi32> to vector<16x1xi32>
      %gather3A_818 = vector.shape_cast %broadcast_in_dim3A_817 : vector<16x1xi32> to vector<16xi32>
      %gather3A_819 = tpu.dynamic_gather %add3A_812[%gather3A_818] in [0] : vector<16xf32>, vector<16xi32> -> vector<16xf32>
      %add3A_820 = arith.addf %add3A_812, %gather3A_819 : vector<16xf32>
      %iota3A_821 = tpu.iota {dimensions = array<i32: 0>} : vector<16xi32>
      %xor3A_822 = arith.constant 1 : i32
      %xor3A_823 = vector.broadcast %xor3A_822 : i32 to vector<16xi32>
      %xor3A_824 = arith.xori %iota3A_821, %xor3A_823 : vector<16xi32>
      %broadcast_in_dim3A_825 = vector.shape_cast %xor3A_824 : vector<16xi32> to vector<16x1xi32>
      %gather3A_826 = vector.shape_cast %broadcast_in_dim3A_825 : vector<16x1xi32> to vector<16xi32>
      %gather3A_827 = tpu.dynamic_gather %add3A_820[%gather3A_826] in [0] : vector<16xf32>, vector<16xi32> -> vector<16xf32>
      %add3A_828 = arith.addf %add3A_820, %gather3A_827 : vector<16xf32>
      %mul3A_829 = arith.constant 7.812500e-03 : f32
      %mul3A_830 = vector.broadcast %mul3A_829 : f32 to vector<16xf32>
      %mul3A_831 = arith.mulf %add3A_828, %mul3A_830 : vector<16xf32>
      %mul3A_832 = arith.mulf %mul3A_796, %mul3A_796 : vector<16xf32>
      %sub3A = arith.subf %mul3A_831, %mul3A_832 : vector<16xf32>
      %add3A_833 = arith.constant 9.99999974E-6 : f32
      %add3A_834 = vector.broadcast %add3A_833 : f32 to vector<16xf32>
      %add3A_835 = arith.addf %sub3A, %add3A_834 : vector<16xf32>
      %bitcast_convert_type3A = tpu.bitcast %add3A_835 : vector<16xf32> -> vector<16xi32>
      %shift_right_logical3A = arith.constant 1 : i32
      %shift_right_logical3A_836 = vector.broadcast %shift_right_logical3A : i32 to vector<16xi32>
      %shift_right_logical3A_837 = arith.shrui %bitcast_convert_type3A, %shift_right_logical3A_836 : vector<16xi32>
      %sub3A_838 = arith.constant 1597463007 : i32
      %sub3A_839 = vector.broadcast %sub3A_838 : i32 to vector<16xi32>
      %sub3A_840 = arith.subi %sub3A_839, %shift_right_logical3A_837 : vector<16xi32>
      %bitcast_convert_type3A_841 = tpu.bitcast %sub3A_840 : vector<16xi32> -> vector<16xf32>
      %mul3A_842 = arith.constant 5.000000e-01 : f32
      %mul3A_843 = vector.broadcast %mul3A_842 : f32 to vector<16xf32>
      %mul3A_844 = arith.mulf %mul3A_843, %add3A_835 : vector<16xf32>
      %mul3A_845 = arith.mulf %mul3A_844, %bitcast_convert_type3A_841 : vector<16xf32>
      %mul3A_846 = arith.mulf %mul3A_845, %bitcast_convert_type3A_841 : vector<16xf32>
      %sub3A_847 = arith.constant 1.500000e+00 : f32
      %sub3A_848 = vector.broadcast %sub3A_847 : f32 to vector<16xf32>
      %sub3A_849 = arith.subf %sub3A_848, %mul3A_846 : vector<16xf32>
      %mul3A_850 = arith.mulf %bitcast_convert_type3A_841, %sub3A_849 : vector<16xf32>
      %sub3A_851 = arith.subf %add3A_290, %mul3A_796 : vector<16xf32>
      %mul3A_852 = arith.mulf %sub3A_851, %mul3A_850 : vector<16xf32>
      %swap3A = arith.index_cast %add3A_279 : i32 to index
      %swap3A_853 = arith.constant 0 : index
      %swap3A_854 = tpu.vector_load %arg7[%swap3A, %swap3A_853] {strides = array<i32>} : memref<64x128xf32, #tpu.memory_space<vmem>>, vector<1x16xf32>,
      %swap3A_855 = vector.shape_cast %swap3A_854 : vector<1x16xf32> to vector<16xf32>
      %swap3A_856 = vector.shape_cast %mul3A_852 : vector<16xf32> to vector<1x16xf32>
      tpu.vector_store %arg7[%swap3A, %swap3A_853], %swap3A_856 {strides = array<i32>} : memref<64x128xf32, #tpu.memory_space<vmem>>, vector<1x16xf32>,
      %sub3A_857 = arith.subf %add3A_302, %mul3A_796 : vector<16xf32>
      %mul3A_858 = arith.mulf %sub3A_857, %mul3A_850 : vector<16xf32>
      %swap3A_859 = arith.index_cast %add3A_279 : i32 to index
      %swap3A_860 = arith.constant 16 : index
      %swap3A_861 = tpu.vector_load %arg7[%swap3A_859, %swap3A_860] {strides = array<i32>} : memref<64x128xf32, #tpu.memory_space<vmem>>, vector<1x16xf32>,
      %swap3A_862 = vector.shape_cast %swap3A_861 : vector<1x16xf32> to vector<16xf32>
      %swap3A_863 = vector.shape_cast %mul3A_858 : vector<16xf32> to vector<1x16xf32>
      tpu.vector_store %arg7[%swap3A_859, %swap3A_860], %swap3A_863 {strides = array<i32>} : memref<64x128xf32, #tpu.memory_space<vmem>>, vector<1x16xf32>,
      %sub3A_864 = arith.subf %add3A_314, %mul3A_796 : vector<16xf32>
      %mul3A_865 = arith.mulf %sub3A_864, %mul3A_850 : vector<16xf32>
      %swap3A_866 = arith.index_cast %add3A_279 : i32 to index
      %swap3A_867 = arith.constant 32 : index
      %swap3A_868 = tpu.vector_load %arg7[%swap3A_866, %swap3A_867] {strides = array<i32>} : memref<64x128xf32, #tpu.memory_space<vmem>>, vector<1x16xf32>,
      %swap3A_869 = vector.shape_cast %swap3A_868 : vector<1x16xf32> to vector<16xf32>
      %swap3A_870 = vector.shape_cast %mul3A_865 : vector<16xf32> to vector<1x16xf32>
      tpu.vector_store %arg7[%swap3A_866, %swap3A_867], %swap3A_870 {strides = array<i32>} : memref<64x128xf32, #tpu.memory_space<vmem>>, vector<1x16xf32>,
      %sub3A_871 = arith.subf %add3A_326, %mul3A_796 : vector<16xf32>
      %mul3A_872 = arith.mulf %sub3A_871, %mul3A_850 : vector<16xf32>
      %swap3A_873 = arith.index_cast %add3A_279 : i32 to index
      %swap3A_874 = arith.constant 48 : index
      %swap3A_875 = tpu.vector_load %arg7[%swap3A_873, %swap3A_874] {strides = array<i32>} : memref<64x128xf32, #tpu.memory_space<vmem>>, vector<1x16xf32>,
      %swap3A_876 = vector.shape_cast %swap3A_875 : vector<1x16xf32> to vector<16xf32>
      %swap3A_877 = vector.shape_cast %mul3A_872 : vector<16xf32> to vector<1x16xf32>
      tpu.vector_store %arg7[%swap3A_873, %swap3A_874], %swap3A_877 {strides = array<i32>} : memref<64x128xf32, #tpu.memory_space<vmem>>, vector<1x16xf32>,
      %sub3A_878 = arith.subf %add3A_338, %mul3A_796 : vector<16xf32>
      %mul3A_879 = arith.mulf %sub3A_878, %mul3A_850 : vector<16xf32>
      %swap3A_880 = arith.index_cast %add3A_279 : i32 to index
      %swap3A_881 = arith.constant 64 : index
      %swap3A_882 = tpu.vector_load %arg7[%swap3A_880, %swap3A_881] {strides = array<i32>} : memref<64x128xf32, #tpu.memory_space<vmem>>, vector<1x16xf32>,
      %swap3A_883 = vector.shape_cast %swap3A_882 : vector<1x16xf32> to vector<16xf32>
      %swap3A_884 = vector.shape_cast %mul3A_879 : vector<16xf32> to vector<1x16xf32>
      tpu.vector_store %arg7[%swap3A_880, %swap3A_881], %swap3A_884 {strides = array<i32>} : memref<64x128xf32, #tpu.memory_space<vmem>>, vector<1x16xf32>,
      %sub3A_885 = arith.subf %add3A_350, %mul3A_796 : vector<16xf32>
      %mul3A_886 = arith.mulf %sub3A_885, %mul3A_850 : vector<16xf32>
      %swap3A_887 = arith.index_cast %add3A_279 : i32 to index
      %swap3A_888 = arith.constant 80 : index
      %swap3A_889 = tpu.vector_load %arg7[%swap3A_887, %swap3A_888] {strides = array<i32>} : memref<64x128xf32, #tpu.memory_space<vmem>>, vector<1x16xf32>,
      %swap3A_890 = vector.shape_cast %swap3A_889 : vector<1x16xf32> to vector<16xf32>
      %swap3A_891 = vector.shape_cast %mul3A_886 : vector<16xf32> to vector<1x16xf32>
      tpu.vector_store %arg7[%swap3A_887, %swap3A_888], %swap3A_891 {strides = array<i32>} : memref<64x128xf32, #tpu.memory_space<vmem>>, vector<1x16xf32>,
      %sub3A_892 = arith.subf %add3A_362, %mul3A_796 : vector<16xf32>
      %mul3A_893 = arith.mulf %sub3A_892, %mul3A_850 : vector<16xf32>
      %swap3A_894 = arith.index_cast %add3A_279 : i32 to index
      %swap3A_895 = arith.constant 96 : index
      %swap3A_896 = tpu.vector_load %arg7[%swap3A_894, %swap3A_895] {strides = array<i32>} : memref<64x128xf32, #tpu.memory_space<vmem>>, vector<1x16xf32>,
      %swap3A_897 = vector.shape_cast %swap3A_896 : vector<1x16xf32> to vector<16xf32>
      %swap3A_898 = vector.shape_cast %mul3A_893 : vector<16xf32> to vector<1x16xf32>
      tpu.vector_store %arg7[%swap3A_894, %swap3A_895], %swap3A_898 {strides = array<i32>} : memref<64x128xf32, #tpu.memory_space<vmem>>, vector<1x16xf32>,
      %sub3A_899 = arith.subf %add3A_374, %mul3A_796 : vector<16xf32>
      %mul3A_900 = arith.mulf %sub3A_899, %mul3A_850 : vector<16xf32>
      %swap3A_901 = arith.index_cast %add3A_279 : i32 to index
      %swap3A_902 = arith.constant 112 : index
      %swap3A_903 = tpu.vector_load %arg7[%swap3A_901, %swap3A_902] {strides = array<i32>} : memref<64x128xf32, #tpu.memory_space<vmem>>, vector<1x16xf32>,
      %swap3A_904 = vector.shape_cast %swap3A_903 : vector<1x16xf32> to vector<16xf32>
      %swap3A_905 = vector.shape_cast %mul3A_900 : vector<16xf32> to vector<1x16xf32>
      tpu.vector_store %arg7[%swap3A_901, %swap3A_902], %swap3A_905 {strides = array<i32>} : memref<64x128xf32, #tpu.memory_space<vmem>>, vector<1x16xf32>,
      %iota3A_906 = tpu.iota {dimensions = array<i32: 0>} : vector<16xi32>
      %xor3A_907 = arith.constant 8 : i32
      %xor3A_908 = vector.broadcast %xor3A_907 : i32 to vector<16xi32>
      %xor3A_909 = arith.xori %iota3A_906, %xor3A_908 : vector<16xi32>
      %broadcast_in_dim3A_910 = vector.shape_cast %xor3A_909 : vector<16xi32> to vector<16x1xi32>
      %gather3A_911 = vector.shape_cast %broadcast_in_dim3A_910 : vector<16x1xi32> to vector<16xi32>
      %gather3A_912 = tpu.dynamic_gather %add3A_517[%gather3A_911] in [0] : vector<16xf32>, vector<16xi32> -> vector<16xf32>
      %add3A_913 = arith.addf %add3A_517, %gather3A_912 : vector<16xf32>
      %iota3A_914 = tpu.iota {dimensions = array<i32: 0>} : vector<16xi32>
      %xor3A_915 = arith.constant 4 : i32
      %xor3A_916 = vector.broadcast %xor3A_915 : i32 to vector<16xi32>
      %xor3A_917 = arith.xori %iota3A_914, %xor3A_916 : vector<16xi32>
      %broadcast_in_dim3A_918 = vector.shape_cast %xor3A_917 : vector<16xi32> to vector<16x1xi32>
      %gather3A_919 = vector.shape_cast %broadcast_in_dim3A_918 : vector<16x1xi32> to vector<16xi32>
      %gather3A_920 = tpu.dynamic_gather %add3A_913[%gather3A_919] in [0] : vector<16xf32>, vector<16xi32> -> vector<16xf32>
      %add3A_921 = arith.addf %add3A_913, %gather3A_920 : vector<16xf32>
      %iota3A_922 = tpu.iota {dimensions = array<i32: 0>} : vector<16xi32>
      %xor3A_923 = arith.constant 2 : i32
      %xor3A_924 = vector.broadcast %xor3A_923 : i32 to vector<16xi32>
      %xor3A_925 = arith.xori %iota3A_922, %xor3A_924 : vector<16xi32>
      %broadcast_in_dim3A_926 = vector.shape_cast %xor3A_925 : vector<16xi32> to vector<16x1xi32>
      %gather3A_927 = vector.shape_cast %broadcast_in_dim3A_926 : vector<16x1xi32> to vector<16xi32>
      %gather3A_928 = tpu.dynamic_gather %add3A_921[%gather3A_927] in [0] : vector<16xf32>, vector<16xi32> -> vector<16xf32>
      %add3A_929 = arith.addf %add3A_921, %gather3A_928 : vector<16xf32>
      %iota3A_930 = tpu.iota {dimensions = array<i32: 0>} : vector<16xi32>
      %xor3A_931 = arith.constant 1 : i32
      %xor3A_932 = vector.broadcast %xor3A_931 : i32 to vector<16xi32>
      %xor3A_933 = arith.xori %iota3A_930, %xor3A_932 : vector<16xi32>
      %broadcast_in_dim3A_934 = vector.shape_cast %xor3A_933 : vector<16xi32> to vector<16x1xi32>
      %gather3A_935 = vector.shape_cast %broadcast_in_dim3A_934 : vector<16x1xi32> to vector<16xi32>
      %gather3A_936 = tpu.dynamic_gather %add3A_929[%gather3A_935] in [0] : vector<16xf32>, vector<16xi32> -> vector<16xf32>
      %add3A_937 = arith.addf %add3A_929, %gather3A_936 : vector<16xf32>
      %mul3A_938 = arith.constant 7.812500e-03 : f32
      %mul3A_939 = vector.broadcast %mul3A_938 : f32 to vector<16xf32>
      %mul3A_940 = arith.mulf %add3A_937, %mul3A_939 : vector<16xf32>
      %iota3A_941 = tpu.iota {dimensions = array<i32: 0>} : vector<16xi32>
      %xor3A_942 = arith.constant 8 : i32
      %xor3A_943 = vector.broadcast %xor3A_942 : i32 to vector<16xi32>
      %xor3A_944 = arith.xori %iota3A_941, %xor3A_943 : vector<16xi32>
      %broadcast_in_dim3A_945 = vector.shape_cast %xor3A_944 : vector<16xi32> to vector<16x1xi32>
      %gather3A_946 = vector.shape_cast %broadcast_in_dim3A_945 : vector<16x1xi32> to vector<16xi32>
      %gather3A_947 = tpu.dynamic_gather %add3A_519[%gather3A_946] in [0] : vector<16xf32>, vector<16xi32> -> vector<16xf32>
      %add3A_948 = arith.addf %add3A_519, %gather3A_947 : vector<16xf32>
      %iota3A_949 = tpu.iota {dimensions = array<i32: 0>} : vector<16xi32>
      %xor3A_950 = arith.constant 4 : i32
      %xor3A_951 = vector.broadcast %xor3A_950 : i32 to vector<16xi32>
      %xor3A_952 = arith.xori %iota3A_949, %xor3A_951 : vector<16xi32>
      %broadcast_in_dim3A_953 = vector.shape_cast %xor3A_952 : vector<16xi32> to vector<16x1xi32>
      %gather3A_954 = vector.shape_cast %broadcast_in_dim3A_953 : vector<16x1xi32> to vector<16xi32>
      %gather3A_955 = tpu.dynamic_gather %add3A_948[%gather3A_954] in [0] : vector<16xf32>, vector<16xi32> -> vector<16xf32>
      %add3A_956 = arith.addf %add3A_948, %gather3A_955 : vector<16xf32>
      %iota3A_957 = tpu.iota {dimensions = array<i32: 0>} : vector<16xi32>
      %xor3A_958 = arith.constant 2 : i32
      %xor3A_959 = vector.broadcast %xor3A_958 : i32 to vector<16xi32>
      %xor3A_960 = arith.xori %iota3A_957, %xor3A_959 : vector<16xi32>
      %broadcast_in_dim3A_961 = vector.shape_cast %xor3A_960 : vector<16xi32> to vector<16x1xi32>
      %gather3A_962 = vector.shape_cast %broadcast_in_dim3A_961 : vector<16x1xi32> to vector<16xi32>
      %gather3A_963 = tpu.dynamic_gather %add3A_956[%gather3A_962] in [0] : vector<16xf32>, vector<16xi32> -> vector<16xf32>
      %add3A_964 = arith.addf %add3A_956, %gather3A_963 : vector<16xf32>
      %iota3A_965 = tpu.iota {dimensions = array<i32: 0>} : vector<16xi32>
      %xor3A_966 = arith.constant 1 : i32
      %xor3A_967 = vector.broadcast %xor3A_966 : i32 to vector<16xi32>
      %xor3A_968 = arith.xori %iota3A_965, %xor3A_967 : vector<16xi32>
      %broadcast_in_dim3A_969 = vector.shape_cast %xor3A_968 : vector<16xi32> to vector<16x1xi32>
      %gather3A_970 = vector.shape_cast %broadcast_in_dim3A_969 : vector<16x1xi32> to vector<16xi32>
      %gather3A_971 = tpu.dynamic_gather %add3A_964[%gather3A_970] in [0] : vector<16xf32>, vector<16xi32> -> vector<16xf32>
      %add3A_972 = arith.addf %add3A_964, %gather3A_971 : vector<16xf32>
      %mul3A_973 = arith.constant 7.812500e-03 : f32
      %mul3A_974 = vector.broadcast %mul3A_973 : f32 to vector<16xf32>
      %mul3A_975 = arith.mulf %add3A_972, %mul3A_974 : vector<16xf32>
      %mul3A_976 = arith.mulf %mul3A_940, %mul3A_940 : vector<16xf32>
      %sub3A_977 = arith.subf %mul3A_975, %mul3A_976 : vector<16xf32>
      %add3A_978 = arith.constant 9.99999974E-6 : f32
      %add3A_979 = vector.broadcast %add3A_978 : f32 to vector<16xf32>
      %add3A_980 = arith.addf %sub3A_977, %add3A_979 : vector<16xf32>
      %bitcast_convert_type3A_981 = tpu.bitcast %add3A_980 : vector<16xf32> -> vector<16xi32>
      %shift_right_logical3A_982 = arith.constant 1 : i32
      %shift_right_logical3A_983 = vector.broadcast %shift_right_logical3A_982 : i32 to vector<16xi32>
      %shift_right_logical3A_984 = arith.shrui %bitcast_convert_type3A_981, %shift_right_logical3A_983 : vector<16xi32>
      %sub3A_985 = arith.constant 1597463007 : i32
      %sub3A_986 = vector.broadcast %sub3A_985 : i32 to vector<16xi32>
      %sub3A_987 = arith.subi %sub3A_986, %shift_right_logical3A_984 : vector<16xi32>
      %bitcast_convert_type3A_988 = tpu.bitcast %sub3A_987 : vector<16xi32> -> vector<16xf32>
      %mul3A_989 = arith.constant 5.000000e-01 : f32
      %mul3A_990 = vector.broadcast %mul3A_989 : f32 to vector<16xf32>
      %mul3A_991 = arith.mulf %mul3A_990, %add3A_980 : vector<16xf32>
      %mul3A_992 = arith.mulf %mul3A_991, %bitcast_convert_type3A_988 : vector<16xf32>
      %mul3A_993 = arith.mulf %mul3A_992, %bitcast_convert_type3A_988 : vector<16xf32>
      %sub3A_994 = arith.constant 1.500000e+00 : f32
      %sub3A_995 = vector.broadcast %sub3A_994 : f32 to vector<16xf32>
      %sub3A_996 = arith.subf %sub3A_995, %mul3A_993 : vector<16xf32>
      %mul3A_997 = arith.mulf %bitcast_convert_type3A_988, %sub3A_996 : vector<16xf32>
      %sub3A_998 = arith.subf %add3A_413, %mul3A_940 : vector<16xf32>
      %mul3A_999 = arith.mulf %sub3A_998, %mul3A_997 : vector<16xf32>
      %swap3A_1000 = arith.index_cast %add3A_401 : i32 to index
      %swap3A_1001 = arith.constant 0 : index
      %swap3A_1002 = tpu.vector_load %arg7[%swap3A_1000, %swap3A_1001] {strides = array<i32>} : memref<64x128xf32, #tpu.memory_space<vmem>>, vector<1x16xf32>,
      %swap3A_1003 = vector.shape_cast %swap3A_1002 : vector<1x16xf32> to vector<16xf32>
      %swap3A_1004 = vector.shape_cast %mul3A_999 : vector<16xf32> to vector<1x16xf32>
      tpu.vector_store %arg7[%swap3A_1000, %swap3A_1001], %swap3A_1004 {strides = array<i32>} : memref<64x128xf32, #tpu.memory_space<vmem>>, vector<1x16xf32>,
      %sub3A_1005 = arith.subf %add3A_425, %mul3A_940 : vector<16xf32>
      %mul3A_1006 = arith.mulf %sub3A_1005, %mul3A_997 : vector<16xf32>
      %swap3A_1007 = arith.index_cast %add3A_401 : i32 to index
      %swap3A_1008 = arith.constant 16 : index
      %swap3A_1009 = tpu.vector_load %arg7[%swap3A_1007, %swap3A_1008] {strides = array<i32>} : memref<64x128xf32, #tpu.memory_space<vmem>>, vector<1x16xf32>,
      %swap3A_1010 = vector.shape_cast %swap3A_1009 : vector<1x16xf32> to vector<16xf32>
      %swap3A_1011 = vector.shape_cast %mul3A_1006 : vector<16xf32> to vector<1x16xf32>
      tpu.vector_store %arg7[%swap3A_1007, %swap3A_1008], %swap3A_1011 {strides = array<i32>} : memref<64x128xf32, #tpu.memory_space<vmem>>, vector<1x16xf32>,
      %sub3A_1012 = arith.subf %add3A_437, %mul3A_940 : vector<16xf32>
      %mul3A_1013 = arith.mulf %sub3A_1012, %mul3A_997 : vector<16xf32>
      %swap3A_1014 = arith.index_cast %add3A_401 : i32 to index
      %swap3A_1015 = arith.constant 32 : index
      %swap3A_1016 = tpu.vector_load %arg7[%swap3A_1014, %swap3A_1015] {strides = array<i32>} : memref<64x128xf32, #tpu.memory_space<vmem>>, vector<1x16xf32>,
      %swap3A_1017 = vector.shape_cast %swap3A_1016 : vector<1x16xf32> to vector<16xf32>
      %swap3A_1018 = vector.shape_cast %mul3A_1013 : vector<16xf32> to vector<1x16xf32>
      tpu.vector_store %arg7[%swap3A_1014, %swap3A_1015], %swap3A_1018 {strides = array<i32>} : memref<64x128xf32, #tpu.memory_space<vmem>>, vector<1x16xf32>,
      %sub3A_1019 = arith.subf %add3A_449, %mul3A_940 : vector<16xf32>
      %mul3A_1020 = arith.mulf %sub3A_1019, %mul3A_997 : vector<16xf32>
      %swap3A_1021 = arith.index_cast %add3A_401 : i32 to index
      %swap3A_1022 = arith.constant 48 : index
      %swap3A_1023 = tpu.vector_load %arg7[%swap3A_1021, %swap3A_1022] {strides = array<i32>} : memref<64x128xf32, #tpu.memory_space<vmem>>, vector<1x16xf32>,
      %swap3A_1024 = vector.shape_cast %swap3A_1023 : vector<1x16xf32> to vector<16xf32>
      %swap3A_1025 = vector.shape_cast %mul3A_1020 : vector<16xf32> to vector<1x16xf32>
      tpu.vector_store %arg7[%swap3A_1021, %swap3A_1022], %swap3A_1025 {strides = array<i32>} : memref<64x128xf32, #tpu.memory_space<vmem>>, vector<1x16xf32>,
      %sub3A_1026 = arith.subf %add3A_461, %mul3A_940 : vector<16xf32>
      %mul3A_1027 = arith.mulf %sub3A_1026, %mul3A_997 : vector<16xf32>
      %swap3A_1028 = arith.index_cast %add3A_401 : i32 to index
      %swap3A_1029 = arith.constant 64 : index
      %swap3A_1030 = tpu.vector_load %arg7[%swap3A_1028, %swap3A_1029] {strides = array<i32>} : memref<64x128xf32, #tpu.memory_space<vmem>>, vector<1x16xf32>,
      %swap3A_1031 = vector.shape_cast %swap3A_1030 : vector<1x16xf32> to vector<16xf32>
      %swap3A_1032 = vector.shape_cast %mul3A_1027 : vector<16xf32> to vector<1x16xf32>
      tpu.vector_store %arg7[%swap3A_1028, %swap3A_1029], %swap3A_1032 {strides = array<i32>} : memref<64x128xf32, #tpu.memory_space<vmem>>, vector<1x16xf32>,
      %sub3A_1033 = arith.subf %add3A_473, %mul3A_940 : vector<16xf32>
      %mul3A_1034 = arith.mulf %sub3A_1033, %mul3A_997 : vector<16xf32>
      %swap3A_1035 = arith.index_cast %add3A_401 : i32 to index
      %swap3A_1036 = arith.constant 80 : index
      %swap3A_1037 = tpu.vector_load %arg7[%swap3A_1035, %swap3A_1036] {strides = array<i32>} : memref<64x128xf32, #tpu.memory_space<vmem>>, vector<1x16xf32>,
      %swap3A_1038 = vector.shape_cast %swap3A_1037 : vector<1x16xf32> to vector<16xf32>
      %swap3A_1039 = vector.shape_cast %mul3A_1034 : vector<16xf32> to vector<1x16xf32>
      tpu.vector_store %arg7[%swap3A_1035, %swap3A_1036], %swap3A_1039 {strides = array<i32>} : memref<64x128xf32, #tpu.memory_space<vmem>>, vector<1x16xf32>,
      %sub3A_1040 = arith.subf %add3A_485, %mul3A_940 : vector<16xf32>
      %mul3A_1041 = arith.mulf %sub3A_1040, %mul3A_997 : vector<16xf32>
      %swap3A_1042 = arith.index_cast %add3A_401 : i32 to index
      %swap3A_1043 = arith.constant 96 : index
      %swap3A_1044 = tpu.vector_load %arg7[%swap3A_1042, %swap3A_1043] {strides = array<i32>} : memref<64x128xf32, #tpu.memory_space<vmem>>, vector<1x16xf32>,
      %swap3A_1045 = vector.shape_cast %swap3A_1044 : vector<1x16xf32> to vector<16xf32>
      %swap3A_1046 = vector.shape_cast %mul3A_1041 : vector<16xf32> to vector<1x16xf32>
      tpu.vector_store %arg7[%swap3A_1042, %swap3A_1043], %swap3A_1046 {strides = array<i32>} : memref<64x128xf32, #tpu.memory_space<vmem>>, vector<1x16xf32>,
      %sub3A_1047 = arith.subf %add3A_497, %mul3A_940 : vector<16xf32>
      %mul3A_1048 = arith.mulf %sub3A_1047, %mul3A_997 : vector<16xf32>
      %swap3A_1049 = arith.index_cast %add3A_401 : i32 to index
      %swap3A_1050 = arith.constant 112 : index
      %swap3A_1051 = tpu.vector_load %arg7[%swap3A_1049, %swap3A_1050] {strides = array<i32>} : memref<64x128xf32, #tpu.memory_space<vmem>>, vector<1x16xf32>,
      %swap3A_1052 = vector.shape_cast %swap3A_1051 : vector<1x16xf32> to vector<16xf32>
      %swap3A_1053 = vector.shape_cast %mul3A_1048 : vector<16xf32> to vector<1x16xf32>
      tpu.vector_store %arg7[%swap3A_1049, %swap3A_1050], %swap3A_1053 {strides = array<i32>} : memref<64x128xf32, #tpu.memory_space<vmem>>, vector<1x16xf32>,
      %iota3A_1054 = tpu.iota {dimensions = array<i32: 0>} : vector<16xi32>
      %xor3A_1055 = arith.constant 8 : i32
      %xor3A_1056 = vector.broadcast %xor3A_1055 : i32 to vector<16xi32>
      %xor3A_1057 = arith.xori %iota3A_1054, %xor3A_1056 : vector<16xi32>
      %broadcast_in_dim3A_1058 = vector.shape_cast %xor3A_1057 : vector<16xi32> to vector<16x1xi32>
      %gather3A_1059 = vector.shape_cast %broadcast_in_dim3A_1058 : vector<16x1xi32> to vector<16xi32>
      %gather3A_1060 = tpu.dynamic_gather %add3A_640[%gather3A_1059] in [0] : vector<16xf32>, vector<16xi32> -> vector<16xf32>
      %add3A_1061 = arith.addf %add3A_640, %gather3A_1060 : vector<16xf32>
      %iota3A_1062 = tpu.iota {dimensions = array<i32: 0>} : vector<16xi32>
      %xor3A_1063 = arith.constant 4 : i32
      %xor3A_1064 = vector.broadcast %xor3A_1063 : i32 to vector<16xi32>
      %xor3A_1065 = arith.xori %iota3A_1062, %xor3A_1064 : vector<16xi32>
      %broadcast_in_dim3A_1066 = vector.shape_cast %xor3A_1065 : vector<16xi32> to vector<16x1xi32>
      %gather3A_1067 = vector.shape_cast %broadcast_in_dim3A_1066 : vector<16x1xi32> to vector<16xi32>
      %gather3A_1068 = tpu.dynamic_gather %add3A_1061[%gather3A_1067] in [0] : vector<16xf32>, vector<16xi32> -> vector<16xf32>
      %add3A_1069 = arith.addf %add3A_1061, %gather3A_1068 : vector<16xf32>
      %iota3A_1070 = tpu.iota {dimensions = array<i32: 0>} : vector<16xi32>
      %xor3A_1071 = arith.constant 2 : i32
      %xor3A_1072 = vector.broadcast %xor3A_1071 : i32 to vector<16xi32>
      %xor3A_1073 = arith.xori %iota3A_1070, %xor3A_1072 : vector<16xi32>
      %broadcast_in_dim3A_1074 = vector.shape_cast %xor3A_1073 : vector<16xi32> to vector<16x1xi32>
      %gather3A_1075 = vector.shape_cast %broadcast_in_dim3A_1074 : vector<16x1xi32> to vector<16xi32>
      %gather3A_1076 = tpu.dynamic_gather %add3A_1069[%gather3A_1075] in [0] : vector<16xf32>, vector<16xi32> -> vector<16xf32>
      %add3A_1077 = arith.addf %add3A_1069, %gather3A_1076 : vector<16xf32>
      %iota3A_1078 = tpu.iota {dimensions = array<i32: 0>} : vector<16xi32>
      %xor3A_1079 = arith.constant 1 : i32
      %xor3A_1080 = vector.broadcast %xor3A_1079 : i32 to vector<16xi32>
      %xor3A_1081 = arith.xori %iota3A_1078, %xor3A_1080 : vector<16xi32>
      %broadcast_in_dim3A_1082 = vector.shape_cast %xor3A_1081 : vector<16xi32> to vector<16x1xi32>
      %gather3A_1083 = vector.shape_cast %broadcast_in_dim3A_1082 : vector<16x1xi32> to vector<16xi32>
      %gather3A_1084 = tpu.dynamic_gather %add3A_1077[%gather3A_1083] in [0] : vector<16xf32>, vector<16xi32> -> vector<16xf32>
      %add3A_1085 = arith.addf %add3A_1077, %gather3A_1084 : vector<16xf32>
      %mul3A_1086 = arith.constant 7.812500e-03 : f32
      %mul3A_1087 = vector.broadcast %mul3A_1086 : f32 to vector<16xf32>
      %mul3A_1088 = arith.mulf %add3A_1085, %mul3A_1087 : vector<16xf32>
      %iota3A_1089 = tpu.iota {dimensions = array<i32: 0>} : vector<16xi32>
      %xor3A_1090 = arith.constant 8 : i32
      %xor3A_1091 = vector.broadcast %xor3A_1090 : i32 to vector<16xi32>
      %xor3A_1092 = arith.xori %iota3A_1089, %xor3A_1091 : vector<16xi32>
      %broadcast_in_dim3A_1093 = vector.shape_cast %xor3A_1092 : vector<16xi32> to vector<16x1xi32>
      %gather3A_1094 = vector.shape_cast %broadcast_in_dim3A_1093 : vector<16x1xi32> to vector<16xi32>
      %gather3A_1095 = tpu.dynamic_gather %add3A_642[%gather3A_1094] in [0] : vector<16xf32>, vector<16xi32> -> vector<16xf32>
      %add3A_1096 = arith.addf %add3A_642, %gather3A_1095 : vector<16xf32>
      %iota3A_1097 = tpu.iota {dimensions = array<i32: 0>} : vector<16xi32>
      %xor3A_1098 = arith.constant 4 : i32
      %xor3A_1099 = vector.broadcast %xor3A_1098 : i32 to vector<16xi32>
      %xor3A_1100 = arith.xori %iota3A_1097, %xor3A_1099 : vector<16xi32>
      %broadcast_in_dim3A_1101 = vector.shape_cast %xor3A_1100 : vector<16xi32> to vector<16x1xi32>
      %gather3A_1102 = vector.shape_cast %broadcast_in_dim3A_1101 : vector<16x1xi32> to vector<16xi32>
      %gather3A_1103 = tpu.dynamic_gather %add3A_1096[%gather3A_1102] in [0] : vector<16xf32>, vector<16xi32> -> vector<16xf32>
      %add3A_1104 = arith.addf %add3A_1096, %gather3A_1103 : vector<16xf32>
      %iota3A_1105 = tpu.iota {dimensions = array<i32: 0>} : vector<16xi32>
      %xor3A_1106 = arith.constant 2 : i32
      %xor3A_1107 = vector.broadcast %xor3A_1106 : i32 to vector<16xi32>
      %xor3A_1108 = arith.xori %iota3A_1105, %xor3A_1107 : vector<16xi32>
      %broadcast_in_dim3A_1109 = vector.shape_cast %xor3A_1108 : vector<16xi32> to vector<16x1xi32>
      %gather3A_1110 = vector.shape_cast %broadcast_in_dim3A_1109 : vector<16x1xi32> to vector<16xi32>
      %gather3A_1111 = tpu.dynamic_gather %add3A_1104[%gather3A_1110] in [0] : vector<16xf32>, vector<16xi32> -> vector<16xf32>
      %add3A_1112 = arith.addf %add3A_1104, %gather3A_1111 : vector<16xf32>
      %iota3A_1113 = tpu.iota {dimensions = array<i32: 0>} : vector<16xi32>
      %xor3A_1114 = arith.constant 1 : i32
      %xor3A_1115 = vector.broadcast %xor3A_1114 : i32 to vector<16xi32>
      %xor3A_1116 = arith.xori %iota3A_1113, %xor3A_1115 : vector<16xi32>
      %broadcast_in_dim3A_1117 = vector.shape_cast %xor3A_1116 : vector<16xi32> to vector<16x1xi32>
      %gather3A_1118 = vector.shape_cast %broadcast_in_dim3A_1117 : vector<16x1xi32> to vector<16xi32>
      %gather3A_1119 = tpu.dynamic_gather %add3A_1112[%gather3A_1118] in [0] : vector<16xf32>, vector<16xi32> -> vector<16xf32>
      %add3A_1120 = arith.addf %add3A_1112, %gather3A_1119 : vector<16xf32>
      %mul3A_1121 = arith.constant 7.812500e-03 : f32
      %mul3A_1122 = vector.broadcast %mul3A_1121 : f32 to vector<16xf32>
      %mul3A_1123 = arith.mulf %add3A_1120, %mul3A_1122 : vector<16xf32>
      %mul3A_1124 = arith.mulf %mul3A_1088, %mul3A_1088 : vector<16xf32>
      %sub3A_1125 = arith.subf %mul3A_1123, %mul3A_1124 : vector<16xf32>
      %add3A_1126 = arith.constant 9.99999974E-6 : f32
      %add3A_1127 = vector.broadcast %add3A_1126 : f32 to vector<16xf32>
      %add3A_1128 = arith.addf %sub3A_1125, %add3A_1127 : vector<16xf32>
      %bitcast_convert_type3A_1129 = tpu.bitcast %add3A_1128 : vector<16xf32> -> vector<16xi32>
      %shift_right_logical3A_1130 = arith.constant 1 : i32
      %shift_right_logical3A_1131 = vector.broadcast %shift_right_logical3A_1130 : i32 to vector<16xi32>
      %shift_right_logical3A_1132 = arith.shrui %bitcast_convert_type3A_1129, %shift_right_logical3A_1131 : vector<16xi32>
      %sub3A_1133 = arith.constant 1597463007 : i32
      %sub3A_1134 = vector.broadcast %sub3A_1133 : i32 to vector<16xi32>
      %sub3A_1135 = arith.subi %sub3A_1134, %shift_right_logical3A_1132 : vector<16xi32>
      %bitcast_convert_type3A_1136 = tpu.bitcast %sub3A_1135 : vector<16xi32> -> vector<16xf32>
      %mul3A_1137 = arith.constant 5.000000e-01 : f32
      %mul3A_1138 = vector.broadcast %mul3A_1137 : f32 to vector<16xf32>
      %mul3A_1139 = arith.mulf %mul3A_1138, %add3A_1128 : vector<16xf32>
      %mul3A_1140 = arith.mulf %mul3A_1139, %bitcast_convert_type3A_1136 : vector<16xf32>
      %mul3A_1141 = arith.mulf %mul3A_1140, %bitcast_convert_type3A_1136 : vector<16xf32>
      %sub3A_1142 = arith.constant 1.500000e+00 : f32
      %sub3A_1143 = vector.broadcast %sub3A_1142 : f32 to vector<16xf32>
      %sub3A_1144 = arith.subf %sub3A_1143, %mul3A_1141 : vector<16xf32>
      %mul3A_1145 = arith.mulf %bitcast_convert_type3A_1136, %sub3A_1144 : vector<16xf32>
      %sub3A_1146 = arith.subf %add3A_536, %mul3A_1088 : vector<16xf32>
      %mul3A_1147 = arith.mulf %sub3A_1146, %mul3A_1145 : vector<16xf32>
      %swap3A_1148 = arith.index_cast %add3A_524 : i32 to index
      %swap3A_1149 = arith.constant 0 : index
      %swap3A_1150 = tpu.vector_load %arg7[%swap3A_1148, %swap3A_1149] {strides = array<i32>} : memref<64x128xf32, #tpu.memory_space<vmem>>, vector<1x16xf32>,
      %swap3A_1151 = vector.shape_cast %swap3A_1150 : vector<1x16xf32> to vector<16xf32>
      %swap3A_1152 = vector.shape_cast %mul3A_1147 : vector<16xf32> to vector<1x16xf32>
      tpu.vector_store %arg7[%swap3A_1148, %swap3A_1149], %swap3A_1152 {strides = array<i32>} : memref<64x128xf32, #tpu.memory_space<vmem>>, vector<1x16xf32>,
      %sub3A_1153 = arith.subf %add3A_548, %mul3A_1088 : vector<16xf32>
      %mul3A_1154 = arith.mulf %sub3A_1153, %mul3A_1145 : vector<16xf32>
      %swap3A_1155 = arith.index_cast %add3A_524 : i32 to index
      %swap3A_1156 = arith.constant 16 : index
      %swap3A_1157 = tpu.vector_load %arg7[%swap3A_1155, %swap3A_1156] {strides = array<i32>} : memref<64x128xf32, #tpu.memory_space<vmem>>, vector<1x16xf32>,
      %swap3A_1158 = vector.shape_cast %swap3A_1157 : vector<1x16xf32> to vector<16xf32>
      %swap3A_1159 = vector.shape_cast %mul3A_1154 : vector<16xf32> to vector<1x16xf32>
      tpu.vector_store %arg7[%swap3A_1155, %swap3A_1156], %swap3A_1159 {strides = array<i32>} : memref<64x128xf32, #tpu.memory_space<vmem>>, vector<1x16xf32>,
      %sub3A_1160 = arith.subf %add3A_560, %mul3A_1088 : vector<16xf32>
      %mul3A_1161 = arith.mulf %sub3A_1160, %mul3A_1145 : vector<16xf32>
      %swap3A_1162 = arith.index_cast %add3A_524 : i32 to index
      %swap3A_1163 = arith.constant 32 : index
      %swap3A_1164 = tpu.vector_load %arg7[%swap3A_1162, %swap3A_1163] {strides = array<i32>} : memref<64x128xf32, #tpu.memory_space<vmem>>, vector<1x16xf32>,
      %swap3A_1165 = vector.shape_cast %swap3A_1164 : vector<1x16xf32> to vector<16xf32>
      %swap3A_1166 = vector.shape_cast %mul3A_1161 : vector<16xf32> to vector<1x16xf32>
      tpu.vector_store %arg7[%swap3A_1162, %swap3A_1163], %swap3A_1166 {strides = array<i32>} : memref<64x128xf32, #tpu.memory_space<vmem>>, vector<1x16xf32>,
      %sub3A_1167 = arith.subf %add3A_572, %mul3A_1088 : vector<16xf32>
      %mul3A_1168 = arith.mulf %sub3A_1167, %mul3A_1145 : vector<16xf32>
      %swap3A_1169 = arith.index_cast %add3A_524 : i32 to index
      %swap3A_1170 = arith.constant 48 : index
      %swap3A_1171 = tpu.vector_load %arg7[%swap3A_1169, %swap3A_1170] {strides = array<i32>} : memref<64x128xf32, #tpu.memory_space<vmem>>, vector<1x16xf32>,
      %swap3A_1172 = vector.shape_cast %swap3A_1171 : vector<1x16xf32> to vector<16xf32>
      %swap3A_1173 = vector.shape_cast %mul3A_1168 : vector<16xf32> to vector<1x16xf32>
      tpu.vector_store %arg7[%swap3A_1169, %swap3A_1170], %swap3A_1173 {strides = array<i32>} : memref<64x128xf32, #tpu.memory_space<vmem>>, vector<1x16xf32>,
      %sub3A_1174 = arith.subf %add3A_584, %mul3A_1088 : vector<16xf32>
      %mul3A_1175 = arith.mulf %sub3A_1174, %mul3A_1145 : vector<16xf32>
      %swap3A_1176 = arith.index_cast %add3A_524 : i32 to index
      %swap3A_1177 = arith.constant 64 : index
      %swap3A_1178 = tpu.vector_load %arg7[%swap3A_1176, %swap3A_1177] {strides = array<i32>} : memref<64x128xf32, #tpu.memory_space<vmem>>, vector<1x16xf32>,
      %swap3A_1179 = vector.shape_cast %swap3A_1178 : vector<1x16xf32> to vector<16xf32>
      %swap3A_1180 = vector.shape_cast %mul3A_1175 : vector<16xf32> to vector<1x16xf32>
      tpu.vector_store %arg7[%swap3A_1176, %swap3A_1177], %swap3A_1180 {strides = array<i32>} : memref<64x128xf32, #tpu.memory_space<vmem>>, vector<1x16xf32>,
      %sub3A_1181 = arith.subf %add3A_596, %mul3A_1088 : vector<16xf32>
      %mul3A_1182 = arith.mulf %sub3A_1181, %mul3A_1145 : vector<16xf32>
      %swap3A_1183 = arith.index_cast %add3A_524 : i32 to index
      %swap3A_1184 = arith.constant 80 : index
      %swap3A_1185 = tpu.vector_load %arg7[%swap3A_1183, %swap3A_1184] {strides = array<i32>} : memref<64x128xf32, #tpu.memory_space<vmem>>, vector<1x16xf32>,
      %swap3A_1186 = vector.shape_cast %swap3A_1185 : vector<1x16xf32> to vector<16xf32>
      %swap3A_1187 = vector.shape_cast %mul3A_1182 : vector<16xf32> to vector<1x16xf32>
      tpu.vector_store %arg7[%swap3A_1183, %swap3A_1184], %swap3A_1187 {strides = array<i32>} : memref<64x128xf32, #tpu.memory_space<vmem>>, vector<1x16xf32>,
      %sub3A_1188 = arith.subf %add3A_608, %mul3A_1088 : vector<16xf32>
      %mul3A_1189 = arith.mulf %sub3A_1188, %mul3A_1145 : vector<16xf32>
      %swap3A_1190 = arith.index_cast %add3A_524 : i32 to index
      %swap3A_1191 = arith.constant 96 : index
      %swap3A_1192 = tpu.vector_load %arg7[%swap3A_1190, %swap3A_1191] {strides = array<i32>} : memref<64x128xf32, #tpu.memory_space<vmem>>, vector<1x16xf32>,
      %swap3A_1193 = vector.shape_cast %swap3A_1192 : vector<1x16xf32> to vector<16xf32>
      %swap3A_1194 = vector.shape_cast %mul3A_1189 : vector<16xf32> to vector<1x16xf32>
      tpu.vector_store %arg7[%swap3A_1190, %swap3A_1191], %swap3A_1194 {strides = array<i32>} : memref<64x128xf32, #tpu.memory_space<vmem>>, vector<1x16xf32>,
      %sub3A_1195 = arith.subf %add3A_620, %mul3A_1088 : vector<16xf32>
      %mul3A_1196 = arith.mulf %sub3A_1195, %mul3A_1145 : vector<16xf32>
      %swap3A_1197 = arith.index_cast %add3A_524 : i32 to index
      %swap3A_1198 = arith.constant 112 : index
      %swap3A_1199 = tpu.vector_load %arg7[%swap3A_1197, %swap3A_1198] {strides = array<i32>} : memref<64x128xf32, #tpu.memory_space<vmem>>, vector<1x16xf32>,
      %swap3A_1200 = vector.shape_cast %swap3A_1199 : vector<1x16xf32> to vector<16xf32>
      %swap3A_1201 = vector.shape_cast %mul3A_1196 : vector<16xf32> to vector<1x16xf32>
      tpu.vector_store %arg7[%swap3A_1197, %swap3A_1198], %swap3A_1201 {strides = array<i32>} : memref<64x128xf32, #tpu.memory_space<vmem>>, vector<1x16xf32>,
      %iota3A_1202 = tpu.iota {dimensions = array<i32: 0>} : vector<16xi32>
      %xor3A_1203 = arith.constant 8 : i32
      %xor3A_1204 = vector.broadcast %xor3A_1203 : i32 to vector<16xi32>
      %xor3A_1205 = arith.xori %iota3A_1202, %xor3A_1204 : vector<16xi32>
      %broadcast_in_dim3A_1206 = vector.shape_cast %xor3A_1205 : vector<16xi32> to vector<16x1xi32>
      %gather3A_1207 = vector.shape_cast %broadcast_in_dim3A_1206 : vector<16x1xi32> to vector<16xi32>
      %gather3A_1208 = tpu.dynamic_gather %add3A_763[%gather3A_1207] in [0] : vector<16xf32>, vector<16xi32> -> vector<16xf32>
      %add3A_1209 = arith.addf %add3A_763, %gather3A_1208 : vector<16xf32>
      %iota3A_1210 = tpu.iota {dimensions = array<i32: 0>} : vector<16xi32>
      %xor3A_1211 = arith.constant 4 : i32
      %xor3A_1212 = vector.broadcast %xor3A_1211 : i32 to vector<16xi32>
      %xor3A_1213 = arith.xori %iota3A_1210, %xor3A_1212 : vector<16xi32>
      %broadcast_in_dim3A_1214 = vector.shape_cast %xor3A_1213 : vector<16xi32> to vector<16x1xi32>
      %gather3A_1215 = vector.shape_cast %broadcast_in_dim3A_1214 : vector<16x1xi32> to vector<16xi32>
      %gather3A_1216 = tpu.dynamic_gather %add3A_1209[%gather3A_1215] in [0] : vector<16xf32>, vector<16xi32> -> vector<16xf32>
      %add3A_1217 = arith.addf %add3A_1209, %gather3A_1216 : vector<16xf32>
      %iota3A_1218 = tpu.iota {dimensions = array<i32: 0>} : vector<16xi32>
      %xor3A_1219 = arith.constant 2 : i32
      %xor3A_1220 = vector.broadcast %xor3A_1219 : i32 to vector<16xi32>
      %xor3A_1221 = arith.xori %iota3A_1218, %xor3A_1220 : vector<16xi32>
      %broadcast_in_dim3A_1222 = vector.shape_cast %xor3A_1221 : vector<16xi32> to vector<16x1xi32>
      %gather3A_1223 = vector.shape_cast %broadcast_in_dim3A_1222 : vector<16x1xi32> to vector<16xi32>
      %gather3A_1224 = tpu.dynamic_gather %add3A_1217[%gather3A_1223] in [0] : vector<16xf32>, vector<16xi32> -> vector<16xf32>
      %add3A_1225 = arith.addf %add3A_1217, %gather3A_1224 : vector<16xf32>
      %iota3A_1226 = tpu.iota {dimensions = array<i32: 0>} : vector<16xi32>
      %xor3A_1227 = arith.constant 1 : i32
      %xor3A_1228 = vector.broadcast %xor3A_1227 : i32 to vector<16xi32>
      %xor3A_1229 = arith.xori %iota3A_1226, %xor3A_1228 : vector<16xi32>
      %broadcast_in_dim3A_1230 = vector.shape_cast %xor3A_1229 : vector<16xi32> to vector<16x1xi32>
      %gather3A_1231 = vector.shape_cast %broadcast_in_dim3A_1230 : vector<16x1xi32> to vector<16xi32>
      %gather3A_1232 = tpu.dynamic_gather %add3A_1225[%gather3A_1231] in [0] : vector<16xf32>, vector<16xi32> -> vector<16xf32>
      %add3A_1233 = arith.addf %add3A_1225, %gather3A_1232 : vector<16xf32>
      %mul3A_1234 = arith.constant 7.812500e-03 : f32
      %mul3A_1235 = vector.broadcast %mul3A_1234 : f32 to vector<16xf32>
      %mul3A_1236 = arith.mulf %add3A_1233, %mul3A_1235 : vector<16xf32>
      %iota3A_1237 = tpu.iota {dimensions = array<i32: 0>} : vector<16xi32>
      %xor3A_1238 = arith.constant 8 : i32
      %xor3A_1239 = vector.broadcast %xor3A_1238 : i32 to vector<16xi32>
      %xor3A_1240 = arith.xori %iota3A_1237, %xor3A_1239 : vector<16xi32>
      %broadcast_in_dim3A_1241 = vector.shape_cast %xor3A_1240 : vector<16xi32> to vector<16x1xi32>
      %gather3A_1242 = vector.shape_cast %broadcast_in_dim3A_1241 : vector<16x1xi32> to vector<16xi32>
      %gather3A_1243 = tpu.dynamic_gather %add3A_765[%gather3A_1242] in [0] : vector<16xf32>, vector<16xi32> -> vector<16xf32>
      %add3A_1244 = arith.addf %add3A_765, %gather3A_1243 : vector<16xf32>
      %iota3A_1245 = tpu.iota {dimensions = array<i32: 0>} : vector<16xi32>
      %xor3A_1246 = arith.constant 4 : i32
      %xor3A_1247 = vector.broadcast %xor3A_1246 : i32 to vector<16xi32>
      %xor3A_1248 = arith.xori %iota3A_1245, %xor3A_1247 : vector<16xi32>
      %broadcast_in_dim3A_1249 = vector.shape_cast %xor3A_1248 : vector<16xi32> to vector<16x1xi32>
      %gather3A_1250 = vector.shape_cast %broadcast_in_dim3A_1249 : vector<16x1xi32> to vector<16xi32>
      %gather3A_1251 = tpu.dynamic_gather %add3A_1244[%gather3A_1250] in [0] : vector<16xf32>, vector<16xi32> -> vector<16xf32>
      %add3A_1252 = arith.addf %add3A_1244, %gather3A_1251 : vector<16xf32>
      %iota3A_1253 = tpu.iota {dimensions = array<i32: 0>} : vector<16xi32>
      %xor3A_1254 = arith.constant 2 : i32
      %xor3A_1255 = vector.broadcast %xor3A_1254 : i32 to vector<16xi32>
      %xor3A_1256 = arith.xori %iota3A_1253, %xor3A_1255 : vector<16xi32>
      %broadcast_in_dim3A_1257 = vector.shape_cast %xor3A_1256 : vector<16xi32> to vector<16x1xi32>
      %gather3A_1258 = vector.shape_cast %broadcast_in_dim3A_1257 : vector<16x1xi32> to vector<16xi32>
      %gather3A_1259 = tpu.dynamic_gather %add3A_1252[%gather3A_1258] in [0] : vector<16xf32>, vector<16xi32> -> vector<16xf32>
      %add3A_1260 = arith.addf %add3A_1252, %gather3A_1259 : vector<16xf32>
      %iota3A_1261 = tpu.iota {dimensions = array<i32: 0>} : vector<16xi32>
      %xor3A_1262 = arith.constant 1 : i32
      %xor3A_1263 = vector.broadcast %xor3A_1262 : i32 to vector<16xi32>
      %xor3A_1264 = arith.xori %iota3A_1261, %xor3A_1263 : vector<16xi32>
      %broadcast_in_dim3A_1265 = vector.shape_cast %xor3A_1264 : vector<16xi32> to vector<16x1xi32>
      %gather3A_1266 = vector.shape_cast %broadcast_in_dim3A_1265 : vector<16x1xi32> to vector<16xi32>
      %gather3A_1267 = tpu.dynamic_gather %add3A_1260[%gather3A_1266] in [0] : vector<16xf32>, vector<16xi32> -> vector<16xf32>
      %add3A_1268 = arith.addf %add3A_1260, %gather3A_1267 : vector<16xf32>
      %mul3A_1269 = arith.constant 7.812500e-03 : f32
      %mul3A_1270 = vector.broadcast %mul3A_1269 : f32 to vector<16xf32>
      %mul3A_1271 = arith.mulf %add3A_1268, %mul3A_1270 : vector<16xf32>
      %mul3A_1272 = arith.mulf %mul3A_1236, %mul3A_1236 : vector<16xf32>
      %sub3A_1273 = arith.subf %mul3A_1271, %mul3A_1272 : vector<16xf32>
      %add3A_1274 = arith.constant 9.99999974E-6 : f32
      %add3A_1275 = vector.broadcast %add3A_1274 : f32 to vector<16xf32>
      %add3A_1276 = arith.addf %sub3A_1273, %add3A_1275 : vector<16xf32>
      %bitcast_convert_type3A_1277 = tpu.bitcast %add3A_1276 : vector<16xf32> -> vector<16xi32>
      %shift_right_logical3A_1278 = arith.constant 1 : i32
      %shift_right_logical3A_1279 = vector.broadcast %shift_right_logical3A_1278 : i32 to vector<16xi32>
      %shift_right_logical3A_1280 = arith.shrui %bitcast_convert_type3A_1277, %shift_right_logical3A_1279 : vector<16xi32>
      %sub3A_1281 = arith.constant 1597463007 : i32
      %sub3A_1282 = vector.broadcast %sub3A_1281 : i32 to vector<16xi32>
      %sub3A_1283 = arith.subi %sub3A_1282, %shift_right_logical3A_1280 : vector<16xi32>
      %bitcast_convert_type3A_1284 = tpu.bitcast %sub3A_1283 : vector<16xi32> -> vector<16xf32>
      %mul3A_1285 = arith.constant 5.000000e-01 : f32
      %mul3A_1286 = vector.broadcast %mul3A_1285 : f32 to vector<16xf32>
      %mul3A_1287 = arith.mulf %mul3A_1286, %add3A_1276 : vector<16xf32>
      %mul3A_1288 = arith.mulf %mul3A_1287, %bitcast_convert_type3A_1284 : vector<16xf32>
      %mul3A_1289 = arith.mulf %mul3A_1288, %bitcast_convert_type3A_1284 : vector<16xf32>
      %sub3A_1290 = arith.constant 1.500000e+00 : f32
      %sub3A_1291 = vector.broadcast %sub3A_1290 : f32 to vector<16xf32>
      %sub3A_1292 = arith.subf %sub3A_1291, %mul3A_1289 : vector<16xf32>
      %mul3A_1293 = arith.mulf %bitcast_convert_type3A_1284, %sub3A_1292 : vector<16xf32>
      %sub3A_1294 = arith.subf %add3A_659, %mul3A_1236 : vector<16xf32>
      %mul3A_1295 = arith.mulf %sub3A_1294, %mul3A_1293 : vector<16xf32>
      %swap3A_1296 = arith.index_cast %add3A_647 : i32 to index
      %swap3A_1297 = arith.constant 0 : index
      %swap3A_1298 = tpu.vector_load %arg7[%swap3A_1296, %swap3A_1297] {strides = array<i32>} : memref<64x128xf32, #tpu.memory_space<vmem>>, vector<1x16xf32>,
      %swap3A_1299 = vector.shape_cast %swap3A_1298 : vector<1x16xf32> to vector<16xf32>
      %swap3A_1300 = vector.shape_cast %mul3A_1295 : vector<16xf32> to vector<1x16xf32>
      tpu.vector_store %arg7[%swap3A_1296, %swap3A_1297], %swap3A_1300 {strides = array<i32>} : memref<64x128xf32, #tpu.memory_space<vmem>>, vector<1x16xf32>,
      %sub3A_1301 = arith.subf %add3A_671, %mul3A_1236 : vector<16xf32>
      %mul3A_1302 = arith.mulf %sub3A_1301, %mul3A_1293 : vector<16xf32>
      %swap3A_1303 = arith.index_cast %add3A_647 : i32 to index
      %swap3A_1304 = arith.constant 16 : index
      %swap3A_1305 = tpu.vector_load %arg7[%swap3A_1303, %swap3A_1304] {strides = array<i32>} : memref<64x128xf32, #tpu.memory_space<vmem>>, vector<1x16xf32>,
      %swap3A_1306 = vector.shape_cast %swap3A_1305 : vector<1x16xf32> to vector<16xf32>
      %swap3A_1307 = vector.shape_cast %mul3A_1302 : vector<16xf32> to vector<1x16xf32>
      tpu.vector_store %arg7[%swap3A_1303, %swap3A_1304], %swap3A_1307 {strides = array<i32>} : memref<64x128xf32, #tpu.memory_space<vmem>>, vector<1x16xf32>,
      %sub3A_1308 = arith.subf %add3A_683, %mul3A_1236 : vector<16xf32>
      %mul3A_1309 = arith.mulf %sub3A_1308, %mul3A_1293 : vector<16xf32>
      %swap3A_1310 = arith.index_cast %add3A_647 : i32 to index
      %swap3A_1311 = arith.constant 32 : index
      %swap3A_1312 = tpu.vector_load %arg7[%swap3A_1310, %swap3A_1311] {strides = array<i32>} : memref<64x128xf32, #tpu.memory_space<vmem>>, vector<1x16xf32>,
      %swap3A_1313 = vector.shape_cast %swap3A_1312 : vector<1x16xf32> to vector<16xf32>
      %swap3A_1314 = vector.shape_cast %mul3A_1309 : vector<16xf32> to vector<1x16xf32>
      tpu.vector_store %arg7[%swap3A_1310, %swap3A_1311], %swap3A_1314 {strides = array<i32>} : memref<64x128xf32, #tpu.memory_space<vmem>>, vector<1x16xf32>,
      %sub3A_1315 = arith.subf %add3A_695, %mul3A_1236 : vector<16xf32>
      %mul3A_1316 = arith.mulf %sub3A_1315, %mul3A_1293 : vector<16xf32>
      %swap3A_1317 = arith.index_cast %add3A_647 : i32 to index
      %swap3A_1318 = arith.constant 48 : index
      %swap3A_1319 = tpu.vector_load %arg7[%swap3A_1317, %swap3A_1318] {strides = array<i32>} : memref<64x128xf32, #tpu.memory_space<vmem>>, vector<1x16xf32>,
      %swap3A_1320 = vector.shape_cast %swap3A_1319 : vector<1x16xf32> to vector<16xf32>
      %swap3A_1321 = vector.shape_cast %mul3A_1316 : vector<16xf32> to vector<1x16xf32>
      tpu.vector_store %arg7[%swap3A_1317, %swap3A_1318], %swap3A_1321 {strides = array<i32>} : memref<64x128xf32, #tpu.memory_space<vmem>>, vector<1x16xf32>,
      %sub3A_1322 = arith.subf %add3A_707, %mul3A_1236 : vector<16xf32>
      %mul3A_1323 = arith.mulf %sub3A_1322, %mul3A_1293 : vector<16xf32>
      %swap3A_1324 = arith.index_cast %add3A_647 : i32 to index
      %swap3A_1325 = arith.constant 64 : index
      %swap3A_1326 = tpu.vector_load %arg7[%swap3A_1324, %swap3A_1325] {strides = array<i32>} : memref<64x128xf32, #tpu.memory_space<vmem>>, vector<1x16xf32>,
      %swap3A_1327 = vector.shape_cast %swap3A_1326 : vector<1x16xf32> to vector<16xf32>
      %swap3A_1328 = vector.shape_cast %mul3A_1323 : vector<16xf32> to vector<1x16xf32>
      tpu.vector_store %arg7[%swap3A_1324, %swap3A_1325], %swap3A_1328 {strides = array<i32>} : memref<64x128xf32, #tpu.memory_space<vmem>>, vector<1x16xf32>,
      %sub3A_1329 = arith.subf %add3A_719, %mul3A_1236 : vector<16xf32>
      %mul3A_1330 = arith.mulf %sub3A_1329, %mul3A_1293 : vector<16xf32>
      %swap3A_1331 = arith.index_cast %add3A_647 : i32 to index
      %swap3A_1332 = arith.constant 80 : index
      %swap3A_1333 = tpu.vector_load %arg7[%swap3A_1331, %swap3A_1332] {strides = array<i32>} : memref<64x128xf32, #tpu.memory_space<vmem>>, vector<1x16xf32>,
      %swap3A_1334 = vector.shape_cast %swap3A_1333 : vector<1x16xf32> to vector<16xf32>
      %swap3A_1335 = vector.shape_cast %mul3A_1330 : vector<16xf32> to vector<1x16xf32>
      tpu.vector_store %arg7[%swap3A_1331, %swap3A_1332], %swap3A_1335 {strides = array<i32>} : memref<64x128xf32, #tpu.memory_space<vmem>>, vector<1x16xf32>,
      %sub3A_1336 = arith.subf %add3A_731, %mul3A_1236 : vector<16xf32>
      %mul3A_1337 = arith.mulf %sub3A_1336, %mul3A_1293 : vector<16xf32>
      %swap3A_1338 = arith.index_cast %add3A_647 : i32 to index
      %swap3A_1339 = arith.constant 96 : index
      %swap3A_1340 = tpu.vector_load %arg7[%swap3A_1338, %swap3A_1339] {strides = array<i32>} : memref<64x128xf32, #tpu.memory_space<vmem>>, vector<1x16xf32>,
      %swap3A_1341 = vector.shape_cast %swap3A_1340 : vector<1x16xf32> to vector<16xf32>
      %swap3A_1342 = vector.shape_cast %mul3A_1337 : vector<16xf32> to vector<1x16xf32>
      tpu.vector_store %arg7[%swap3A_1338, %swap3A_1339], %swap3A_1342 {strides = array<i32>} : memref<64x128xf32, #tpu.memory_space<vmem>>, vector<1x16xf32>,
      %sub3A_1343 = arith.subf %add3A_743, %mul3A_1236 : vector<16xf32>
      %mul3A_1344 = arith.mulf %sub3A_1343, %mul3A_1293 : vector<16xf32>
      %swap3A_1345 = arith.index_cast %add3A_647 : i32 to index
      %swap3A_1346 = arith.constant 112 : index
      %swap3A_1347 = tpu.vector_load %arg7[%swap3A_1345, %swap3A_1346] {strides = array<i32>} : memref<64x128xf32, #tpu.memory_space<vmem>>, vector<1x16xf32>,
      %swap3A_1348 = vector.shape_cast %swap3A_1347 : vector<1x16xf32> to vector<16xf32>
      %swap3A_1349 = vector.shape_cast %mul3A_1344 : vector<16xf32> to vector<1x16xf32>
      tpu.vector_store %arg7[%swap3A_1345, %swap3A_1346], %swap3A_1349 {strides = array<i32>} : memref<64x128xf32, #tpu.memory_space<vmem>>, vector<1x16xf32>,
    }
    %scan3A_109 = arith.constant 8 : i32
    %add3A_110 = arith.constant 32 : i32
    %add3A_111 = arith.addi %mul3A_2, %add3A_110 : i32
    %dma_start3A_112 = arith.constant 0 : i32
    %dma_start3A_113 = arith.constant 32 : i32
    %dma_start3A_114 = arith.constant 0 : i32
    %dma_start3A_115 = tpu.memref_slice %arg7[%dma_start3A_113, %dma_start3A_114] : memref<64x128xf32, #tpu.memory_space<vmem>> -> memref<32x128xf32, #tpu.memory_space<vmem>>
    %dma_start3A_116 = arith.constant 0 : i32
    %dma_start3A_117 = tpu.memref_slice %arg5[%dma_start3A_112, %add3A_111, %dma_start3A_116] : memref<4x2048x128xf32, #tpu.memory_space<hbm>> -> memref<1x32x128xf32, #tpu.memory_space<hbm>>
    %dma_start3A_118 = tpu.memref_squeeze %dma_start3A_117 : memref<1x32x128xf32, #tpu.memory_space<hbm>> -> memref<32x128xf32, #tpu.memory_space<hbm>>
    %dma_start3A_119 = arith.constant 0 : i32
    %dma_start3A_120 = tpu.memref_slice %arg5[%dma_start3A_112, %add3A_111, %dma_start3A_119] : memref<4x2048x128xf32, #tpu.memory_space<hbm>> -> memref<1x32x128xf32, #tpu.memory_space<hbm>>
    %dma_start3A_121 = tpu.memref_squeeze %dma_start3A_120 : memref<1x32x128xf32, #tpu.memory_space<hbm>> -> memref<32x128xf32, #tpu.memory_space<hbm>>
    %dma_start3A_122 = arith.constant 32 : i32
    %dma_start3A_123 = arith.constant 0 : i32
    %dma_start3A_124 = tpu.memref_slice %arg7[%dma_start3A_122, %dma_start3A_123] : memref<64x128xf32, #tpu.memory_space<vmem>> -> memref<32x128xf32, #tpu.memory_space<vmem>>
    tpu.enqueue_dma source(%dma_start3A_124 : memref<32x128xf32, #tpu.memory_space<vmem>>) target(%dma_start3A_121 : memref<32x128xf32, #tpu.memory_space<hbm>>) target_semaphore(%arg12 : memref<!tpu.dma_semaphore, #tpu.memory_space<semaphore_mem>>)
    %add3A_125 = arith.constant 32 : i32
    %add3A_126 = arith.addi %mul3A_2, %add3A_125 : i32
    %dma_start3A_127 = arith.constant 1 : i32
    %dma_start3A_128 = arith.constant 32 : i32
    %dma_start3A_129 = arith.constant 0 : i32
    %dma_start3A_130 = tpu.memref_slice %arg7[%dma_start3A_128, %dma_start3A_129] : memref<64x128xf32, #tpu.memory_space<vmem>> -> memref<32x128xf32, #tpu.memory_space<vmem>>
    %dma_start3A_131 = arith.constant 0 : i32
    %dma_start3A_132 = tpu.memref_slice %arg5[%dma_start3A_127, %add3A_126, %dma_start3A_131] : memref<4x2048x128xf32, #tpu.memory_space<hbm>> -> memref<1x32x128xf32, #tpu.memory_space<hbm>>
    %dma_start3A_133 = tpu.memref_squeeze %dma_start3A_132 : memref<1x32x128xf32, #tpu.memory_space<hbm>> -> memref<32x128xf32, #tpu.memory_space<hbm>>
    %dma_start3A_134 = arith.constant 0 : i32
    %dma_start3A_135 = tpu.memref_slice %arg5[%dma_start3A_127, %add3A_126, %dma_start3A_134] : memref<4x2048x128xf32, #tpu.memory_space<hbm>> -> memref<1x32x128xf32, #tpu.memory_space<hbm>>
    %dma_start3A_136 = tpu.memref_squeeze %dma_start3A_135 : memref<1x32x128xf32, #tpu.memory_space<hbm>> -> memref<32x128xf32, #tpu.memory_space<hbm>>
    %dma_start3A_137 = arith.constant 32 : i32
    %dma_start3A_138 = arith.constant 0 : i32
    %dma_start3A_139 = tpu.memref_slice %arg7[%dma_start3A_137, %dma_start3A_138] : memref<64x128xf32, #tpu.memory_space<vmem>> -> memref<32x128xf32, #tpu.memory_space<vmem>>
    tpu.enqueue_dma source(%dma_start3A_139 : memref<32x128xf32, #tpu.memory_space<vmem>>) target(%dma_start3A_136 : memref<32x128xf32, #tpu.memory_space<hbm>>) target_semaphore(%arg12 : memref<!tpu.dma_semaphore, #tpu.memory_space<semaphore_mem>>)
    %add3A_140 = arith.constant 32 : i32
    %add3A_141 = arith.addi %mul3A_2, %add3A_140 : i32
    %dma_start3A_142 = arith.constant 2 : i32
    %dma_start3A_143 = arith.constant 32 : i32
    %dma_start3A_144 = arith.constant 0 : i32
    %dma_start3A_145 = tpu.memref_slice %arg7[%dma_start3A_143, %dma_start3A_144] : memref<64x128xf32, #tpu.memory_space<vmem>> -> memref<32x128xf32, #tpu.memory_space<vmem>>
    %dma_start3A_146 = arith.constant 0 : i32
    %dma_start3A_147 = tpu.memref_slice %arg5[%dma_start3A_142, %add3A_141, %dma_start3A_146] : memref<4x2048x128xf32, #tpu.memory_space<hbm>> -> memref<1x32x128xf32, #tpu.memory_space<hbm>>
    %dma_start3A_148 = tpu.memref_squeeze %dma_start3A_147 : memref<1x32x128xf32, #tpu.memory_space<hbm>> -> memref<32x128xf32, #tpu.memory_space<hbm>>
    %dma_start3A_149 = arith.constant 0 : i32
    %dma_start3A_150 = tpu.memref_slice %arg5[%dma_start3A_142, %add3A_141, %dma_start3A_149] : memref<4x2048x128xf32, #tpu.memory_space<hbm>> -> memref<1x32x128xf32, #tpu.memory_space<hbm>>
    %dma_start3A_151 = tpu.memref_squeeze %dma_start3A_150 : memref<1x32x128xf32, #tpu.memory_space<hbm>> -> memref<32x128xf32, #tpu.memory_space<hbm>>
    %dma_start3A_152 = arith.constant 32 : i32
    %dma_start3A_153 = arith.constant 0 : i32
    %dma_start3A_154 = tpu.memref_slice %arg7[%dma_start3A_152, %dma_start3A_153] : memref<64x128xf32, #tpu.memory_space<vmem>> -> memref<32x128xf32, #tpu.memory_space<vmem>>
    tpu.enqueue_dma source(%dma_start3A_154 : memref<32x128xf32, #tpu.memory_space<vmem>>) target(%dma_start3A_151 : memref<32x128xf32, #tpu.memory_space<hbm>>) target_semaphore(%arg12 : memref<!tpu.dma_semaphore, #tpu.memory_space<semaphore_mem>>)
    %add3A_155 = arith.constant 32 : i32
    %add3A_156 = arith.addi %mul3A_2, %add3A_155 : i32
    %dma_start3A_157 = arith.constant 3 : i32
    %dma_start3A_158 = arith.constant 32 : i32
    %dma_start3A_159 = arith.constant 0 : i32
    %dma_start3A_160 = tpu.memref_slice %arg7[%dma_start3A_158, %dma_start3A_159] : memref<64x128xf32, #tpu.memory_space<vmem>> -> memref<32x128xf32, #tpu.memory_space<vmem>>
    %dma_start3A_161 = arith.constant 0 : i32
    %dma_start3A_162 = tpu.memref_slice %arg5[%dma_start3A_157, %add3A_156, %dma_start3A_161] : memref<4x2048x128xf32, #tpu.memory_space<hbm>> -> memref<1x32x128xf32, #tpu.memory_space<hbm>>
    %dma_start3A_163 = tpu.memref_squeeze %dma_start3A_162 : memref<1x32x128xf32, #tpu.memory_space<hbm>> -> memref<32x128xf32, #tpu.memory_space<hbm>>
    %dma_start3A_164 = arith.constant 0 : i32
    %dma_start3A_165 = tpu.memref_slice %arg5[%dma_start3A_157, %add3A_156, %dma_start3A_164] : memref<4x2048x128xf32, #tpu.memory_space<hbm>> -> memref<1x32x128xf32, #tpu.memory_space<hbm>>
    %dma_start3A_166 = tpu.memref_squeeze %dma_start3A_165 : memref<1x32x128xf32, #tpu.memory_space<hbm>> -> memref<32x128xf32, #tpu.memory_space<hbm>>
    %dma_start3A_167 = arith.constant 32 : i32
    %dma_start3A_168 = arith.constant 0 : i32
    %dma_start3A_169 = tpu.memref_slice %arg7[%dma_start3A_167, %dma_start3A_168] : memref<64x128xf32, #tpu.memory_space<vmem>> -> memref<32x128xf32, #tpu.memory_space<vmem>>
    tpu.enqueue_dma source(%dma_start3A_169 : memref<32x128xf32, #tpu.memory_space<vmem>>) target(%dma_start3A_166 : memref<32x128xf32, #tpu.memory_space<hbm>>) target_semaphore(%arg12 : memref<!tpu.dma_semaphore, #tpu.memory_space<semaphore_mem>>)
    %dma_wait3A_170 = arith.constant 0 : i32
    %dma_wait3A_171 = arith.constant 0 : i32
    %dma_wait3A_172 = arith.constant 0 : i32
    %dma_wait3A_173 = tpu.memref_slice %arg7[%dma_wait3A_171, %dma_wait3A_172] : memref<64x128xf32, #tpu.memory_space<vmem>> -> memref<32x128xf32, #tpu.memory_space<vmem>>
    %dma_wait3A_174 = arith.constant 0 : i32
    %dma_wait3A_175 = tpu.memref_slice %arg5[%dma_wait3A_170, %add3A_37, %dma_wait3A_174] : memref<4x2048x128xf32, #tpu.memory_space<hbm>> -> memref<1x32x128xf32, #tpu.memory_space<hbm>>
    %dma_wait3A_176 = tpu.memref_squeeze %dma_wait3A_175 : memref<1x32x128xf32, #tpu.memory_space<hbm>> -> memref<32x128xf32, #tpu.memory_space<hbm>>
    %dma_wait3A_177 = arith.constant 0 : i32
    %dma_wait3A_178 = tpu.memref_slice %arg5[%dma_wait3A_170, %add3A_37, %dma_wait3A_177] : memref<4x2048x128xf32, #tpu.memory_space<hbm>> -> memref<1x32x128xf32, #tpu.memory_space<hbm>>
    %dma_wait3A_179 = tpu.memref_squeeze %dma_wait3A_178 : memref<1x32x128xf32, #tpu.memory_space<hbm>> -> memref<32x128xf32, #tpu.memory_space<hbm>>
    %dma_wait3A_180 = arith.constant 0 : i32
    %dma_wait3A_181 = arith.constant 0 : i32
    %dma_wait3A_182 = tpu.memref_slice %arg7[%dma_wait3A_180, %dma_wait3A_181] : memref<64x128xf32, #tpu.memory_space<vmem>> -> memref<32x128xf32, #tpu.memory_space<vmem>>
    tpu.wait_dma2 semaphore(%arg12 : memref<!tpu.dma_semaphore, #tpu.memory_space<semaphore_mem>>) src(%dma_wait3A_182 : memref<32x128xf32, #tpu.memory_space<vmem>>) dst(%dma_wait3A_179 : memref<32x128xf32, #tpu.memory_space<hbm>>)
    %dma_wait3A_183 = arith.constant 1 : i32
    %dma_wait3A_184 = arith.constant 0 : i32
    %dma_wait3A_185 = arith.constant 0 : i32
    %dma_wait3A_186 = tpu.memref_slice %arg7[%dma_wait3A_184, %dma_wait3A_185] : memref<64x128xf32, #tpu.memory_space<vmem>> -> memref<32x128xf32, #tpu.memory_space<vmem>>
    %dma_wait3A_187 = arith.constant 0 : i32
    %dma_wait3A_188 = tpu.memref_slice %arg5[%dma_wait3A_183, %add3A_52, %dma_wait3A_187] : memref<4x2048x128xf32, #tpu.memory_space<hbm>> -> memref<1x32x128xf32, #tpu.memory_space<hbm>>
    %dma_wait3A_189 = tpu.memref_squeeze %dma_wait3A_188 : memref<1x32x128xf32, #tpu.memory_space<hbm>> -> memref<32x128xf32, #tpu.memory_space<hbm>>
    %dma_wait3A_190 = arith.constant 0 : i32
    %dma_wait3A_191 = tpu.memref_slice %arg5[%dma_wait3A_183, %add3A_52, %dma_wait3A_190] : memref<4x2048x128xf32, #tpu.memory_space<hbm>> -> memref<1x32x128xf32, #tpu.memory_space<hbm>>
    %dma_wait3A_192 = tpu.memref_squeeze %dma_wait3A_191 : memref<1x32x128xf32, #tpu.memory_space<hbm>> -> memref<32x128xf32, #tpu.memory_space<hbm>>
    %dma_wait3A_193 = arith.constant 0 : i32
    %dma_wait3A_194 = arith.constant 0 : i32
    %dma_wait3A_195 = tpu.memref_slice %arg7[%dma_wait3A_193, %dma_wait3A_194] : memref<64x128xf32, #tpu.memory_space<vmem>> -> memref<32x128xf32, #tpu.memory_space<vmem>>
    tpu.wait_dma2 semaphore(%arg12 : memref<!tpu.dma_semaphore, #tpu.memory_space<semaphore_mem>>) src(%dma_wait3A_195 : memref<32x128xf32, #tpu.memory_space<vmem>>) dst(%dma_wait3A_192 : memref<32x128xf32, #tpu.memory_space<hbm>>)
    %dma_wait3A_196 = arith.constant 2 : i32
    %dma_wait3A_197 = arith.constant 0 : i32
    %dma_wait3A_198 = arith.constant 0 : i32
    %dma_wait3A_199 = tpu.memref_slice %arg7[%dma_wait3A_197, %dma_wait3A_198] : memref<64x128xf32, #tpu.memory_space<vmem>> -> memref<32x128xf32, #tpu.memory_space<vmem>>
    %dma_wait3A_200 = arith.constant 0 : i32
    %dma_wait3A_201 = tpu.memref_slice %arg5[%dma_wait3A_196, %add3A_67, %dma_wait3A_200] : memref<4x2048x128xf32, #tpu.memory_space<hbm>> -> memref<1x32x128xf32, #tpu.memory_space<hbm>>
    %dma_wait3A_202 = tpu.memref_squeeze %dma_wait3A_201 : memref<1x32x128xf32, #tpu.memory_space<hbm>> -> memref<32x128xf32, #tpu.memory_space<hbm>>
    %dma_wait3A_203 = arith.constant 0 : i32
    %dma_wait3A_204 = tpu.memref_slice %arg5[%dma_wait3A_196, %add3A_67, %dma_wait3A_203] : memref<4x2048x128xf32, #tpu.memory_space<hbm>> -> memref<1x32x128xf32, #tpu.memory_space<hbm>>
    %dma_wait3A_205 = tpu.memref_squeeze %dma_wait3A_204 : memref<1x32x128xf32, #tpu.memory_space<hbm>> -> memref<32x128xf32, #tpu.memory_space<hbm>>
    %dma_wait3A_206 = arith.constant 0 : i32
    %dma_wait3A_207 = arith.constant 0 : i32
    %dma_wait3A_208 = tpu.memref_slice %arg7[%dma_wait3A_206, %dma_wait3A_207] : memref<64x128xf32, #tpu.memory_space<vmem>> -> memref<32x128xf32, #tpu.memory_space<vmem>>
    tpu.wait_dma2 semaphore(%arg12 : memref<!tpu.dma_semaphore, #tpu.memory_space<semaphore_mem>>) src(%dma_wait3A_208 : memref<32x128xf32, #tpu.memory_space<vmem>>) dst(%dma_wait3A_205 : memref<32x128xf32, #tpu.memory_space<hbm>>)
    %dma_wait3A_209 = arith.constant 3 : i32
    %dma_wait3A_210 = arith.constant 0 : i32
    %dma_wait3A_211 = arith.constant 0 : i32
    %dma_wait3A_212 = tpu.memref_slice %arg7[%dma_wait3A_210, %dma_wait3A_211] : memref<64x128xf32, #tpu.memory_space<vmem>> -> memref<32x128xf32, #tpu.memory_space<vmem>>
    %dma_wait3A_213 = arith.constant 0 : i32
    %dma_wait3A_214 = tpu.memref_slice %arg5[%dma_wait3A_209, %add3A_82, %dma_wait3A_213] : memref<4x2048x128xf32, #tpu.memory_space<hbm>> -> memref<1x32x128xf32, #tpu.memory_space<hbm>>
    %dma_wait3A_215 = tpu.memref_squeeze %dma_wait3A_214 : memref<1x32x128xf32, #tpu.memory_space<hbm>> -> memref<32x128xf32, #tpu.memory_space<hbm>>
    %dma_wait3A_216 = arith.constant 0 : i32
    %dma_wait3A_217 = tpu.memref_slice %arg5[%dma_wait3A_209, %add3A_82, %dma_wait3A_216] : memref<4x2048x128xf32, #tpu.memory_space<hbm>> -> memref<1x32x128xf32, #tpu.memory_space<hbm>>
    %dma_wait3A_218 = tpu.memref_squeeze %dma_wait3A_217 : memref<1x32x128xf32, #tpu.memory_space<hbm>> -> memref<32x128xf32, #tpu.memory_space<hbm>>
    %dma_wait3A_219 = arith.constant 0 : i32
    %dma_wait3A_220 = arith.constant 0 : i32
    %dma_wait3A_221 = tpu.memref_slice %arg7[%dma_wait3A_219, %dma_wait3A_220] : memref<64x128xf32, #tpu.memory_space<vmem>> -> memref<32x128xf32, #tpu.memory_space<vmem>>
    tpu.wait_dma2 semaphore(%arg12 : memref<!tpu.dma_semaphore, #tpu.memory_space<semaphore_mem>>) src(%dma_wait3A_221 : memref<32x128xf32, #tpu.memory_space<vmem>>) dst(%dma_wait3A_218 : memref<32x128xf32, #tpu.memory_space<hbm>>)
    %dma_wait3A_222 = arith.constant 0 : i32
    %dma_wait3A_223 = arith.constant 32 : i32
    %dma_wait3A_224 = arith.constant 0 : i32
    %dma_wait3A_225 = tpu.memref_slice %arg7[%dma_wait3A_223, %dma_wait3A_224] : memref<64x128xf32, #tpu.memory_space<vmem>> -> memref<32x128xf32, #tpu.memory_space<vmem>>
    %dma_wait3A_226 = arith.constant 0 : i32
    %dma_wait3A_227 = tpu.memref_slice %arg5[%dma_wait3A_222, %add3A_111, %dma_wait3A_226] : memref<4x2048x128xf32, #tpu.memory_space<hbm>> -> memref<1x32x128xf32, #tpu.memory_space<hbm>>
    %dma_wait3A_228 = tpu.memref_squeeze %dma_wait3A_227 : memref<1x32x128xf32, #tpu.memory_space<hbm>> -> memref<32x128xf32, #tpu.memory_space<hbm>>
    %dma_wait3A_229 = arith.constant 0 : i32
    %dma_wait3A_230 = tpu.memref_slice %arg5[%dma_wait3A_222, %add3A_111, %dma_wait3A_229] : memref<4x2048x128xf32, #tpu.memory_space<hbm>> -> memref<1x32x128xf32, #tpu.memory_space<hbm>>
    %dma_wait3A_231 = tpu.memref_squeeze %dma_wait3A_230 : memref<1x32x128xf32, #tpu.memory_space<hbm>> -> memref<32x128xf32, #tpu.memory_space<hbm>>
    %dma_wait3A_232 = arith.constant 32 : i32
    %dma_wait3A_233 = arith.constant 0 : i32
    %dma_wait3A_234 = tpu.memref_slice %arg7[%dma_wait3A_232, %dma_wait3A_233] : memref<64x128xf32, #tpu.memory_space<vmem>> -> memref<32x128xf32, #tpu.memory_space<vmem>>
    tpu.wait_dma2 semaphore(%arg12 : memref<!tpu.dma_semaphore, #tpu.memory_space<semaphore_mem>>) src(%dma_wait3A_234 : memref<32x128xf32, #tpu.memory_space<vmem>>) dst(%dma_wait3A_231 : memref<32x128xf32, #tpu.memory_space<hbm>>)
    %dma_wait3A_235 = arith.constant 1 : i32
    %dma_wait3A_236 = arith.constant 32 : i32
    %dma_wait3A_237 = arith.constant 0 : i32
    %dma_wait3A_238 = tpu.memref_slice %arg7[%dma_wait3A_236, %dma_wait3A_237] : memref<64x128xf32, #tpu.memory_space<vmem>> -> memref<32x128xf32, #tpu.memory_space<vmem>>
    %dma_wait3A_239 = arith.constant 0 : i32
    %dma_wait3A_240 = tpu.memref_slice %arg5[%dma_wait3A_235, %add3A_126, %dma_wait3A_239] : memref<4x2048x128xf32, #tpu.memory_space<hbm>> -> memref<1x32x128xf32, #tpu.memory_space<hbm>>
    %dma_wait3A_241 = tpu.memref_squeeze %dma_wait3A_240 : memref<1x32x128xf32, #tpu.memory_space<hbm>> -> memref<32x128xf32, #tpu.memory_space<hbm>>
    %dma_wait3A_242 = arith.constant 0 : i32
    %dma_wait3A_243 = tpu.memref_slice %arg5[%dma_wait3A_235, %add3A_126, %dma_wait3A_242] : memref<4x2048x128xf32, #tpu.memory_space<hbm>> -> memref<1x32x128xf32, #tpu.memory_space<hbm>>
    %dma_wait3A_244 = tpu.memref_squeeze %dma_wait3A_243 : memref<1x32x128xf32, #tpu.memory_space<hbm>> -> memref<32x128xf32, #tpu.memory_space<hbm>>
    %dma_wait3A_245 = arith.constant 32 : i32
    %dma_wait3A_246 = arith.constant 0 : i32
    %dma_wait3A_247 = tpu.memref_slice %arg7[%dma_wait3A_245, %dma_wait3A_246] : memref<64x128xf32, #tpu.memory_space<vmem>> -> memref<32x128xf32, #tpu.memory_space<vmem>>
    tpu.wait_dma2 semaphore(%arg12 : memref<!tpu.dma_semaphore, #tpu.memory_space<semaphore_mem>>) src(%dma_wait3A_247 : memref<32x128xf32, #tpu.memory_space<vmem>>) dst(%dma_wait3A_244 : memref<32x128xf32, #tpu.memory_space<hbm>>)
    %dma_wait3A_248 = arith.constant 2 : i32
    %dma_wait3A_249 = arith.constant 32 : i32
    %dma_wait3A_250 = arith.constant 0 : i32
    %dma_wait3A_251 = tpu.memref_slice %arg7[%dma_wait3A_249, %dma_wait3A_250] : memref<64x128xf32, #tpu.memory_space<vmem>> -> memref<32x128xf32, #tpu.memory_space<vmem>>
    %dma_wait3A_252 = arith.constant 0 : i32
    %dma_wait3A_253 = tpu.memref_slice %arg5[%dma_wait3A_248, %add3A_141, %dma_wait3A_252] : memref<4x2048x128xf32, #tpu.memory_space<hbm>> -> memref<1x32x128xf32, #tpu.memory_space<hbm>>
    %dma_wait3A_254 = tpu.memref_squeeze %dma_wait3A_253 : memref<1x32x128xf32, #tpu.memory_space<hbm>> -> memref<32x128xf32, #tpu.memory_space<hbm>>
    %dma_wait3A_255 = arith.constant 0 : i32
    %dma_wait3A_256 = tpu.memref_slice %arg5[%dma_wait3A_248, %add3A_141, %dma_wait3A_255] : memref<4x2048x128xf32, #tpu.memory_space<hbm>> -> memref<1x32x128xf32, #tpu.memory_space<hbm>>
    %dma_wait3A_257 = tpu.memref_squeeze %dma_wait3A_256 : memref<1x32x128xf32, #tpu.memory_space<hbm>> -> memref<32x128xf32, #tpu.memory_space<hbm>>
    %dma_wait3A_258 = arith.constant 32 : i32
    %dma_wait3A_259 = arith.constant 0 : i32
    %dma_wait3A_260 = tpu.memref_slice %arg7[%dma_wait3A_258, %dma_wait3A_259] : memref<64x128xf32, #tpu.memory_space<vmem>> -> memref<32x128xf32, #tpu.memory_space<vmem>>
    tpu.wait_dma2 semaphore(%arg12 : memref<!tpu.dma_semaphore, #tpu.memory_space<semaphore_mem>>) src(%dma_wait3A_260 : memref<32x128xf32, #tpu.memory_space<vmem>>) dst(%dma_wait3A_257 : memref<32x128xf32, #tpu.memory_space<hbm>>)
    %dma_wait3A_261 = arith.constant 3 : i32
    %dma_wait3A_262 = arith.constant 32 : i32
    %dma_wait3A_263 = arith.constant 0 : i32
    %dma_wait3A_264 = tpu.memref_slice %arg7[%dma_wait3A_262, %dma_wait3A_263] : memref<64x128xf32, #tpu.memory_space<vmem>> -> memref<32x128xf32, #tpu.memory_space<vmem>>
    %dma_wait3A_265 = arith.constant 0 : i32
    %dma_wait3A_266 = tpu.memref_slice %arg5[%dma_wait3A_261, %add3A_156, %dma_wait3A_265] : memref<4x2048x128xf32, #tpu.memory_space<hbm>> -> memref<1x32x128xf32, #tpu.memory_space<hbm>>
    %dma_wait3A_267 = tpu.memref_squeeze %dma_wait3A_266 : memref<1x32x128xf32, #tpu.memory_space<hbm>> -> memref<32x128xf32, #tpu.memory_space<hbm>>
    %dma_wait3A_268 = arith.constant 0 : i32
    %dma_wait3A_269 = tpu.memref_slice %arg5[%dma_wait3A_261, %add3A_156, %dma_wait3A_268] : memref<4x2048x128xf32, #tpu.memory_space<hbm>> -> memref<1x32x128xf32, #tpu.memory_space<hbm>>
    %dma_wait3A_270 = tpu.memref_squeeze %dma_wait3A_269 : memref<1x32x128xf32, #tpu.memory_space<hbm>> -> memref<32x128xf32, #tpu.memory_space<hbm>>
    %dma_wait3A_271 = arith.constant 32 : i32
    %dma_wait3A_272 = arith.constant 0 : i32
    %dma_wait3A_273 = tpu.memref_slice %arg7[%dma_wait3A_271, %dma_wait3A_272] : memref<64x128xf32, #tpu.memory_space<vmem>> -> memref<32x128xf32, #tpu.memory_space<vmem>>
    tpu.wait_dma2 semaphore(%arg12 : memref<!tpu.dma_semaphore, #tpu.memory_space<semaphore_mem>>) src(%dma_wait3A_273 : memref<32x128xf32, #tpu.memory_space<vmem>>) dst(%dma_wait3A_270 : memref<32x128xf32, #tpu.memory_space<hbm>>)
    return
  }
}

</mosaic_0001>

<sc_bundles>
// kernel: kernel.3.cloned.1.call-start
scs
__scs_entry_jumppad:
0x0: {  	(pc) =	sbr.rel $0x88, $3  }
0x1: {  	(tag) =	ssettag $0x0;
	lr =	simm.s32 $0x1  }
0x2: {  	[smem:$0x3F9F] =	sst lr;
	_ =	strace $0xD0000000  }
0x3: {  	_ = 	snop  }
0x4: {  	_ = 	snop  }
0x5: {  	_ = 	snop  }
0x6: {  	_ = 	snop  }
0x7: {  	_ = 	snop  }
__scs_overlays_trampoline_lowered:
0x8: {  	[smem:$0x3FAE] =	sst s0  }
0x9: {  	[smem:$0x3FAF] =	sst s1  }
0xa: {  	[smem:$0x3FB0] =	sst s2  }
0xb: {  	[smem:$0x3FB1] =	sst s3  }
0xc: {  	[smem:$0x3FB2] =	sst s4  }
0xd: {  	[smem:$0x3FB3] =	sst s5  }
0xe: {  	[smem:$0x3FB4] =	sst s6  }
0xf: {  	[smem:$0x3FB5] =	sst s7  }
0x10: {  	[smem:$0x3FB6] =	sst s8  }
0x11: {  	[smem:$0x3FB7] =	sst s9;
	s0 =	simm.s32 @!p0 $0x0  }
0x12: {  	s1 =	sld [smem:$0x3F9D];
	s0 =	simm.s32 @p0 $0x1  }
0x13: {  	[smem:$0x3FB8] =	sst s0;
	s0 =	simm.s32 @!p1 $0x0  }
0x14: {  	s2 =	sld [smem:$0x3F9C];
	s0 =	simm.s32 @p1 $0x1  }
0x15: {  	[smem:$0x3FB9] =	sst s0;
	s0 =	simm.s32 @!p2 $0x0  }
0x16: {  	s3 =	sld [smem:$0x3FDB];
	s0 =	simm.s32 @p2 $0x1  }
0x17: {  	s4 =	simm.s32 $0x1BF5;
	[smem:$0x3FBB] =	sst s0  }
0x18: {  	s0 =	sld [smem:$0x3F9E];
	_ =	swait.ge [sflag:s4], $0x0  }
0x19: {  	s7 =	sld [smem:$0x3F9F]  }
0x1a: {  	s8 =	sadd.s32 $0xFFFFE003, lr  }
0x1b: {  	s9 =	sadd.s32 $0xFFFFFEF7, lr;
	s5 =	simm.s32 $0xFFFFFFFF;
	p2 =	slt.u32 s8, $0xFFFFF086  }
0x1c: {  	p1 =	slt.u32 s9, $0xF7A;
	s5 =	simm.s32 @!p2 $0x0  }
0x1d: {  	s5 =	simm.s32 @p1 $0x1;
	p0 =	seq.s32 s7, s2  }
0x1e: {  	s7 =	smul.u32 @!p0 $0xF7A, s2;
	p2 =	seq.s32 @!p0 s5, $0x0  }
0x1f: {  	s9 =	smul.u32 $0xF7A, s1;
	s8 =	simm.s32 @!p0 $0x1BF5;
	p2 =	por !p2, p0  }
0x20: {  	[sflag:s8] =	ssyncset.s32 @!p0 $0xFFFFF086;
	s6 =	sadd.s32 @!p0 s3, s7;
	s7 =	simm.s32 @!p0 $0x108  }
0x21: {  	s3 =	sadd.s32 s3, s9;
	s6 =	sadd.s32 @!p0 $0x88, s6;
	s7 =	simm.s32 @p2 $0x1082  }
0x22: {  	[simem:s7], [sflag:s8] =	dma.local @!p0 [hbm:s6], $0xF7A  }
0x23: {  	s9 =	sor.u32 $0xD0000000, s2;
	s6 =	simm.s32 $0x108;
	_ =	swait.ge @!p0 [sflag:s8], $0x0  }
0x24: {  	s3 =	sadd.s32 $0x88, s3;
	s6 =	simm.s32 @!p1 $0x1082;
	[sflag:s4] =	ssyncset.s32 $0xFFFFF086  }
0x25: {  	[simem:s6], [sflag:s4] =	dma.local [hbm:s3], $0xF7A  }
0x26: {  	[smem:$0x3F9F] =	sst s1;
	(tag) =	ssettag s2;
	_ =	strace s9  }
0x27: {  	s1 =	sld [smem:$0x3FAF]  }
0x28: {  	s2 =	sld [smem:$0x3FB0]  }
0x29: {  	s4 =	sld [smem:$0x3FB2]  }
0x2a: {  	p0 =	seq.s32 s5, $0x0;
	s5 =	sld [smem:$0x3FB3]  }
0x2b: {  	s6 =	sld [smem:$0x3FB4]  }
0x2c: {  	s7 =	sld [smem:$0x3FB5]  }
0x2d: {  	s3 =	simm.s32 $0x108;
	s8 =	sld [smem:$0x3FB6]  }
0x2e: {  	s3 =	simm.s32 @!p0 $0x1082;
	s9 =	sld [smem:$0x3FB7]  }
0x2f: {  	lr =	sadd.s32 s0, s3;
	s0 =	sld [smem:$0x3FAE]  }
0x30: {  	s3 =	sld [smem:$0x3FB1]  }
0x31: {  	[smem:$0x3FBA] =	sst s10  }
0x32: {  	s10 =	sld [smem:$0x3FB8];
	_ =	sdelay $0x3  }
0x33: {  	p0 =	seq.s32 s10, $0x1;
	s10 =	sld [smem:$0x3FBA];
	_ =	sdelay $0x3  }
0x34: {  	[smem:$0x3FBA] =	sst s10  }
0x35: {  	s10 =	sld [smem:$0x3FB9];
	_ =	sdelay $0x3  }
0x36: {  	p1 =	seq.s32 s10, $0x1;
	s10 =	sld [smem:$0x3FBA];
	_ =	sdelay $0x3  }
0x37: {  	[smem:$0x3FBA] =	sst s10  }
0x38: {  	s10 =	sld [smem:$0x3FBB]  }
0x39: {  	_ = 	snop;
	(pc) =	sbr.ind lr, $3  }
0x3a: {  	_ = 	snop  }
0x3b: {  	_ = 	snop  }
0x3c: {  	p2 =	seq.s32 s10, $0x1;
	s10 =	sld [smem:$0x3FBA]  }
0x3d: {  	_ =	shalt  }
0x3e: {  	_ =	shalt  }
0x3f: {  	_ =	shalt  }
0x40: {  	_ =	shalt  }
0x41: {  	_ =	shalt  }
0x42: {  	_ =	shalt  }
0x43: {  	_ =	shalt  }
0x44: {  	_ =	shalt  }
0x45: {  	_ =	shalt  }
0x46: {  	_ =	shalt  }
0x47: {  	_ =	shalt  }
0x48: {  	_ =	shalt  }
0x49: {  	_ =	shalt  }
0x4a: {  	_ =	shalt  }
0x4b: {  	_ =	shalt  }
0x4c: {  	_ =	shalt  }
0x4d: {  	_ =	shalt  }
0x4e: {  	_ =	shalt  }
0x4f: {  	_ =	shalt  }
0x50: {  	_ =	shalt  }
0x51: {  	_ =	shalt  }
0x52: {  	_ =	shalt  }
0x53: {  	_ =	shalt  }
0x54: {  	_ =	shalt  }
0x55: {  	_ =	shalt  }
0x56: {  	_ =	shalt  }
0x57: {  	_ =	shalt  }
0x58: {  	_ =	shalt  }
0x59: {  	_ =	shalt  }
0x5a: {  	_ =	shalt  }
0x5b: {  	_ =	shalt  }
0x5c: {  	_ =	shalt  }
0x5d: {  	_ =	shalt  }
0x5e: {  	_ =	shalt  }
0x5f: {  	_ =	shalt  }
0x60: {  	_ =	shalt  }
0x61: {  	_ =	shalt  }
0x62: {  	_ =	shalt  }
0x63: {  	_ =	shalt  }
0x64: {  	_ =	shalt  }
0x65: {  	_ =	shalt  }
0x66: {  	_ =	shalt  }
0x67: {  	_ =	shalt  }
0x68: {  	_ =	shalt  }
0x69: {  	_ =	shalt  }
0x6a: {  	_ =	shalt  }
0x6b: {  	_ =	shalt  }
0x6c: {  	_ =	shalt  }
0x6d: {  	_ =	shalt  }
0x6e: {  	_ =	shalt  }
0x6f: {  	_ =	shalt  }
0x70: {  	_ =	shalt  }
0x71: {  	_ =	shalt  }
0x72: {  	_ =	shalt  }
0x73: {  	_ =	shalt  }
0x74: {  	_ =	shalt  }
0x75: {  	_ =	shalt  }
0x76: {  	_ =	shalt  }
0x77: {  	_ =	shalt  }
0x78: {  	_ =	shalt  }
0x79: {  	_ =	shalt  }
0x7a: {  	_ =	shalt  }
0x7b: {  	_ =	shalt  }
0x7c: {  	_ =	shalt  }
0x7d: {  	_ =	shalt  }
0x7e: {  	_ =	shalt  }
0x7f: {  	_ =	shalt  }
0x80: {  	_ =	shalt  }
0x81: {  	_ =	shalt  }
0x82: {  	_ =	shalt  }
0x83: {  	_ =	shalt  }
0x84: {  	_ =	shalt  }
0x85: {  	_ =	shalt  }
0x86: {  	_ =	shalt  }
0x87: {  	_ =	shalt  }
.Lfunc_end0:
.L_simem_size_0:
called_computation_lowered:
.L_overlay_start_0:
0x88: {  	s2 =	sld [smem:$0x3FD9]  }
0x89: {  	s3 =	sld [smem:$0x3FFE];
	_ =	sdelay $0x1  }
0x8a: {  	s1 =	srdreg.scid  }
0x8b: {  	s0 =	sand.u32 $0x1, s1  }
0x8c: {  	s17 =	sshll.u32 s0, $0xA;
	s2 =	sadd.s32 s3, s2  }
0x8d: {  	s2 =	sadd.s32 s2, s17  }
0x8e: {  	[smem:$0x3FC6] =	sst s2  }
0x8f: {  	_ = 	snop  }
0x90: {  	s2 =	sld [smem:$0x3FC9]  }
0x91: {  	s18 =	sld [smem:$0x3FC8]  }
0x92: {  	s4 =	sld [smem:$0x3FD0];
	(tm) =	ssettm $0x1  }
0x93: {  	s5 =	sld [smem:$0x3FFB];
	_ =	sdelay $0x3  }
0x94: {  	_ =	strace s5  }
0x95: {  	s5 =	sld [smem:$0x3FFC];
	_ =	sdelay $0x3  }
0x96: {  	_ =	strace s5  }
0x97: {  	s5 =	sld [smem:$0x3FFD];
	_ =	sdelay $0x3  }
0x98: {  	_ =	strace s5  }
0x99: {  	_ =	strace $0x8FFFFFFF  }
0x9a: {  	s19 =	sld [smem:$0x3FDB];
	_ =	sdelay $0x1  }
0x9b: {  	s6 =	simm.s32 $_scs_section_size  }
0x9c: {  	s7 =	simm.s32 $_size__tile_overlayer_lowered;
	s8 =	simm.s32 $_tile_overlayer_lowered  }
0x9d: {  	s22 =	simm.s32 $0x1BFF;
	s21 =	sshll.u32 s8, $0x1;
	s5 =	sadd.s32 s6, s19  }
0x9e: {  	s9 =	simm.s32 $0x0;
	s20 =	sshll.u32 s7, $0x1;
	s7 =	sadd.s32 s21, s5  }
0x9f: {  	[timem:s9], [sflag:s22] =	dma.local [hbm:s7], s20  }
0xa0: {  	_ =	swait.ge [sflag:s22], s20  }
0xa1: {  	s6 =	ssub.s32 $0x0, s20;
	[sflag:s22] =	ssyncset.done $0x0  }
0xa2: {  	[sflag:s22] =	ssyncadd.s32 s6;
	_ =	sdelay $0x1  }
0xa3: {  	s23 =	simm.s32 $0x1B8B  }
0xa4: {  	_ =	swait.ge [sflag:s23], $0x1  }
0xa5: {  	[sflag:s23] =	ssyncset.done $0x0  }
0xa6: {  	s25 =	simm.s32 $0x1B8E;
	s24 =	sld [smem:$0x3FFE];
	[sflag:s23] =	ssyncadd.s32 $0xFFFFFFFF  }
0xa7: {  	s26 =	simm.s32 $execute0_lowered;
	[smem:$0x3FD2] =	sst s25  }
0xa8: {  	s7 =	sshll.u32 s26, $0x1;
	_ =	strace $0x80000046;
	[dreg:$0x1] =	wrdreg $0xFFFFFFFF  }
0xa9: {  	s28 =	simm.s32 $_size_execute0_lowered;
	s5 =	sadd.s32 s5, s7;
	[dreg:$0x0] =	wrdreg $0x0  }
0xaa: {  	s7 =	sshll.u32 s28, $0x1;
	[dreg:$0x2] =	wrdreg s5  }
0xab: {  	[dreg:$0x3] =	wrdreg s7  }
0xac: {  	[dreg:$0x4] =	wrdreg $0xC0  }
0xad: {  	_ =	task [dreg:s9], $0x5FFFF  }
0xae: {  	[dreg:$0x1] =	wrdreg $0xFFFFFFFF  }
0xaf: {  	[dreg:$0x0] =	wrdreg $0x60  }
0xb0: {  	[dreg:$0x2] =	wrdreg s2  }
0xb1: {  	[dreg:$0x3] =	wrdreg s18  }
0xb2: {  	[dreg:$0x4] =	wrdreg s24  }
0xb3: {  	[dreg:$0x5] =	wrdreg s4  }
0xb4: {  	[dreg:$0x6] =	wrdreg $0x9  }
0xb5: {  	_ =	task.clear_ibuf [dreg:s9], $0x7FFFF;
	_ =	strace $0x90000046  }
0xb6: {  	s29 =	simm.s32 $0x9;
	_ =	strace $0x80000048  }
0xb7: {  	_ =	swait.ge [sflag:s29], $0x1  }
0xb8: {  	[sflag:s29] =	ssyncadd.s32 $0xFFFFFFFF  }
0xb9: {  	_ =	strace $0x90000048  }
0xba: {  	_ =	sfence  }
0xbb: {  	s30 =	sld [smem:$0x0];
	_ =	sdelay $0x2  }
0xbc: {  	s31 =	sshll.u32 s1, $0xD;
	s1 =	sshrl.u32 s1, $0x2  }
0xbd: {  	s3 =	sand.u32 $0x4000, s31;
	s1 =	sadd.s32 s1, s30  }
0xbe: {  	s0 =	sor.u32 s3, s0;
	s1 =	sshll.u32 s1, $0x11  }
0xbf: {  	s0 =	sor.u32 s1, s0  }
0xc0: {  	s0 =	sadd.s32 $0x8F2B, s0  }
0xc1: {  	[sflag:s0] =	ssyncadd.remote.s32 $0x1  }
0xc2: {  	_ =	sfence.sel $0xFFFF  }
0xc3: {  	[dreg:$0x0] =	wrdreg $0xFFFFFFFF;
	(pc) =	sbr.abs _section_cstart, $3  }
0xc4: {  	[dreg:$0x1] =	wrdreg $0xFFFFFFFF  }
0xc5: {  	_ =	task.clear_ibuf [dreg:s9], $0x2FFFF;
	_ =	strace $0x9FFFFFFF  }
0xc6: {  	(tm) =	ssettm $0x7FFFFFFF  }
0xc7: {  	_ =	shalt  }
tec
execute0_lowered:
.L_overlay_start_1:
0x0: {  	(tag) =	ssettag $0x1  }
0x1: {  	s4 =	rddreg [dreg:$0x0]  }
0x2: {  	s0 =	rddreg [dreg:$0x1]  }
0x3: {  	s5 =	rddreg [dreg:$0x2]  }
0x4: {  	s6 =	rddreg [dreg:$0x3]  }
0x5: {  	v0 =	vimm.s32 $0xFEDCBA98;
	s2 =	simm.s32 $0x0;
	s3 =	srdreg.scid;
	s1 =	stileid.u32;
	v1 =	vimm.s32 $0x76543210;
	v2 =	vimm.s32 $0xBA98FEDC  }
0x6: {  	v3 =	vimm.s32 $0x32107654;
	v4 =	vimm.s32 $0xDCFE98BA;
	v5 =	vimm.s32 $0x54761032;
	s15 =	simm.s32 $0x5;
	s16 =	simm.s32 $0x20;
	s17 =	simm.s32 $0x80  }
0x7: {  	v6 =	vimm.s32 $0xEFCDAB89;
	v7 =	vimm.s32 $0x67452301;
	s18 =	simm.s32 $0x1080;
	s19 =	simm.s32 $0x2080;
	s20 =	simm.s32 $0x3  }
0x8: {  	s21 =	simm.s32 $0x1;
	s22 =	simm.s32 $0x2;
	s23 =	simm.s32 $0x4;
	v0 =	vunpack.c.l.s4.s8 v0;
	v1 =	vunpack.c.l.s4.s8 v1;
	v2 =	vunpack.c.l.s4.s8 v2  }
0x9: {  	[smem:$0x7FF] =	sst s2;
	s7 =	sand.u32 $0x1, s3;
	s8 =	sshll.u32 s1, $0x1;
	v3 =	vunpack.c.l.s4.s8 v3;
	v4 =	vunpack.c.l.s4.s8 v4;
	v5 =	vunpack.c.l.s4.s8 v5  }
0xa: {  	s24 =	simm.s32 $0x0;
	s3 =	rddreg [dreg:$0x4];
	v6 =	vunpack.c.l.s4.s8 v6;
	v7 =	vunpack.c.l.s4.s8 v7;
	s8 =	sor.u32 s7, s8;
	v0 =	vunpack.c.0.s8.s32 v0  }
0xb: {  	s7 =	ssub.s32 $0x2, s7;
	_ =	strace $0x80000047;
	s9 =	sshll.u32 s8, $0xA;
	v2 =	vunpack.c.0.s8.s32 v2;
	v3 =	vunpack.c.0.s8.s32 v3;
	v4 =	vunpack.c.0.s8.s32 v4  }
0xc: {  	s10 =	sshrl.u32 s7, $0x1;
	s31 =	sshll.u32 s8, $0x3;
	v5 =	vunpack.c.0.s8.s32 v5;
	v6 =	vunpack.c.0.s8.s32 v6;
	v7 =	vunpack.c.0.s8.s32 v7;
	s5 =	sadd.s32 s9, s5  }
0xd: {  	v1 =	vunpack.c.0.s8.s32 v1;
	s14 =	ssub.s32 s7, s10;
	s4 =	sadd.s32 s4, s31;
	s6 =	sadd.s32 s6, s9;
	v2 =	vcombine.low v3, v2  }
0xe: {  	s5 =	sadd.s32 $0x400, s5;
	s7 =	sadd.s32 $0x8000, s6;
	s8 =	sadd.s32 $0x10000, s6;
	v3 =	vcombine.low v5, v4;
	v4 =	vcombine.low v7, v6;
	v0 =	vand.u32 $0xF, v0  }
0xf: {  	s9 =	sadd.s32 $0x18000, s6;
	s10 =	sadd.s32 $0x200, s6;
	s11 =	sadd.s32 $0x8200, s6;
	v0 =	vcombine.low v0, v1  }
0x10: {  	s12 =	sadd.s32 $0x10200, s6;
	s13 =	sadd.s32 $0x18200, s6;
	s14 =	smax.u32 s14, $0x1;
	v1 =	vand.u32 $0xF, v2;
	v2 =	vand.u32 $0xF, v3;
	v3 =	vand.u32 $0xF, v4  }
.LBB2_1:
0x11: {  	[tilespmem:s2], [sflag:$0x5] =	stream.linear.gather [hbm4b:s4+s2], $0x40, $0x38;
	[tilespmem:$0x4080] =	vst v63  }
0x12: {  	_ =	swait.ge [sflag:s15], $0x40  }
0x13: {  	[sflag:s15] =	ssyncset.done $0x0  }
0x14: {  	[sflag:s15] =	ssyncadd.s32 $0xFFFFFFC0  }
0x15: {  	[tilespmem:s17], [sflag:$0x1] =	stream.indirect.gather [hbm4b:s0+s16], $0x80, s2, s16, $0xb8;
	[tilespmem:$0x4080] =	vst v63  }
0x16: {  	_ = 	snop  }
0x17: {  	[tilespmem:s18], [sflag:$0x2] =	stream.indirect.gather [hbm4b:s0+s16], $0x80, s16, s16, $0xb8;
	[tilespmem:$0x4080] =	vst v63  }
0x18: {  	_ = 	snop  }
0x19: {  	[tilespmem:s19], [sflag:$0x3] =	stream.linear.gather [hbm4b:s5+s2], $0x2000, $0x38;
	[tilespmem:$0x4080] =	vst v63  }
0x1a: {  	_ =	swait.ge [sflag:s20], $0x2000  }
0x1b: {  	[sflag:s20] =	ssyncset.done $0x0  }
0x1c: {  	[sflag:s20] =	ssyncadd.s32 $0xFFFFE000  }
0x1d: {  	_ =	swait.ge [sflag:s21], $0x1000  }
0x1e: {  	[sflag:s21] =	ssyncset.done $0x0  }
0x1f: {  	s25 =	simm.s32 $0x0;
	[sflag:s21] =	ssyncadd.s32 $0xFFFFF000  }
.LBB2_2:
0x20: {  	s26 =	sshra.s32 s25, $0x2  }
0x21: {  	v4 =	vld [tilespmem:s26+$0x80]  }
0x22: {  	v5 =	vld [tilespmem:s26+$0x2080]  }
0x23: {  	v6 =	vld [tilespmem:s26+$0x90]  }
0x24: {  	v7 =	vld [tilespmem:s26+$0x2090]  }
0x25: {  	v8 =	vld [tilespmem:s26+$0xA0]  }
0x26: {  	v9 =	vld [tilespmem:s26+$0x20A0]  }
0x27: {  	v10 =	vld [tilespmem:s26+$0xB0]  }
0x28: {  	v11 =	vld [tilespmem:s26+$0x20B0]  }
0x29: {  	v12 =	vld [tilespmem:s26+$0xC0]  }
0x2a: {  	v13 =	vld [tilespmem:s26+$0x20C0]  }
0x2b: {  	v14 =	vld [tilespmem:s26+$0xD0]  }
0x2c: {  	v15 =	vld [tilespmem:s26+$0x20D0]  }
0x2d: {  	v17 =	vld [tilespmem:s26+$0xE0]  }
0x2e: {  	v22 =	vld [tilespmem:s26+$0x20E0]  }
0x2f: {  	v23 =	vld [tilespmem:s26+$0xF0]  }
0x30: {  	v26 =	vld [tilespmem:s26+$0x20F0]  }
0x31: {  	v27 =	vld [tilespmem:s26+$0x100]  }
0x32: {  	v28 =	vld [tilespmem:s26+$0x2100]  }
0x33: {  	v29 =	vld [tilespmem:s26+$0x110]  }
0x34: {  	v30 =	vld [tilespmem:s26+$0x2110]  }
0x35: {  	v31 =	vld [tilespmem:s26+$0x120]  }
0x36: {  	v59 =	vld [tilespmem:s26+$0x2130]  }
0x37: {  	v32 =	vld [tilespmem:s26+$0x140]  }
0x38: {  	v62 =	vld [tilespmem:s26+$0x2140]  }
0x39: {  	v34 =	vld [tilespmem:s26+$0x160]  }
0x3a: {  	v44 =	vld [tilespmem:s26+$0x2160]  }
0x3b: {  	v35 =	vld [tilespmem:s26+$0x170]  }
0x3c: {  	v47 =	vld [tilespmem:s26+$0x180]  }
0x3d: {  	v51 =	vld [tilespmem:s26+$0x1B0];
	v21 =	vadd.f32 v5, v4  }
0x3e: {  	v52 =	vld [tilespmem:s26+$0x21B0];
	v18 =	vadd.f32 v7, v6;
	v19 =	vadd.f32 v9, v8  }
0x3f: {  	v54 =	vld [tilespmem:s26+$0x1C0];
	v16 =	vadd.f32 v11, v10;
	v20 =	vadd.f32 v13, v12  }
0x40: {  	v55 =	vld [tilespmem:s26+$0x21C0];
	v24 =	vadd.f32 v15, v14;
	v25 =	vadd.f32 v22, v17  }
0x41: {  	v36 =	vld [tilespmem:s26+$0x2180];
	v26 =	vadd.f32 v26, v23;
	v27 =	vadd.f32 v28, v27  }
0x42: {  	v4 =	vld [tilespmem:s26+$0x2120];
	v23 =	vadd.f32 v30, v29;
	v13 =	vadd.f32 v62, v32  }
0x43: {  	v5 =	vld [tilespmem:s26+$0x130];
	v10 =	vadd.f32 v44, v34;
	v8 =	vadd.f32 v52, v51  }
0x44: {  	v46 =	vld [tilespmem:s26+$0x2170];
	v58 =	vmul.f32 v21, v21;
	v7 =	vmul.f32 v18, v18;
	v60 =	vadd.f32 v18, v21  }
0x45: {  	v37 =	vld [tilespmem:s26+$0x190];
	v11 =	vadd.f32 v55, v54;
	v56 =	vadd.f32 v23, v27  }
0x46: {  	v38 =	vld [tilespmem:s26+$0x2190];
	v61 =	vmul.f32 v19, v19;
	v6 =	vadd.f32 v7, v58;
	v9 =	vadd.f32 v19, v60  }
0x47: {  	v63 =	vld [tilespmem:s26+$0x150];
	v53 =	vmul.f32 v23, v23;
	v7 =	vadd.f32 v36, v47;
	v15 =	vadd.f32 v4, v31  }
0x48: {  	v33 =	vld [tilespmem:s26+$0x2150];
	v12 =	vadd.f32 v59, v5;
	v4 =	vmul.f32 v27, v27;
	v9 =	vadd.f32 v16, v9  }
0x49: {  	v40 =	vld [tilespmem:s26+$0x1A0];
	v42 =	vmul.f32 v16, v16;
	v5 =	vadd.f32 v46, v35;
	v6 =	vadd.f32 v61, v6  }
0x4a: {  	v50 =	vld [tilespmem:s26+$0x21A0];
	v43 =	vmul.f32 v20, v20;
	v57 =	vadd.f32 v53, v4;
	v9 =	vadd.f32 v20, v9  }
0x4b: {  	v62 =	vld [tilespmem:s26+$0x1E0];
	v58 =	vmul.f32 v15, v15;
	v4 =	vadd.f32 v38, v37;
	v6 =	vadd.f32 v42, v6  }
0x4c: {  	v45 =	vmul.f32 v24, v24;
	v60 =	vld [tilespmem:s26+$0x21D0];
	v17 =	vadd.f32 v15, v56;
	v9 =	vadd.f32 v24, v9  }
0x4d: {  	v48 =	vmul.f32 v25, v25;
	v59 =	vld [tilespmem:s26+$0x1D0];
	v29 =	vadd.f32 v58, v57;
	v6 =	vadd.f32 v43, v6  }
0x4e: {  	v47 =	vld [tilespmem:s26+$0x21F0];
	v44 =	vmul.f32 v7, v7;
	v17 =	vadd.f32 v12, v17;
	v9 =	vadd.f32 v25, v9  }
0x4f: {  	v46 =	vld [tilespmem:s26+$0x1F0];
	v38 =	vadd.f32 v4, v7;
	v6 =	vadd.f32 v45, v6;
	v45 =	vmul.f32 v4, v4  }
0x50: {  	v49 =	vmul.f32 v26, v26;
	v39 =	vadd.f32 v26, v9;
	v9 =	vadd.f32 v33, v63;
	v63 =	vld [tilespmem:s26+$0x21E0]  }
0x51: {  	v61 =	vmul.f32 v12, v12;
	v6 =	vadd.f32 v48, v6;
	v34 =	vadd.f32 v45, v44;
	v44 =	vld [tilespmem:s26+$0x240]  }
0x52: {  	v14 =	vadd.f32 v60, v59;
	v17 =	vadd.f32 v13, v17;
	v45 =	vld [tilespmem:s26+$0x2240]  }
0x53: {  	v29 =	vadd.f32 v61, v29;
	v41 =	vadd.f32 v49, v6;
	v49 =	vmul.f32 v13, v13  }
0x54: {  	v6 =	vadd.f32 v50, v40;
	v55 =	vadd.f32 v9, v17  }
0x55: {  	v54 =	vld [tilespmem:s26+$0x2210];
	v59 =	vmul.f32 v10, v10;
	v22 =	vadd.f32 v47, v46;
	v29 =	vadd.f32 v49, v29  }
0x56: {  	v56 =	vld [tilespmem:s26+$0x220];
	v48 =	vmul.f32 v6, v6;
	v51 =	vadd.f32 v6, v38;
	v38 =	vadd.f32 v10, v55  }
0x57: {  	v43 =	vld [tilespmem:s26+$0x2220];
	v42 =	vmul.f32 v9, v9;
	v17 =	vadd.f32 v63, v62;
	v32 =	vadd.f32 v45, v44  }
0x58: {  	v60 =	vld [tilespmem:s26+$0x230];
	v50 =	vmul.f32 v8, v8;
	v34 =	vadd.f32 v48, v34;
	v57 =	vadd.f32 v8, v51  }
0x59: {  	v49 =	vperm.xlane v39, v0;
	v63 =	vld [tilespmem:s26+$0x2230];
	v29 =	vadd.f32 v42, v29;
	v38 =	vadd.f32 v5, v38  }
0x5a: {  	v36 =	vld [tilespmem:s26+$0x210];
	v53 =	vmul.f32 v11, v11;
	v52 =	vadd.f32 v50, v34;
	v61 =	vadd.f32 v11, v57  }
0x5b: {  	v37 =	vld [tilespmem:s26+$0x200];
	v51 =	vmul.f32 v5, v5;
	v39 =	vadd.f32 v49, v39;
	v29 =	vadd.f32 v59, v29  }
0x5c: {  	v46 =	vld [tilespmem:s26+$0x250];
	v57 =	vperm.xlane v38, v0;
	v31 =	vadd.f32 v53, v52;
	v28 =	vadd.f32 v14, v61  }
0x5d: {  	v58 =	vmul.f32 v14, v14;
	v40 =	vld [tilespmem:s26+$0x2200];
	v42 =	vadd.f32 v51, v29;
	v29 =	vadd.f32 v43, v56  }
0x5e: {  	v55 =	vperm.xlane v41, v0;
	v59 =	vld [tilespmem:s26+$0x2270];
	v30 =	vadd.f32 v63, v60;
	v38 =	vadd.f32 v57, v38  }
0x5f: {  	v53 =	vld [tilespmem:s26+$0x2250];
	v60 =	vperm.xlane v39, v1;
	v31 =	vadd.f32 v58, v31;
	v47 =	vadd.f32 v17, v28  }
0x60: {  	v62 =	vmul.f32 v17, v17;
	v56 =	vld [tilespmem:s26+$0x2260];
	v28 =	vadd.f32 v54, v36;
	v36 =	vadd.f32 v55, v41  }
0x61: {  	v54 =	vld [tilespmem:s26+$0x260];
	v61 =	vperm.xlane v42, v0;
	v39 =	vadd.f32 v60, v39;
	v63 =	vperm.xlane v38, v1  }
0x62: {  	v52 =	vmul.f32 v22, v22;
	v58 =	vld [tilespmem:s26+$0x270];
	v31 =	vadd.f32 v62, v31;
	v47 =	vadd.f32 v22, v47  }
0x63: {  	v62 =	vperm.xlane v36, v1;
	v42 =	vadd.f32 v61, v42;
	v38 =	vadd.f32 v63, v38  }
0x64: {  	v45 =	vperm.xlane v39, v2;
	v33 =	vadd.f32 v53, v46;
	v48 =	vadd.f32 v52, v31  }
0x65: {  	v61 =	vmul.f32 v30, v30;
	v31 =	vadd.f32 v40, v37;
	v36 =	vadd.f32 v62, v36  }
0x66: {  	v46 =	vperm.xlane v42, v1;
	v39 =	vadd.f32 v45, v39;
	v50 =	vperm.xlane v38, v2  }
0x67: {  	v52 =	vmul.f32 v28, v28;
	v35 =	vadd.f32 v56, v54;
	v34 =	vadd.f32 v59, v58  }
0x68: {  	v59 =	vmul.f32 v29, v29;
	v49 =	vperm.xlane v36, v2;
	v41 =	vadd.f32 v46, v42  }
0x69: {  	v51 =	vmul.f32 v31, v31;
	v53 =	vperm.xlane v39, v3;
	v38 =	vadd.f32 v50, v38  }
0x6a: {  	v55 =	vadd.f32 v28, v31;
	v46 =	vmul.f32 v32, v32;
	v50 =	vmul.f32 v33, v33  }
0x6b: {  	v36 =	vadd.f32 v49, v36;
	v54 =	vperm.xlane v41, v2;
	v42 =	vadd.f32 v52, v51  }
0x6c: {  	v37 =	vadd.f32 v53, v39;
	v57 =	vperm.xlane v38, v3;
	v58 =	vadd.f32 v29, v55  }
0x6d: {  	v51 =	vperm.xlane v47, v0;
	v53 =	vperm.xlane v48, v0;
	v40 =	vadd.f32 v54, v41  }
0x6e: {  	v56 =	vperm.xlane v36, v3;
	v38 =	vadd.f32 v57, v38;
	v42 =	vadd.f32 v59, v42  }
0x6f: {  	v37 =	vmul.f32 $7.812500000e-03, v37;
	v63 =	vadd.f32 v30, v58;
	v43 =	vadd.f32 v51, v47  }
0x70: {  	v55 =	vmul.f32 v35, v35;
	v36 =	vadd.f32 v56, v36;
	v45 =	vadd.f32 v61, v42  }
0x71: {  	v60 =	vperm.xlane v40, v3;
	v21 =	vsub.f32 v21, v37;
	v18 =	vsub.f32 v18, v37  }
0x72: {  	v62 =	vmul.f32 v37, v37;
	v19 =	vsub.f32 v19, v37;
	v16 =	vsub.f32 v16, v37  }
0x73: {  	v38 =	vmul.f32 $7.812500000e-03, v38;
	v20 =	vsub.f32 v20, v37;
	v24 =	vsub.f32 v24, v37  }
0x74: {  	v47 =	vperm.xlane v43, v1;
	v25 =	vsub.f32 v25, v37;
	v26 =	vsub.f32 v26, v37  }
0x75: {  	v36 =	vmul.f32 $7.812500000e-03, v36;
	v39 =	vadd.f32 v60, v40;
	v40 =	vadd.f32 v32, v63  }
0x76: {  	v49 =	vmul.f32 v38, v38;
	v41 =	vadd.f32 v46, v45;
	v45 =	vadd.f32 v53, v48  }
0x77: {  	v43 =	vadd.f32 v47, v43;
	v36 =	vsub.f32 v36, v62;
	v39 =	vmul.f32 $7.812500000e-03, v39  }
0x78: {  	v40 =	vadd.f32 v33, v40;
	v41 =	vadd.f32 v50, v41;
	v56 =	vperm.xlane v45, v1  }
0x79: {  	v57 =	vperm.xlane v43, v2;
	v36 =	vadd.f32 $9.999999740e-06, v36;
	v39 =	vsub.f32 v39, v49  }
0x7a: {  	v58 =	vmul.f32 v34, v34;
	v40 =	vadd.f32 v35, v40;
	v41 =	vadd.f32 v55, v41  }
0x7b: {  	v45 =	vadd.f32 v56, v45;
	v42 =	vadd.f32 v57, v43;
	v52 =	vshrl.u32 v36, $0x1  }
0x7c: {  	v36 =	vmul.f32 $5.000000000e-01, v36;
	v39 =	vadd.f32 $9.999999740e-06, v39;
	v40 =	vadd.f32 v34, v40  }
0x7d: {  	v59 =	vperm.xlane v45, v2;
	v61 =	vperm.xlane v42, v3;
	v44 =	vsub.s32 $0x5F3759DF, v52  }
0x7e: {  	v41 =	vadd.f32 v58, v41;
	v36 =	vmul.f32 v44, v36;
	v60 =	vperm.xlane v40, v0  }
0x7f: {  	v54 =	vshrl.u32 v39, $0x1;
	v39 =	vmul.f32 $5.000000000e-01, v39;
	v43 =	vadd.f32 v59, v45  }
0x80: {  	v62 =	vperm.xlane v41, v0;
	v46 =	vsub.s32 $0x5F3759DF, v54;
	v40 =	vadd.f32 v60, v40  }
0x81: {  	v42 =	vadd.f32 v61, v42;
	v39 =	vmul.f32 v46, v39;
	v36 =	vmul.f32 v44, v36  }
0x82: {  	v63 =	vperm.xlane v43, v3;
	v41 =	vadd.f32 v62, v41;
	v48 =	vperm.xlane v40, v1  }
0x83: {  	v15 =	vsub.f32 v15, v38;
	v42 =	vmul.f32 $7.812500000e-03, v42;
	v39 =	vmul.f32 v46, v39  }
0x84: {  	v36 =	vsub.f32 $1.500000000e+00, v36;
	v49 =	vperm.xlane v41, v1;
	v40 =	vadd.f32 v48, v40  }
0x85: {  	v43 =	vadd.f32 v63, v43;
	v52 =	vmul.f32 v42, v42;
	v39 =	vsub.f32 $1.500000000e+00, v39  }
0x86: {  	v36 =	vmul.f32 v44, v36;
	v41 =	vadd.f32 v49, v41;
	v50 =	vperm.xlane v40, v2  }
0x87: {  	v54 =	vsub.f32 v27, v38;
	v51 =	vmul.f32 $7.812500000e-03, v43;
	v39 =	vmul.f32 v46, v39  }
0x88: {  	v21 =	vmul.f32 v36, v21;
	v53 =	vperm.xlane v41, v2;
	v40 =	vadd.f32 v50, v40  }
0x89: {  	v18 =	vmul.f32 v36, v18;
	v19 =	vmul.f32 v36, v19;
	v37 =	vsub.f32 v51, v52  }
0x8a: {  	v16 =	vmul.f32 v36, v16;
	[tilespmem:s26+$0x80] =	vst v21;
	v41 =	vadd.f32 v53, v41;
	v55 =	vperm.xlane v40, v3  }
0x8b: {  	v20 =	vmul.f32 v36, v20;
	v24 =	vmul.f32 v36, v24;
	[tilespmem:s26+$0x90] =	vst v18;
	v58 =	vadd.f32 $9.999999740e-06, v37  }
0x8c: {  	v56 =	vmul.f32 v36, v25;
	[tilespmem:s26+$0xA0] =	vst v19;
	v61 =	vperm.xlane v41, v3;
	v60 =	vadd.f32 v55, v40  }
0x8d: {  	v57 =	vmul.f32 v36, v26;
	[tilespmem:s26+$0xB0] =	vst v16;
	v63 =	vshrl.u32 v58, $0x1;
	v26 =	vmul.f32 $5.000000000e-01, v58  }
0x8e: {  	[tilespmem:s26+$0xC0] =	vst v20;
	v36 =	vsub.s32 $0x5F3759DF, v63;
	v37 =	vadd.f32 v61, v41;
	v21 =	vmul.f32 $7.812500000e-03, v60  }
0x8f: {  	v62 =	vsub.f32 v23, v38;
	v59 =	vmul.f32 v39, v54;
	[tilespmem:s26+$0xD0] =	vst v24;
	v40 =	vmul.f32 v36, v26  }
0x90: {  	v12 =	vsub.f32 v12, v38;
	[tilespmem:s26+$0xE0] =	vst v56;
	v41 =	vmul.f32 $7.812500000e-03, v37;
	v43 =	vmul.f32 v21, v21  }
0x91: {  	v13 =	vsub.f32 v13, v38;
	v9 =	vsub.f32 v9, v38;
	v16 =	vmul.f32 v39, v62;
	[tilespmem:s26+$0xF0] =	vst v57  }
0x92: {  	v15 =	vmul.f32 v39, v15;
	[tilespmem:s26+$0x100] =	vst v59;
	v24 =	vmul.f32 v36, v40;
	v18 =	vsub.f32 v41, v43  }
0x93: {  	v10 =	vsub.f32 v10, v38;
	v5 =	vsub.f32 v5, v38;
	v12 =	vmul.f32 v39, v12;
	[tilespmem:s26+$0x110] =	vst v16  }
0x94: {  	v13 =	vmul.f32 v39, v13;
	[tilespmem:s26+$0x120] =	vst v15;
	v44 =	vsub.f32 $1.500000000e+00, v24;
	v45 =	vadd.f32 $9.999999740e-06, v18  }
0x95: {  	v7 =	vsub.f32 v7, v42;
	v9 =	vmul.f32 v39, v9;
	v10 =	vmul.f32 v39, v10;
	[tilespmem:s26+$0x130] =	vst v12  }
0x96: {  	[tilespmem:s26+$0x140] =	vst v13;
	v46 =	vmul.f32 v36, v44;
	v47 =	vshrl.u32 v45, $0x1;
	v15 =	vmul.f32 $5.000000000e-01, v45  }
0x97: {  	v4 =	vsub.f32 v4, v42;
	v5 =	vmul.f32 v39, v5;
	[tilespmem:s26+$0x150] =	vst v9;
	v48 =	vsub.s32 $0x5F3759DF, v47  }
0x98: {  	v6 =	vsub.f32 v6, v42;
	[tilespmem:s26+$0x160] =	vst v10;
	v7 =	vmul.f32 v46, v7;
	v49 =	vmul.f32 v48, v15  }
0x99: {  	[tilespmem:s26+$0x170] =	vst v5;
	v5 =	vsub.f32 v8, v42;
	v4 =	vmul.f32 v46, v4  }
0x9a: {  	v50 =	vsub.f32 v11, v42;
	v6 =	vmul.f32 v46, v6;
	[tilespmem:s26+$0x180] =	vst v7;
	v51 =	vmul.f32 v48, v49  }
0x9b: {  	[tilespmem:s26+$0x190] =	vst v4;
	v4 =	vmul.f32 v46, v5;
	v5 =	vsub.f32 v14, v42  }
0x9c: {  	v53 =	vsub.f32 v17, v42;
	v52 =	vmul.f32 v46, v50;
	[tilespmem:s26+$0x1A0] =	vst v6;
	v8 =	vsub.f32 $1.500000000e+00, v51  }
0x9d: {  	[tilespmem:s26+$0x1B0] =	vst v4;
	v4 =	vmul.f32 v46, v5;
	v5 =	vsub.f32 v22, v42  }
0x9e: {  	v56 =	vsub.f32 v31, v21;
	v54 =	vmul.f32 v46, v53;
	[tilespmem:s26+$0x1C0] =	vst v52;
	v55 =	vmul.f32 v48, v8  }
0x9f: {  	[tilespmem:s26+$0x1D0] =	vst v4;
	v4 =	vmul.f32 v46, v5;
	v5 =	vsub.f32 v28, v21  }
0xa0: {  	v58 =	vsub.f32 v29, v21;
	[tilespmem:s26+$0x1E0] =	vst v54;
	v57 =	vmul.f32 v55, v56  }
0xa1: {  	[tilespmem:s26+$0x1F0] =	vst v4;
	v4 =	vmul.f32 v55, v5;
	v5 =	vsub.f32 v30, v21  }
0xa2: {  	v60 =	vsub.f32 v32, v21;
	v59 =	vmul.f32 v55, v58;
	[tilespmem:s26+$0x200] =	vst v57  }
0xa3: {  	[tilespmem:s26+$0x210] =	vst v4;
	v4 =	vmul.f32 v55, v5;
	v5 =	vsub.f32 v33, v21  }
0xa4: {  	p0 =	sne.s32 s25, $0x3800;
	v62 =	vsub.f32 v35, v21;
	v61 =	vmul.f32 v55, v60;
	[tilespmem:s26+$0x220] =	vst v59  }
.Ltmp0:
0xa5: {  	[tilespmem:s26+$0x230] =	vst v4;
	v4 =	vmul.f32 v55, v5;
	v5 =	vsub.f32 v34, v21;
	(pc) =	sbr.rel @p0 .LBB2_2-.Ltmp0, $4  }
0xa6: {  	v63 =	vmul.f32 v55, v62;
	[tilespmem:s26+$0x240] =	vst v61  }
0xa7: {  	[tilespmem:s26+$0x250] =	vst v4;
	v4 =	vmul.f32 v55, v5  }
0xa8: {  	[tilespmem:s26+$0x260] =	vst v63  }
0xa9: {  	s25 =	sadd.s32 $0x800, s25;
	[tilespmem:s26+$0x270] =	vst v4  }
0xaa: {  	s25 =	simm.s32 $0x0  }
0xab: {  	[hbm4b:s6+s25] =	stream.linear.scatter [tilespmem:s17], [sflag:$0x4], $0x1000, $0x38;
	[tilespmem:$0x4080] =	vst v63  }
0xac: {  	_ = 	snop  }
0xad: {  	[hbm4b:s7+s25] =	stream.linear.scatter [tilespmem:s17], [sflag:$0x4], $0x1000, $0x38;
	[tilespmem:$0x4080] =	vst v63  }
0xae: {  	_ = 	snop  }
0xaf: {  	[hbm4b:s8+s25] =	stream.linear.scatter [tilespmem:s17], [sflag:$0x4], $0x1000, $0x38;
	[tilespmem:$0x4080] =	vst v63  }
0xb0: {  	_ = 	snop  }
0xb1: {  	[hbm4b:s9+s25] =	stream.linear.scatter [tilespmem:s17], [sflag:$0x4], $0x1000, $0x38;
	[tilespmem:$0x4080] =	vst v63  }
0xb2: {  	_ =	swait.ge [sflag:s22], $0x1000  }
0xb3: {  	[sflag:s22] =	ssyncset.done $0x0  }
0xb4: {  	[sflag:s22] =	ssyncadd.s32 $0xFFFFF000  }
.LBB2_4:
0xb5: {  	s26 =	sshra.s32 s25, $0x2  }
0xb6: {  	v4 =	vld [tilespmem:s26+$0x1080]  }
0xb7: {  	v5 =	vld [tilespmem:s26+$0x3080]  }
0xb8: {  	v6 =	vld [tilespmem:s26+$0x1090]  }
0xb9: {  	v7 =	vld [tilespmem:s26+$0x3090]  }
0xba: {  	v8 =	vld [tilespmem:s26+$0x10A0]  }
0xbb: {  	v9 =	vld [tilespmem:s26+$0x30A0]  }
0xbc: {  	v10 =	vld [tilespmem:s26+$0x10B0]  }
0xbd: {  	v11 =	vld [tilespmem:s26+$0x30B0]  }
0xbe: {  	v12 =	vld [tilespmem:s26+$0x10C0]  }
0xbf: {  	v13 =	vld [tilespmem:s26+$0x30C0]  }
0xc0: {  	v14 =	vld [tilespmem:s26+$0x10D0]  }
0xc1: {  	v15 =	vld [tilespmem:s26+$0x30D0]  }
0xc2: {  	v17 =	vld [tilespmem:s26+$0x10E0]  }
0xc3: {  	v22 =	vld [tilespmem:s26+$0x30E0]  }
0xc4: {  	v23 =	vld [tilespmem:s26+$0x10F0]  }
0xc5: {  	v26 =	vld [tilespmem:s26+$0x30F0]  }
0xc6: {  	v27 =	vld [tilespmem:s26+$0x1100]  }
0xc7: {  	v28 =	vld [tilespmem:s26+$0x3100]  }
0xc8: {  	v29 =	vld [tilespmem:s26+$0x1110]  }
0xc9: {  	v30 =	vld [tilespmem:s26+$0x3110]  }
0xca: {  	v31 =	vld [tilespmem:s26+$0x1120]  }
0xcb: {  	v59 =	vld [tilespmem:s26+$0x3130]  }
0xcc: {  	v32 =	vld [tilespmem:s26+$0x1140]  }
0xcd: {  	v62 =	vld [tilespmem:s26+$0x3140]  }
0xce: {  	v34 =	vld [tilespmem:s26+$0x1160]  }
0xcf: {  	v44 =	vld [tilespmem:s26+$0x3160]  }
0xd0: {  	v35 =	vld [tilespmem:s26+$0x1170]  }
0xd1: {  	v47 =	vld [tilespmem:s26+$0x1180]  }
0xd2: {  	v51 =	vld [tilespmem:s26+$0x11B0];
	v21 =	vadd.f32 v5, v4  }
0xd3: {  	v52 =	vld [tilespmem:s26+$0x31B0];
	v18 =	vadd.f32 v7, v6;
	v19 =	vadd.f32 v9, v8  }
0xd4: {  	v54 =	vld [tilespmem:s26+$0x11C0];
	v16 =	vadd.f32 v11, v10;
	v20 =	vadd.f32 v13, v12  }
0xd5: {  	v55 =	vld [tilespmem:s26+$0x31C0];
	v24 =	vadd.f32 v15, v14;
	v25 =	vadd.f32 v22, v17  }
0xd6: {  	v36 =	vld [tilespmem:s26+$0x3180];
	v26 =	vadd.f32 v26, v23;
	v27 =	vadd.f32 v28, v27  }
0xd7: {  	v4 =	vld [tilespmem:s26+$0x3120];
	v23 =	vadd.f32 v30, v29;
	v13 =	vadd.f32 v62, v32  }
0xd8: {  	v5 =	vld [tilespmem:s26+$0x1130];
	v10 =	vadd.f32 v44, v34;
	v8 =	vadd.f32 v52, v51  }
0xd9: {  	v46 =	vld [tilespmem:s26+$0x3170];
	v58 =	vmul.f32 v21, v21;
	v7 =	vmul.f32 v18, v18;
	v60 =	vadd.f32 v18, v21  }
0xda: {  	v37 =	vld [tilespmem:s26+$0x1190];
	v11 =	vadd.f32 v55, v54;
	v56 =	vadd.f32 v23, v27  }
0xdb: {  	v38 =	vld [tilespmem:s26+$0x3190];
	v61 =	vmul.f32 v19, v19;
	v6 =	vadd.f32 v7, v58;
	v9 =	vadd.f32 v19, v60  }
0xdc: {  	v63 =	vld [tilespmem:s26+$0x1150];
	v53 =	vmul.f32 v23, v23;
	v7 =	vadd.f32 v36, v47;
	v15 =	vadd.f32 v4, v31  }
0xdd: {  	v33 =	vld [tilespmem:s26+$0x3150];
	v12 =	vadd.f32 v59, v5;
	v4 =	vmul.f32 v27, v27;
	v9 =	vadd.f32 v16, v9  }
0xde: {  	v40 =	vld [tilespmem:s26+$0x11A0];
	v42 =	vmul.f32 v16, v16;
	v5 =	vadd.f32 v46, v35;
	v6 =	vadd.f32 v61, v6  }
0xdf: {  	v50 =	vld [tilespmem:s26+$0x31A0];
	v43 =	vmul.f32 v20, v20;
	v57 =	vadd.f32 v53, v4;
	v9 =	vadd.f32 v20, v9  }
0xe0: {  	v62 =	vld [tilespmem:s26+$0x11E0];
	v58 =	vmul.f32 v15, v15;
	v4 =	vadd.f32 v38, v37;
	v6 =	vadd.f32 v42, v6  }
0xe1: {  	v45 =	vmul.f32 v24, v24;
	v60 =	vld [tilespmem:s26+$0x31D0];
	v17 =	vadd.f32 v15, v56;
	v9 =	vadd.f32 v24, v9  }
0xe2: {  	v48 =	vmul.f32 v25, v25;
	v59 =	vld [tilespmem:s26+$0x11D0];
	v29 =	vadd.f32 v58, v57;
	v6 =	vadd.f32 v43, v6  }
0xe3: {  	v47 =	vld [tilespmem:s26+$0x31F0];
	v44 =	vmul.f32 v7, v7;
	v17 =	vadd.f32 v12, v17;
	v9 =	vadd.f32 v25, v9  }
0xe4: {  	v46 =	vld [tilespmem:s26+$0x11F0];
	v38 =	vadd.f32 v4, v7;
	v6 =	vadd.f32 v45, v6;
	v45 =	vmul.f32 v4, v4  }
0xe5: {  	v49 =	vmul.f32 v26, v26;
	v39 =	vadd.f32 v26, v9;
	v9 =	vadd.f32 v33, v63;
	v63 =	vld [tilespmem:s26+$0x31E0]  }
0xe6: {  	v61 =	vmul.f32 v12, v12;
	v6 =	vadd.f32 v48, v6;
	v34 =	vadd.f32 v45, v44;
	v44 =	vld [tilespmem:s26+$0x1240]  }
0xe7: {  	v14 =	vadd.f32 v60, v59;
	v17 =	vadd.f32 v13, v17;
	v45 =	vld [tilespmem:s26+$0x3240]  }
0xe8: {  	v29 =	vadd.f32 v61, v29;
	v41 =	vadd.f32 v49, v6;
	v49 =	vmul.f32 v13, v13  }
0xe9: {  	v6 =	vadd.f32 v50, v40;
	v55 =	vadd.f32 v9, v17  }
0xea: {  	v54 =	vld [tilespmem:s26+$0x3210];
	v59 =	vmul.f32 v10, v10;
	v22 =	vadd.f32 v47, v46;
	v29 =	vadd.f32 v49, v29  }
0xeb: {  	v56 =	vld [tilespmem:s26+$0x1220];
	v48 =	vmul.f32 v6, v6;
	v51 =	vadd.f32 v6, v38;
	v38 =	vadd.f32 v10, v55  }
0xec: {  	v43 =	vld [tilespmem:s26+$0x3220];
	v42 =	vmul.f32 v9, v9;
	v17 =	vadd.f32 v63, v62;
	v32 =	vadd.f32 v45, v44  }
0xed: {  	v60 =	vld [tilespmem:s26+$0x1230];
	v50 =	vmul.f32 v8, v8;
	v34 =	vadd.f32 v48, v34;
	v57 =	vadd.f32 v8, v51  }
0xee: {  	v49 =	vperm.xlane v39, v0;
	v63 =	vld [tilespmem:s26+$0x3230];
	v29 =	vadd.f32 v42, v29;
	v38 =	vadd.f32 v5, v38  }
0xef: {  	v36 =	vld [tilespmem:s26+$0x1210];
	v53 =	vmul.f32 v11, v11;
	v52 =	vadd.f32 v50, v34;
	v61 =	vadd.f32 v11, v57  }
0xf0: {  	v37 =	vld [tilespmem:s26+$0x1200];
	v51 =	vmul.f32 v5, v5;
	v39 =	vadd.f32 v49, v39;
	v29 =	vadd.f32 v59, v29  }
0xf1: {  	v46 =	vld [tilespmem:s26+$0x1250];
	v57 =	vperm.xlane v38, v0;
	v31 =	vadd.f32 v53, v52;
	v28 =	vadd.f32 v14, v61  }
0xf2: {  	v58 =	vmul.f32 v14, v14;
	v40 =	vld [tilespmem:s26+$0x3200];
	v42 =	vadd.f32 v51, v29;
	v29 =	vadd.f32 v43, v56  }
0xf3: {  	v55 =	vperm.xlane v41, v0;
	v59 =	vld [tilespmem:s26+$0x3270];
	v30 =	vadd.f32 v63, v60;
	v38 =	vadd.f32 v57, v38  }
0xf4: {  	v53 =	vld [tilespmem:s26+$0x3250];
	v60 =	vperm.xlane v39, v1;
	v31 =	vadd.f32 v58, v31;
	v47 =	vadd.f32 v17, v28  }
0xf5: {  	v62 =	vmul.f32 v17, v17;
	v56 =	vld [tilespmem:s26+$0x3260];
	v28 =	vadd.f32 v54, v36;
	v36 =	vadd.f32 v55, v41  }
0xf6: {  	v54 =	vld [tilespmem:s26+$0x1260];
	v61 =	vperm.xlane v42, v0;
	v39 =	vadd.f32 v60, v39;
	v63 =	vperm.xlane v38, v1  }
0xf7: {  	v52 =	vmul.f32 v22, v22;
	v58 =	vld [tilespmem:s26+$0x1270];
	v31 =	vadd.f32 v62, v31;
	v47 =	vadd.f32 v22, v47  }
0xf8: {  	v62 =	vperm.xlane v36, v1;
	v42 =	vadd.f32 v61, v42;
	v38 =	vadd.f32 v63, v38  }
0xf9: {  	v45 =	vperm.xlane v39, v2;
	v33 =	vadd.f32 v53, v46;
	v48 =	vadd.f32 v52, v31  }
0xfa: {  	v61 =	vmul.f32 v30, v30;
	v31 =	vadd.f32 v40, v37;
	v36 =	vadd.f32 v62, v36  }
0xfb: {  	v46 =	vperm.xlane v42, v1;
	v39 =	vadd.f32 v45, v39;
	v50 =	vperm.xlane v38, v2  }
0xfc: {  	v52 =	vmul.f32 v28, v28;
	v35 =	vadd.f32 v56, v54;
	v34 =	vadd.f32 v59, v58  }
0xfd: {  	v59 =	vmul.f32 v29, v29;
	v49 =	vperm.xlane v36, v2;
	v41 =	vadd.f32 v46, v42  }
0xfe: {  	v51 =	vmul.f32 v31, v31;
	v53 =	vperm.xlane v39, v3;
	v38 =	vadd.f32 v50, v38  }
0xff: {  	v55 =	vadd.f32 v28, v31;
	v46 =	vmul.f32 v32, v32;
	v50 =	vmul.f32 v33, v33  }
0x100: {  	v36 =	vadd.f32 v49, v36;
	v54 =	vperm.xlane v41, v2;
	v42 =	vadd.f32 v52, v51  }
0x101: {  	v37 =	vadd.f32 v53, v39;
	v57 =	vperm.xlane v38, v3;
	v58 =	vadd.f32 v29, v55  }
0x102: {  	v51 =	vperm.xlane v47, v0;
	v53 =	vperm.xlane v48, v0;
	v40 =	vadd.f32 v54, v41  }
0x103: {  	v56 =	vperm.xlane v36, v3;
	v38 =	vadd.f32 v57, v38;
	v42 =	vadd.f32 v59, v42  }
0x104: {  	v37 =	vmul.f32 $7.812500000e-03, v37;
	v63 =	vadd.f32 v30, v58;
	v43 =	vadd.f32 v51, v47  }
0x105: {  	v55 =	vmul.f32 v35, v35;
	v36 =	vadd.f32 v56, v36;
	v45 =	vadd.f32 v61, v42  }
0x106: {  	v60 =	vperm.xlane v40, v3;
	v21 =	vsub.f32 v21, v37;
	v18 =	vsub.f32 v18, v37  }
0x107: {  	v62 =	vmul.f32 v37, v37;
	v19 =	vsub.f32 v19, v37;
	v16 =	vsub.f32 v16, v37  }
0x108: {  	v38 =	vmul.f32 $7.812500000e-03, v38;
	v20 =	vsub.f32 v20, v37;
	v24 =	vsub.f32 v24, v37  }
0x109: {  	v47 =	vperm.xlane v43, v1;
	v25 =	vsub.f32 v25, v37;
	v26 =	vsub.f32 v26, v37  }
0x10a: {  	v36 =	vmul.f32 $7.812500000e-03, v36;
	v39 =	vadd.f32 v60, v40;
	v40 =	vadd.f32 v32, v63  }
0x10b: {  	v49 =	vmul.f32 v38, v38;
	v41 =	vadd.f32 v46, v45;
	v45 =	vadd.f32 v53, v48  }
0x10c: {  	v43 =	vadd.f32 v47, v43;
	v36 =	vsub.f32 v36, v62;
	v39 =	vmul.f32 $7.812500000e-03, v39  }
0x10d: {  	v40 =	vadd.f32 v33, v40;
	v41 =	vadd.f32 v50, v41;
	v56 =	vperm.xlane v45, v1  }
0x10e: {  	v57 =	vperm.xlane v43, v2;
	v36 =	vadd.f32 $9.999999740e-06, v36;
	v39 =	vsub.f32 v39, v49  }
0x10f: {  	v58 =	vmul.f32 v34, v34;
	v40 =	vadd.f32 v35, v40;
	v41 =	vadd.f32 v55, v41  }
0x110: {  	v45 =	vadd.f32 v56, v45;
	v42 =	vadd.f32 v57, v43;
	v52 =	vshrl.u32 v36, $0x1  }
0x111: {  	v36 =	vmul.f32 $5.000000000e-01, v36;
	v39 =	vadd.f32 $9.999999740e-06, v39;
	v40 =	vadd.f32 v34, v40  }
0x112: {  	v59 =	vperm.xlane v45, v2;
	v61 =	vperm.xlane v42, v3;
	v44 =	vsub.s32 $0x5F3759DF, v52  }
0x113: {  	v41 =	vadd.f32 v58, v41;
	v36 =	vmul.f32 v44, v36;
	v60 =	vperm.xlane v40, v0  }
0x114: {  	v54 =	vshrl.u32 v39, $0x1;
	v39 =	vmul.f32 $5.000000000e-01, v39;
	v43 =	vadd.f32 v59, v45  }
0x115: {  	v62 =	vperm.xlane v41, v0;
	v46 =	vsub.s32 $0x5F3759DF, v54;
	v40 =	vadd.f32 v60, v40  }
0x116: {  	v42 =	vadd.f32 v61, v42;
	v39 =	vmul.f32 v46, v39;
	v36 =	vmul.f32 v44, v36  }
0x117: {  	v63 =	vperm.xlane v43, v3;
	v41 =	vadd.f32 v62, v41;
	v48 =	vperm.xlane v40, v1  }
0x118: {  	v15 =	vsub.f32 v15, v38;
	v42 =	vmul.f32 $7.812500000e-03, v42;
	v39 =	vmul.f32 v46, v39  }
0x119: {  	v36 =	vsub.f32 $1.500000000e+00, v36;
	v49 =	vperm.xlane v41, v1;
	v40 =	vadd.f32 v48, v40  }
0x11a: {  	v43 =	vadd.f32 v63, v43;
	v52 =	vmul.f32 v42, v42;
	v39 =	vsub.f32 $1.500000000e+00, v39  }
0x11b: {  	v36 =	vmul.f32 v44, v36;
	v41 =	vadd.f32 v49, v41;
	v50 =	vperm.xlane v40, v2  }
0x11c: {  	v54 =	vsub.f32 v27, v38;
	v51 =	vmul.f32 $7.812500000e-03, v43;
	v39 =	vmul.f32 v46, v39  }
0x11d: {  	v21 =	vmul.f32 v36, v21;
	v53 =	vperm.xlane v41, v2;
	v40 =	vadd.f32 v50, v40  }
0x11e: {  	v18 =	vmul.f32 v36, v18;
	v19 =	vmul.f32 v36, v19;
	v37 =	vsub.f32 v51, v52  }
0x11f: {  	v16 =	vmul.f32 v36, v16;
	[tilespmem:s26+$0x1080] =	vst v21;
	v41 =	vadd.f32 v53, v41;
	v55 =	vperm.xlane v40, v3  }
0x120: {  	v20 =	vmul.f32 v36, v20;
	v24 =	vmul.f32 v36, v24;
	[tilespmem:s26+$0x1090] =	vst v18;
	v58 =	vadd.f32 $9.999999740e-06, v37  }
0x121: {  	v56 =	vmul.f32 v36, v25;
	[tilespmem:s26+$0x10A0] =	vst v19;
	v61 =	vperm.xlane v41, v3;
	v60 =	vadd.f32 v55, v40  }
0x122: {  	v57 =	vmul.f32 v36, v26;
	[tilespmem:s26+$0x10B0] =	vst v16;
	v63 =	vshrl.u32 v58, $0x1;
	v26 =	vmul.f32 $5.000000000e-01, v58  }
0x123: {  	[tilespmem:s26+$0x10C0] =	vst v20;
	v36 =	vsub.s32 $0x5F3759DF, v63;
	v37 =	vadd.f32 v61, v41;
	v21 =	vmul.f32 $7.812500000e-03, v60  }
0x124: {  	v62 =	vsub.f32 v23, v38;
	v59 =	vmul.f32 v39, v54;
	[tilespmem:s26+$0x10D0] =	vst v24;
	v40 =	vmul.f32 v36, v26  }
0x125: {  	v12 =	vsub.f32 v12, v38;
	[tilespmem:s26+$0x10E0] =	vst v56;
	v41 =	vmul.f32 $7.812500000e-03, v37;
	v43 =	vmul.f32 v21, v21  }
0x126: {  	v13 =	vsub.f32 v13, v38;
	v9 =	vsub.f32 v9, v38;
	v16 =	vmul.f32 v39, v62;
	[tilespmem:s26+$0x10F0] =	vst v57  }
0x127: {  	v15 =	vmul.f32 v39, v15;
	[tilespmem:s26+$0x1100] =	vst v59;
	v24 =	vmul.f32 v36, v40;
	v18 =	vsub.f32 v41, v43  }
0x128: {  	v10 =	vsub.f32 v10, v38;
	v5 =	vsub.f32 v5, v38;
	v12 =	vmul.f32 v39, v12;
	[tilespmem:s26+$0x1110] =	vst v16  }
0x129: {  	v13 =	vmul.f32 v39, v13;
	[tilespmem:s26+$0x1120] =	vst v15;
	v44 =	vsub.f32 $1.500000000e+00, v24;
	v45 =	vadd.f32 $9.999999740e-06, v18  }
0x12a: {  	v7 =	vsub.f32 v7, v42;
	v9 =	vmul.f32 v39, v9;
	v10 =	vmul.f32 v39, v10;
	[tilespmem:s26+$0x1130] =	vst v12  }
0x12b: {  	[tilespmem:s26+$0x1140] =	vst v13;
	v46 =	vmul.f32 v36, v44;
	v47 =	vshrl.u32 v45, $0x1;
	v15 =	vmul.f32 $5.000000000e-01, v45  }
0x12c: {  	v4 =	vsub.f32 v4, v42;
	v5 =	vmul.f32 v39, v5;
	[tilespmem:s26+$0x1150] =	vst v9;
	v48 =	vsub.s32 $0x5F3759DF, v47  }
0x12d: {  	v6 =	vsub.f32 v6, v42;
	[tilespmem:s26+$0x1160] =	vst v10;
	v7 =	vmul.f32 v46, v7;
	v49 =	vmul.f32 v48, v15  }
0x12e: {  	[tilespmem:s26+$0x1170] =	vst v5;
	v5 =	vsub.f32 v8, v42;
	v4 =	vmul.f32 v46, v4  }
0x12f: {  	v50 =	vsub.f32 v11, v42;
	v6 =	vmul.f32 v46, v6;
	[tilespmem:s26+$0x1180] =	vst v7;
	v51 =	vmul.f32 v48, v49  }
0x130: {  	[tilespmem:s26+$0x1190] =	vst v4;
	v4 =	vmul.f32 v46, v5;
	v5 =	vsub.f32 v14, v42  }
0x131: {  	v53 =	vsub.f32 v17, v42;
	v52 =	vmul.f32 v46, v50;
	[tilespmem:s26+$0x11A0] =	vst v6;
	v8 =	vsub.f32 $1.500000000e+00, v51  }
0x132: {  	[tilespmem:s26+$0x11B0] =	vst v4;
	v4 =	vmul.f32 v46, v5;
	v5 =	vsub.f32 v22, v42  }
0x133: {  	v56 =	vsub.f32 v31, v21;
	v54 =	vmul.f32 v46, v53;
	[tilespmem:s26+$0x11C0] =	vst v52;
	v55 =	vmul.f32 v48, v8  }
0x134: {  	[tilespmem:s26+$0x11D0] =	vst v4;
	v4 =	vmul.f32 v46, v5;
	v5 =	vsub.f32 v28, v21  }
0x135: {  	v58 =	vsub.f32 v29, v21;
	[tilespmem:s26+$0x11E0] =	vst v54;
	v57 =	vmul.f32 v55, v56  }
0x136: {  	[tilespmem:s26+$0x11F0] =	vst v4;
	v4 =	vmul.f32 v55, v5;
	v5 =	vsub.f32 v30, v21  }
0x137: {  	v60 =	vsub.f32 v32, v21;
	v59 =	vmul.f32 v55, v58;
	[tilespmem:s26+$0x1200] =	vst v57  }
0x138: {  	[tilespmem:s26+$0x1210] =	vst v4;
	v4 =	vmul.f32 v55, v5;
	v5 =	vsub.f32 v33, v21  }
0x139: {  	p0 =	sne.s32 s25, $0x3800;
	v62 =	vsub.f32 v35, v21;
	v61 =	vmul.f32 v55, v60;
	[tilespmem:s26+$0x1220] =	vst v59  }
.Ltmp1:
0x13a: {  	[tilespmem:s26+$0x1230] =	vst v4;
	v4 =	vmul.f32 v55, v5;
	v5 =	vsub.f32 v34, v21;
	(pc) =	sbr.rel @p0 .LBB2_4-.Ltmp1, $4  }
0x13b: {  	v63 =	vmul.f32 v55, v62;
	[tilespmem:s26+$0x1240] =	vst v61  }
0x13c: {  	[tilespmem:s26+$0x1250] =	vst v4;
	v4 =	vmul.f32 v55, v5  }
0x13d: {  	[tilespmem:s26+$0x1260] =	vst v63  }
0x13e: {  	s25 =	sadd.s32 $0x800, s25;
	[tilespmem:s26+$0x1270] =	vst v4  }
0x13f: {  	[hbm4b:s10+s2] =	stream.linear.scatter [tilespmem:s18], [sflag:$0x4], $0x1000, $0x38;
	[tilespmem:$0x4080] =	vst v63  }
0x140: {  	_ = 	snop  }
0x141: {  	[hbm4b:s11+s2] =	stream.linear.scatter [tilespmem:s18], [sflag:$0x4], $0x1000, $0x38;
	[tilespmem:$0x4080] =	vst v63  }
0x142: {  	_ = 	snop  }
0x143: {  	[hbm4b:s12+s2] =	stream.linear.scatter [tilespmem:s18], [sflag:$0x4], $0x1000, $0x38;
	[tilespmem:$0x4080] =	vst v63  }
0x144: {  	_ = 	snop  }
0x145: {  	[hbm4b:s13+s2] =	stream.linear.scatter [tilespmem:s18], [sflag:$0x4], $0x1000, $0x38;
	[tilespmem:$0x4080] =	vst v63  }
0x146: {  	_ =	swait.ge [sflag:s23], $0x1000  }
0x147: {  	[sflag:s23] =	ssyncset.done $0x0  }
0x148: {  	[sflag:s23] =	ssyncadd.s32 $0xFFFFF000  }
0x149: {  	_ =	swait.ge [sflag:s23], $0x1000  }
0x14a: {  	[sflag:s23] =	ssyncset.done $0x0  }
0x14b: {  	[sflag:s23] =	ssyncadd.s32 $0xFFFFF000  }
0x14c: {  	_ =	swait.ge [sflag:s23], $0x1000  }
0x14d: {  	[sflag:s23] =	ssyncset.done $0x0  }
0x14e: {  	[sflag:s23] =	ssyncadd.s32 $0xFFFFF000  }
0x14f: {  	_ =	swait.ge [sflag:s23], $0x1000  }
0x150: {  	[sflag:s23] =	ssyncset.done $0x0  }
0x151: {  	[sflag:s23] =	ssyncadd.s32 $0xFFFFF000  }
0x152: {  	_ =	swait.ge [sflag:s23], $0x1000  }
0x153: {  	[sflag:s23] =	ssyncset.done $0x0  }
0x154: {  	[sflag:s23] =	ssyncadd.s32 $0xFFFFF000  }
0x155: {  	_ =	swait.ge [sflag:s23], $0x1000  }
0x156: {  	[sflag:s23] =	ssyncset.done $0x0  }
0x157: {  	s24 =	sadd.s32 $0x1, s24;
	[sflag:s23] =	ssyncadd.s32 $0xFFFFF000  }
0x158: {  	p0 =	sne.s32 s24, s14;
	_ =	swait.ge [sflag:s23], $0x1000  }
.Ltmp2:
0x159: {  	[sflag:s23] =	ssyncset.done $0x0;
	(pc) =	sbr.rel @p0 .LBB2_1-.Ltmp2, $4  }
0x15a: {  	[sflag:s23] =	ssyncadd.s32 $0xFFFFF000  }
0x15b: {  	_ =	swait.ge [sflag:s23], $0x1000  }
0x15c: {  	[sflag:s23] =	ssyncset.done $0x0  }
0x15d: {  	[sflag:s23] =	ssyncadd.s32 $0xFFFFF000  }
0x15e: {  	_ =	sfence.sel $0x180000  }
0x15f: {  	[bflag:$0x0] =	sbarrier.arrive $0xFFFF  }
0x160: {  	p0 =	sne.s32 s1, $0x0;
	_ =	strace $0x90000047  }
0x161: {  	s0 =	sadd.s32 @!p0 $0x100000, s3;
	[bflag:$0x2] =	sbarrier.arrive $0xFFFF  }
0x162: {  	[sflag:s0] =	ssyncadd.tile.s32 @!p0 $0x1;
	_ =	shalt  }
.Lfunc_end2:
_tile_overlayer_lowered:
.L_overlay_start_2:
0x163: {  	(tag) =	ssettag $0x2  }
0x164: {  	s0 =	rddreg [dreg:$0x0];
	s2 =	stileid.u32  }
0x165: {  	s1 =	rddreg [dreg:$0x1];
	p0 =	sne.s32 s2, $0x0  }
0x166: {  	s3 =	rddreg [dreg:$0x2];
	[bflag:$0x3] =	sbarrier.arrive $0xFFFF;
	s2 =	simm.s32 @!p0 $0x1C05  }
0x167: {  	[timem:s3], [sflag:s2] =	dma.local @!p0 [hbm:s0], s1  }
0x168: {  	s0 =	simm.s32 @!p0 $0x5  }
0x169: {  	_ =	swait.ge @!p0 [sflag:s0], s1  }
0x16a: {  	s1 =	ssub.s32 @!p0 $0x0, s1;
	[sflag:s0] =	ssyncset.done @!p0 $0x0  }
0x16b: {  	[sflag:s0] =	ssyncadd.s32 @!p0 s1  }
0x16c: {  	[bflag:$0x3] =	sbarrier.arrive $0xFFFF  }
0x16d: {  	_ =	shalt  }

</sc_bundles>
